<compile_context>
chip_gen: v7x
topology: tpu7x:2x2x1
jax: 0.10.2.dev20260603
libtpu: 0.0.44.dev20260713+nightly
codegen_flags: <defaults>
</compile_context>

<pallas_src>
import functools

import jax
import jax.numpy as jnp
from jax import lax
from jax.experimental import pallas as pl
from jax.experimental.pallas import tpu as pltpu
from jax.experimental.pallas import tpu_sc as plsc

NC = 2
NS = 16
NW = NC * NS
CHUNK = 128


def _make_lookup(T, B0, V, D):
    B = T * B0
    DG, DR, BL = D // 8, 8, 128
    NBC = B0 // BL
    b_per_w = B // NW
    n_chunks = b_per_w // CHUNK
    NBUF = 4
    OBUF = 2

    mesh = plsc.VectorSubcoreMesh(
        core_axis_name="c", subcore_axis_name="s", num_cores=NC, num_subcores=NS
    )

    @functools.partial(
        pl.kernel,
        mesh=mesh,
        out_type=jax.ShapeDtypeStruct((T * DG * NBC * DR * BL,), jnp.float32),
        scratch_types=[
            pltpu.VMEM((b_per_w,), jnp.int32),
            pltpu.VMEM((b_per_w,), jnp.int32),
            [pltpu.VMEM((CHUNK, 4 * D), jnp.float32) for _ in range(NBUF)],
            [pltpu.VMEM((DG * DR * BL,), jnp.float32) for _ in range(OBUF)],
            [pltpu.SemaphoreType.DMA for _ in range(NBUF)],
            [pltpu.SemaphoreType.DMA for _ in range(OBUF)],
        ],
        compiler_params=pltpu.CompilerParams(
            use_tc_tiling_on_sc=True, needs_layout_passes=False
        ),
    )
    def lookup(ids_hbm, table_hbm, out_hbm, idx_v, idx2_v, rows, obufs, gsems, wsems):
        wid = lax.axis_index("s") * NC + lax.axis_index("c")
        base = wid * b_per_w
        c0 = wid * n_chunks
        pltpu.sync_copy(ids_hbm.at[pl.ds(base, b_per_w)], idx_v)

        @plsc.parallel_loop(0, b_per_w // 16, 1, unroll=8)
        def _(i):
            w = idx_v[pl.ds(i * 16, 16)]
            idx2_v[pl.ds(i * 16, 16)] = lax.shift_right_logical(w, 2)
            idx_v[pl.ds(i * 16, 16)] = (w & 3) * D

        def gather(j, b):
            pltpu.async_copy(
                table_hbm.at[idx2_v.at[pl.ds(j * CHUNK, CHUNK)]], rows[b], gsems[b]
            )

        def wait_gather(j, b):
            pltpu.make_async_copy(
                table_hbm.at[idx2_v.at[pl.ds(j * CHUNK, CHUNK)]], rows[b], gsems[b]
            ).wait()

        TB = DR * BL

        def _piece(j, dg):
            c = c0 + j
            t = c // NBC
            bc = lax.rem(c, NBC)
            return (t * (DG * NBC) + dg * NBC + bc) * TB

        def wb(j, ob):
            for dg in range(DG):
                pltpu.async_copy(
                    obufs[ob].at[pl.ds(dg * TB, TB)],
                    out_hbm.at[pl.ds(_piece(j, dg), TB)],
                    wsems[ob],
                )

        def wait_wb(j, ob):
            for dg in range(DG):
                pltpu.make_async_copy(
                    obufs[ob].at[pl.ds(dg * TB, TB)],
                    out_hbm.at[pl.ds(_piece(j, dg), TB)],
                    wsems[ob],
                ).wait()

        iota16 = lax.iota(jnp.int32, 16)
        zero16 = jnp.zeros((16,), dtype=jnp.int32)

        def transpose(j, b, ob):
            src = rows[b]
            dst = obufs[ob]
            j0 = j * CHUNK

            @plsc.parallel_loop(0, D * (BL // 16), 1, unroll=32)
            def _(i):
                d = i // 8
                g = i % 8
                woff = idx_v[pl.ds(j0 + g * 16, 16)]
                v = plsc.load_gather(src, [iota16 + g * 16, woff + d])
                dbase = (d // DR) * TB + lax.rem(d, DR) * BL + g * 16
                plsc.store_scatter(dst, [iota16 + dbase], v)

        for j0 in range(3):
            gather(j0, j0)

        def body(i, carry):
            for u in range(4):
                j = i * 4 + u
                b = u
                ob = u % OBUF

                @pl.when(j >= OBUF)
                def _():
                    wait_wb(j - OBUF, ob)

                wait_gather(j, b)
                transpose(j, b, ob)
                wb(j, ob)

                @pl.when(j + 3 < n_chunks)
                def _():
                    gather(j + 3, (u + 3) % NBUF)

            return carry

        lax.fori_loop(0, n_chunks // 4, body, 0)

        wait_wb(n_chunks - 2, (n_chunks - 2) % OBUF)
        wait_wb(n_chunks - 1, (n_chunks - 1) % OBUF)

    return lookup


def kernel(enum_ids, table):
    B0, T = enum_ids.shape
    V, D = table.shape
    ids = enum_ids.T.reshape(T * B0).astype(jnp.int32)
    table4 = table.reshape(V // 4, 4 * D)
    out1 = _make_lookup(T, B0, V, D)(ids, table4)
    out5 = out1.reshape(T, D // 8, B0 // 128, 8, 128)
    return out5.transpose(2, 4, 0, 1, 3).reshape(B0, T, D)

# --- scband reference (transcript-rebuilt; emitter-appended) ---
"""Pipeline reference for scband-enum-embedding-32323923870179 (READ-ONLY COPY).

The authoritative reference and input builder live on the scoring server;
editing this copy changes nothing except your own understanding.
"""

import jax, jax.numpy as jnp
import numpy as np

VOC_DIM = 1000000
EMB_DIM = 32
PAD_IDX = 0

def setup_inputs(seed: int = 0) -> dict:
    key = jax.random.key(seed)
    k1, k2 = jax.random.split(key)
    enum_ids = jax.random.randint(k1, (16384, 50), 0, VOC_DIM, dtype=jnp.int64)
    table = jax.random.normal(k2, (VOC_DIM, EMB_DIM), dtype=jnp.float32) * 0.02
    # padding_idx row is zero, matching torch.nn.Embedding(padding_idx=...)
    table = table.at[PAD_IDX].set(0.0)
    return {"enum_ids": enum_ids, "table": table}

def reference(enum_ids, table):
    # Equivalent of torch.nn.Embedding lookup: out[b, t, :] = table[enum_ids[b, t], :]
    return jnp.take(table, enum_ids, axis=0)

if __name__ == "__main__":
    import jax
    _d = setup_inputs()
    print(jax.jit(kernel)(*tuple(_d.values())))

</pallas_src>

<mosaic_0001>
#map = affine_map<(d0, d1) -> (0)>
#map1 = affine_map<(d0, d1) -> (0, 0)>
module attributes {stable_mosaic.version = 14 : i64} {
  func.func @lookup(%arg0: i32, %arg1: i32, %arg2: memref<819200xi32, #tpu.memory_space<hbm>>, %arg3: memref<250000x128xf32, #tpu.memory_space<hbm>>, %arg4: memref<26214400xf32, #tpu.memory_space<hbm>>, %arg5: memref<25600xi32, #tpu.memory_space<vmem>>, %arg6: memref<25600xi32, #tpu.memory_space<vmem>>, %arg7: memref<128x128xf32, #tpu.memory_space<vmem>>, %arg8: memref<128x128xf32, #tpu.memory_space<vmem>>, %arg9: memref<128x128xf32, #tpu.memory_space<vmem>>, %arg10: memref<128x128xf32, #tpu.memory_space<vmem>>, %arg11: memref<4096xf32, #tpu.memory_space<vmem>>, %arg12: memref<4096xf32, #tpu.memory_space<vmem>>, %arg13: memref<!tpu.dma_semaphore, #tpu.memory_space<semaphore_mem>>, %arg14: memref<!tpu.dma_semaphore, #tpu.memory_space<semaphore_mem>>, %arg15: memref<!tpu.dma_semaphore, #tpu.memory_space<semaphore_mem>>, %arg16: memref<!tpu.dma_semaphore, #tpu.memory_space<semaphore_mem>>, %arg17: memref<!tpu.dma_semaphore, #tpu.memory_space<semaphore_mem>>, %arg18: memref<!tpu.dma_semaphore, #tpu.memory_space<semaphore_mem>>) attributes {dimension_semantics = [#tpu.dimension_semantics<core_parallel>, #tpu.dimension_semantics<subcore_parallel>], iteration_bounds = array<i64: 2, 16>, scalar_prefetch = 0 : i64, scratch_operands = 14 : i64, tpu.core_type = #tpu.core_type<sc_vector_subcore>, window_params = [{transform_indices = #map}, {transform_indices = #map1}, {transform_indices = #map}]} {
    %mul3A = arith.constant 2 : i32
    %mul3A_0 = arith.muli %arg1, %mul3A : i32
    %add3A = arith.addi %mul3A_0, %arg0 : i32
    %mul3A_1 = arith.constant 25600 : i32
    %mul3A_2 = arith.muli %add3A, %mul3A_1 : i32
    %mul3A_3 = arith.constant 200 : i32
    %mul3A_4 = arith.muli %add3A, %mul3A_3 : i32
    "tpu.region"() ({
      %run_scoped3A = tpu.sem_alloc : memref<!tpu.dma_semaphore, #tpu.memory_space<semaphore_mem>>
      %dma_start3A_346 = tpu.memref_slice %arg2[%mul3A_2] : memref<819200xi32, #tpu.memory_space<hbm>> -> memref<25600xi32, #tpu.memory_space<hbm>>
      %dma_start3A_347 = tpu.memref_slice %arg2[%mul3A_2] : memref<819200xi32, #tpu.memory_space<hbm>> -> memref<25600xi32, #tpu.memory_space<hbm>>
      tpu.enqueue_dma source(%dma_start3A_347 : memref<25600xi32, #tpu.memory_space<hbm>>) target(%arg5 : memref<25600xi32, #tpu.memory_space<vmem>>) target_semaphore(%run_scoped3A : memref<!tpu.dma_semaphore, #tpu.memory_space<semaphore_mem>>)
      %dma_wait3A_348 = tpu.memref_slice %arg2[%mul3A_2] : memref<819200xi32, #tpu.memory_space<hbm>> -> memref<25600xi32, #tpu.memory_space<hbm>>
      %dma_wait3A_349 = tpu.memref_slice %arg2[%mul3A_2] : memref<819200xi32, #tpu.memory_space<hbm>> -> memref<25600xi32, #tpu.memory_space<hbm>>
      tpu.wait_dma2 semaphore(%run_scoped3A : memref<!tpu.dma_semaphore, #tpu.memory_space<semaphore_mem>>) src(%dma_wait3A_349 : memref<25600xi32, #tpu.memory_space<hbm>>) dst(%arg5 : memref<25600xi32, #tpu.memory_space<vmem>>)
      tpu.yield
    }) : () -> ()
    %parallel_loop3A = arith.constant 0 : i32
    %parallel_loop3A_5 = arith.constant 1600 : i32
    %parallel_loop3A_6 = arith.constant 1 : i32
    scf.for %parallel_loop3A_346 = %parallel_loop3A to %parallel_loop3A_5 step %parallel_loop3A_6  : i32 {
      %parallel_loop3A_347 = arith.constant 16 : i32
      %parallel_loop3A_348 = arith.muli %parallel_loop3A_346, %parallel_loop3A_347 : i32
      %parallel_loop3A_349 = arith.index_cast %parallel_loop3A_348 : i32 to index
      %parallel_loop3A_350 = tpu.vector_load %arg5[%parallel_loop3A_349] {strides = array<i32>} : memref<25600xi32, #tpu.memory_space<vmem>>, vector<16xi32>,
      %parallel_loop3A_351 = arith.constant 2 : i32
      %parallel_loop3A_352 = vector.broadcast %parallel_loop3A_351 : i32 to vector<16xi32>
      %parallel_loop3A_353 = arith.shrui %parallel_loop3A_350, %parallel_loop3A_352 : vector<16xi32>
      %parallel_loop3A_354 = arith.constant 16 : i32
      %parallel_loop3A_355 = arith.muli %parallel_loop3A_346, %parallel_loop3A_354 : i32
      %parallel_loop3A_356 = arith.index_cast %parallel_loop3A_355 : i32 to index
      %parallel_loop3A_357 = tpu.vector_load %arg6[%parallel_loop3A_356] {strides = array<i32>} : memref<25600xi32, #tpu.memory_space<vmem>>, vector<16xi32>,
      tpu.vector_store %arg6[%parallel_loop3A_356], %parallel_loop3A_353 {strides = array<i32>} : memref<25600xi32, #tpu.memory_space<vmem>>, vector<16xi32>,
      %parallel_loop3A_358 = arith.constant 3 : i32
      %parallel_loop3A_359 = vector.broadcast %parallel_loop3A_358 : i32 to vector<16xi32>
      %parallel_loop3A_360 = arith.andi %parallel_loop3A_350, %parallel_loop3A_359 : vector<16xi32>
      %parallel_loop3A_361 = arith.constant 32 : i32
      %parallel_loop3A_362 = vector.broadcast %parallel_loop3A_361 : i32 to vector<16xi32>
      %parallel_loop3A_363 = arith.muli %parallel_loop3A_360, %parallel_loop3A_362 : vector<16xi32>
      %parallel_loop3A_364 = arith.constant 16 : i32
      %parallel_loop3A_365 = arith.muli %parallel_loop3A_346, %parallel_loop3A_364 : i32
      %parallel_loop3A_366 = arith.index_cast %parallel_loop3A_365 : i32 to index
      %parallel_loop3A_367 = tpu.vector_load %arg5[%parallel_loop3A_366] {strides = array<i32>} : memref<25600xi32, #tpu.memory_space<vmem>>, vector<16xi32>,
      tpu.vector_store %arg5[%parallel_loop3A_366], %parallel_loop3A_363 {strides = array<i32>} : memref<25600xi32, #tpu.memory_space<vmem>>, vector<16xi32>,
    } {sc.loop_unroll_factor = 8 : i64, sc.parallel_access}
    %iota3A = tpu.iota {dimensions = array<i32: 0>} : vector<16xi32>
    %broadcast_in_dim3A = arith.constant 0 : i32
    %broadcast_in_dim3A_7 = vector.broadcast %broadcast_in_dim3A : i32 to vector<16xi32>
    %dma_start3A = arith.constant 0 : i32
    %dma_start3A_8 = tpu.memref_slice %arg6[%dma_start3A] : memref<25600xi32, #tpu.memory_space<vmem>> -> memref<128xi32, #tpu.memory_space<vmem>>
    %dma_start3A_9 = arith.constant 0 : i32
    %dma_start3A_10 = arith.constant 0 : i32
    %dma_start3A_11 = tpu.memref_slice %arg3[%dma_start3A_9, %dma_start3A_10] : memref<250000x128xf32, #tpu.memory_space<hbm>> -> memref<250000x128xf32, #tpu.memory_space<hbm>>
    tpu.enqueue_indirect_dma source(%dma_start3A_11 : memref<250000x128xf32, #tpu.memory_space<hbm>>) target(%arg7 : memref<128x128xf32, #tpu.memory_space<vmem>>) offsets(%dma_start3A_8 : memref<128xi32, #tpu.memory_space<vmem>>) semaphore(%arg13 : memref<!tpu.dma_semaphore, #tpu.memory_space<semaphore_mem>>)
    %dma_start3A_12 = arith.constant 128 : i32
    %dma_start3A_13 = tpu.memref_slice %arg6[%dma_start3A_12] : memref<25600xi32, #tpu.memory_space<vmem>> -> memref<128xi32, #tpu.memory_space<vmem>>
    %dma_start3A_14 = arith.constant 0 : i32
    %dma_start3A_15 = arith.constant 0 : i32
    %dma_start3A_16 = tpu.memref_slice %arg3[%dma_start3A_14, %dma_start3A_15] : memref<250000x128xf32, #tpu.memory_space<hbm>> -> memref<250000x128xf32, #tpu.memory_space<hbm>>
    tpu.enqueue_indirect_dma source(%dma_start3A_16 : memref<250000x128xf32, #tpu.memory_space<hbm>>) target(%arg8 : memref<128x128xf32, #tpu.memory_space<vmem>>) offsets(%dma_start3A_13 : memref<128xi32, #tpu.memory_space<vmem>>) semaphore(%arg14 : memref<!tpu.dma_semaphore, #tpu.memory_space<semaphore_mem>>)
    %dma_start3A_17 = arith.constant 256 : i32
    %dma_start3A_18 = tpu.memref_slice %arg6[%dma_start3A_17] : memref<25600xi32, #tpu.memory_space<vmem>> -> memref<128xi32, #tpu.memory_space<vmem>>
    %dma_start3A_19 = arith.constant 0 : i32
    %dma_start3A_20 = arith.constant 0 : i32
    %dma_start3A_21 = tpu.memref_slice %arg3[%dma_start3A_19, %dma_start3A_20] : memref<250000x128xf32, #tpu.memory_space<hbm>> -> memref<250000x128xf32, #tpu.memory_space<hbm>>
    tpu.enqueue_indirect_dma source(%dma_start3A_21 : memref<250000x128xf32, #tpu.memory_space<hbm>>) target(%arg9 : memref<128x128xf32, #tpu.memory_space<vmem>>) offsets(%dma_start3A_18 : memref<128xi32, #tpu.memory_space<vmem>>) semaphore(%arg15 : memref<!tpu.dma_semaphore, #tpu.memory_space<semaphore_mem>>)
    %scan3A = arith.constant 0 : i32
    %scan3A_22 = arith.constant 0 : i32
    %scan3A_23 = arith.constant 50 : i32
    %scan3A_24 = arith.addi %scan3A_22, %scan3A_23 : i32
    %scan3A_25 = arith.constant 1 : i32
    scf.for %scan3A_346 = %scan3A_22 to %scan3A_24 step %scan3A_25  : i32 {
      %mul3A_347 = arith.constant 4 : i32
      %mul3A_348 = arith.muli %scan3A_346, %mul3A_347 : i32
      %add3A_349 = arith.constant 0 : i32
      %add3A_350 = arith.addi %mul3A_348, %add3A_349 : i32
      %ge3A = arith.constant 2 : i32
      %ge3A_351 = arith.cmpi sge, %add3A_350, %ge3A : i32
      %convert_element_type3A = arith.extui %ge3A_351 : i1 to i32
      %cond3A = arith.constant 0 : i32
      %cond3A_352 = arith.cmpi ne, %convert_element_type3A, %cond3A : i32
      scf.if %cond3A_352 {
        %sub3A_1091 = arith.constant 2 : i32
        %sub3A_1092 = arith.subi %add3A_350, %sub3A_1091 : i32
        %add3A_1093 = arith.addi %mul3A_4, %sub3A_1092 : i32
        %jit3A_1094 = arith.constant 128 : i32
        %div3A_1095 = arith.divsi %add3A_1093, %jit3A_1094 : i32
        %sign3A_1096 = arith.constant 0 : i32
        %sign3A_1097 = arith.cmpi sgt, %add3A_1093, %sign3A_1096 : i32
        %sign3A_1098 = arith.extui %sign3A_1097 : i1 to i32
        %sign3A_1099 = arith.constant 0 : i32
        %sign3A_1100 = arith.cmpi slt, %add3A_1093, %sign3A_1099 : i32
        %sign3A_1101 = arith.extui %sign3A_1100 : i1 to i32
        %sign3A_1102 = arith.subi %sign3A_1098, %sign3A_1101 : i32
        %sign3A_1103 = arith.constant 0 : i32
        %sign3A_1104 = arith.cmpi sgt, %jit3A_1094, %sign3A_1103 : i32
        %sign3A_1105 = arith.extui %sign3A_1104 : i1 to i32
        %sign3A_1106 = arith.constant 0 : i32
        %sign3A_1107 = arith.cmpi slt, %jit3A_1094, %sign3A_1106 : i32
        %sign3A_1108 = arith.extui %sign3A_1107 : i1 to i32
        %sign3A_1109 = arith.subi %sign3A_1105, %sign3A_1108 : i32
        %ne3A_1110 = arith.cmpi ne, %sign3A_1102, %sign3A_1109 : i32
        %rem3A_1111 = arith.remsi %add3A_1093, %jit3A_1094 : i32
        %ne3A_1112 = arith.constant 0 : i32
        %ne3A_1113 = arith.cmpi ne, %rem3A_1111, %ne3A_1112 : i32
        %and3A_1114 = arith.andi %ne3A_1110, %ne3A_1113 : i1
        %sub3A_1115 = arith.constant 1 : i32
        %sub3A_1116 = arith.subi %div3A_1095, %sub3A_1115 : i32
        %select_n3A_1117 = arith.select %and3A_1114, %sub3A_1116, %div3A_1095 : i32
        %rem3A_1118 = arith.constant 128 : i32
        %rem3A_1119 = arith.remsi %add3A_1093, %rem3A_1118 : i32
        %mul3A_1120 = arith.constant 512 : i32
        %mul3A_1121 = arith.muli %select_n3A_1117, %mul3A_1120 : i32
        %add3A_1122 = arith.constant 0 : i32
        %add3A_1123 = arith.addi %mul3A_1121, %add3A_1122 : i32
        %add3A_1124 = arith.addi %add3A_1123, %rem3A_1119 : i32
        %mul3A_1125 = arith.constant 1024 : i32
        %mul3A_1126 = arith.muli %add3A_1124, %mul3A_1125 : i32
        %dma_wait3A_1127 = arith.constant 0 : i32
        %dma_wait3A_1128 = tpu.memref_slice %arg11[%dma_wait3A_1127] : memref<4096xf32, #tpu.memory_space<vmem>> -> memref<1024xf32, #tpu.memory_space<vmem>>
        %dma_wait3A_1129 = tpu.memref_slice %arg4[%mul3A_1126] : memref<26214400xf32, #tpu.memory_space<hbm>> -> memref<1024xf32, #tpu.memory_space<hbm>>
        %dma_wait3A_1130 = tpu.memref_slice %arg4[%mul3A_1126] : memref<26214400xf32, #tpu.memory_space<hbm>> -> memref<1024xf32, #tpu.memory_space<hbm>>
        %dma_wait3A_1131 = arith.constant 0 : i32
        %dma_wait3A_1132 = tpu.memref_slice %arg11[%dma_wait3A_1131] : memref<4096xf32, #tpu.memory_space<vmem>> -> memref<1024xf32, #tpu.memory_space<vmem>>
        tpu.wait_dma2 semaphore(%arg17 : memref<!tpu.dma_semaphore, #tpu.memory_space<semaphore_mem>>) src(%dma_wait3A_1132 : memref<1024xf32, #tpu.memory_space<vmem>>) dst(%dma_wait3A_1130 : memref<1024xf32, #tpu.memory_space<hbm>>)
        %add3A_1133 = arith.addi %mul3A_4, %sub3A_1092 : i32
        %jit3A_1134 = arith.constant 128 : i32
        %div3A_1135 = arith.divsi %add3A_1133, %jit3A_1134 : i32
        %sign3A_1136 = arith.constant 0 : i32
        %sign3A_1137 = arith.cmpi sgt, %add3A_1133, %sign3A_1136 : i32
        %sign3A_1138 = arith.extui %sign3A_1137 : i1 to i32
        %sign3A_1139 = arith.constant 0 : i32
        %sign3A_1140 = arith.cmpi slt, %add3A_1133, %sign3A_1139 : i32
        %sign3A_1141 = arith.extui %sign3A_1140 : i1 to i32
        %sign3A_1142 = arith.subi %sign3A_1138, %sign3A_1141 : i32
        %sign3A_1143 = arith.constant 0 : i32
        %sign3A_1144 = arith.cmpi sgt, %jit3A_1134, %sign3A_1143 : i32
        %sign3A_1145 = arith.extui %sign3A_1144 : i1 to i32
        %sign3A_1146 = arith.constant 0 : i32
        %sign3A_1147 = arith.cmpi slt, %jit3A_1134, %sign3A_1146 : i32
        %sign3A_1148 = arith.extui %sign3A_1147 : i1 to i32
        %sign3A_1149 = arith.subi %sign3A_1145, %sign3A_1148 : i32
        %ne3A_1150 = arith.cmpi ne, %sign3A_1142, %sign3A_1149 : i32
        %rem3A_1151 = arith.remsi %add3A_1133, %jit3A_1134 : i32
        %ne3A_1152 = arith.constant 0 : i32
        %ne3A_1153 = arith.cmpi ne, %rem3A_1151, %ne3A_1152 : i32
        %and3A_1154 = arith.andi %ne3A_1150, %ne3A_1153 : i1
        %sub3A_1155 = arith.constant 1 : i32
        %sub3A_1156 = arith.subi %div3A_1135, %sub3A_1155 : i32
        %select_n3A_1157 = arith.select %and3A_1154, %sub3A_1156, %div3A_1135 : i32
        %rem3A_1158 = arith.constant 128 : i32
        %rem3A_1159 = arith.remsi %add3A_1133, %rem3A_1158 : i32
        %mul3A_1160 = arith.constant 512 : i32
        %mul3A_1161 = arith.muli %select_n3A_1157, %mul3A_1160 : i32
        %add3A_1162 = arith.constant 128 : i32
        %add3A_1163 = arith.addi %mul3A_1161, %add3A_1162 : i32
        %add3A_1164 = arith.addi %add3A_1163, %rem3A_1159 : i32
        %mul3A_1165 = arith.constant 1024 : i32
        %mul3A_1166 = arith.muli %add3A_1164, %mul3A_1165 : i32
        %dma_wait3A_1167 = arith.constant 1024 : i32
        %dma_wait3A_1168 = tpu.memref_slice %arg11[%dma_wait3A_1167] : memref<4096xf32, #tpu.memory_space<vmem>> -> memref<1024xf32, #tpu.memory_space<vmem>>
        %dma_wait3A_1169 = tpu.memref_slice %arg4[%mul3A_1166] : memref<26214400xf32, #tpu.memory_space<hbm>> -> memref<1024xf32, #tpu.memory_space<hbm>>
        %dma_wait3A_1170 = tpu.memref_slice %arg4[%mul3A_1166] : memref<26214400xf32, #tpu.memory_space<hbm>> -> memref<1024xf32, #tpu.memory_space<hbm>>
        %dma_wait3A_1171 = arith.constant 1024 : i32
        %dma_wait3A_1172 = tpu.memref_slice %arg11[%dma_wait3A_1171] : memref<4096xf32, #tpu.memory_space<vmem>> -> memref<1024xf32, #tpu.memory_space<vmem>>
        tpu.wait_dma2 semaphore(%arg17 : memref<!tpu.dma_semaphore, #tpu.memory_space<semaphore_mem>>) src(%dma_wait3A_1172 : memref<1024xf32, #tpu.memory_space<vmem>>) dst(%dma_wait3A_1170 : memref<1024xf32, #tpu.memory_space<hbm>>)
        %add3A_1173 = arith.addi %mul3A_4, %sub3A_1092 : i32
        %jit3A_1174 = arith.constant 128 : i32
        %div3A_1175 = arith.divsi %add3A_1173, %jit3A_1174 : i32
        %sign3A_1176 = arith.constant 0 : i32
        %sign3A_1177 = arith.cmpi sgt, %add3A_1173, %sign3A_1176 : i32
        %sign3A_1178 = arith.extui %sign3A_1177 : i1 to i32
        %sign3A_1179 = arith.constant 0 : i32
        %sign3A_1180 = arith.cmpi slt, %add3A_1173, %sign3A_1179 : i32
        %sign3A_1181 = arith.extui %sign3A_1180 : i1 to i32
        %sign3A_1182 = arith.subi %sign3A_1178, %sign3A_1181 : i32
        %sign3A_1183 = arith.constant 0 : i32
        %sign3A_1184 = arith.cmpi sgt, %jit3A_1174, %sign3A_1183 : i32
        %sign3A_1185 = arith.extui %sign3A_1184 : i1 to i32
        %sign3A_1186 = arith.constant 0 : i32
        %sign3A_1187 = arith.cmpi slt, %jit3A_1174, %sign3A_1186 : i32
        %sign3A_1188 = arith.extui %sign3A_1187 : i1 to i32
        %sign3A_1189 = arith.subi %sign3A_1185, %sign3A_1188 : i32
        %ne3A_1190 = arith.cmpi ne, %sign3A_1182, %sign3A_1189 : i32
        %rem3A_1191 = arith.remsi %add3A_1173, %jit3A_1174 : i32
        %ne3A_1192 = arith.constant 0 : i32
        %ne3A_1193 = arith.cmpi ne, %rem3A_1191, %ne3A_1192 : i32
        %and3A_1194 = arith.andi %ne3A_1190, %ne3A_1193 : i1
        %sub3A_1195 = arith.constant 1 : i32
        %sub3A_1196 = arith.subi %div3A_1175, %sub3A_1195 : i32
        %select_n3A_1197 = arith.select %and3A_1194, %sub3A_1196, %div3A_1175 : i32
        %rem3A_1198 = arith.constant 128 : i32
        %rem3A_1199 = arith.remsi %add3A_1173, %rem3A_1198 : i32
        %mul3A_1200 = arith.constant 512 : i32
        %mul3A_1201 = arith.muli %select_n3A_1197, %mul3A_1200 : i32
        %add3A_1202 = arith.constant 256 : i32
        %add3A_1203 = arith.addi %mul3A_1201, %add3A_1202 : i32
        %add3A_1204 = arith.addi %add3A_1203, %rem3A_1199 : i32
        %mul3A_1205 = arith.constant 1024 : i32
        %mul3A_1206 = arith.muli %add3A_1204, %mul3A_1205 : i32
        %dma_wait3A_1207 = arith.constant 2048 : i32
        %dma_wait3A_1208 = tpu.memref_slice %arg11[%dma_wait3A_1207] : memref<4096xf32, #tpu.memory_space<vmem>> -> memref<1024xf32, #tpu.memory_space<vmem>>
        %dma_wait3A_1209 = tpu.memref_slice %arg4[%mul3A_1206] : memref<26214400xf32, #tpu.memory_space<hbm>> -> memref<1024xf32, #tpu.memory_space<hbm>>
        %dma_wait3A_1210 = tpu.memref_slice %arg4[%mul3A_1206] : memref<26214400xf32, #tpu.memory_space<hbm>> -> memref<1024xf32, #tpu.memory_space<hbm>>
        %dma_wait3A_1211 = arith.constant 2048 : i32
        %dma_wait3A_1212 = tpu.memref_slice %arg11[%dma_wait3A_1211] : memref<4096xf32, #tpu.memory_space<vmem>> -> memref<1024xf32, #tpu.memory_space<vmem>>
        tpu.wait_dma2 semaphore(%arg17 : memref<!tpu.dma_semaphore, #tpu.memory_space<semaphore_mem>>) src(%dma_wait3A_1212 : memref<1024xf32, #tpu.memory_space<vmem>>) dst(%dma_wait3A_1210 : memref<1024xf32, #tpu.memory_space<hbm>>)
        %add3A_1213 = arith.addi %mul3A_4, %sub3A_1092 : i32
        %jit3A_1214 = arith.constant 128 : i32
        %div3A_1215 = arith.divsi %add3A_1213, %jit3A_1214 : i32
        %sign3A_1216 = arith.constant 0 : i32
        %sign3A_1217 = arith.cmpi sgt, %add3A_1213, %sign3A_1216 : i32
        %sign3A_1218 = arith.extui %sign3A_1217 : i1 to i32
        %sign3A_1219 = arith.constant 0 : i32
        %sign3A_1220 = arith.cmpi slt, %add3A_1213, %sign3A_1219 : i32
        %sign3A_1221 = arith.extui %sign3A_1220 : i1 to i32
        %sign3A_1222 = arith.subi %sign3A_1218, %sign3A_1221 : i32
        %sign3A_1223 = arith.constant 0 : i32
        %sign3A_1224 = arith.cmpi sgt, %jit3A_1214, %sign3A_1223 : i32
        %sign3A_1225 = arith.extui %sign3A_1224 : i1 to i32
        %sign3A_1226 = arith.constant 0 : i32
        %sign3A_1227 = arith.cmpi slt, %jit3A_1214, %sign3A_1226 : i32
        %sign3A_1228 = arith.extui %sign3A_1227 : i1 to i32
        %sign3A_1229 = arith.subi %sign3A_1225, %sign3A_1228 : i32
        %ne3A_1230 = arith.cmpi ne, %sign3A_1222, %sign3A_1229 : i32
        %rem3A_1231 = arith.remsi %add3A_1213, %jit3A_1214 : i32
        %ne3A_1232 = arith.constant 0 : i32
        %ne3A_1233 = arith.cmpi ne, %rem3A_1231, %ne3A_1232 : i32
        %and3A_1234 = arith.andi %ne3A_1230, %ne3A_1233 : i1
        %sub3A_1235 = arith.constant 1 : i32
        %sub3A_1236 = arith.subi %div3A_1215, %sub3A_1235 : i32
        %select_n3A_1237 = arith.select %and3A_1234, %sub3A_1236, %div3A_1215 : i32
        %rem3A_1238 = arith.constant 128 : i32
        %rem3A_1239 = arith.remsi %add3A_1213, %rem3A_1238 : i32
        %mul3A_1240 = arith.constant 512 : i32
        %mul3A_1241 = arith.muli %select_n3A_1237, %mul3A_1240 : i32
        %add3A_1242 = arith.constant 384 : i32
        %add3A_1243 = arith.addi %mul3A_1241, %add3A_1242 : i32
        %add3A_1244 = arith.addi %add3A_1243, %rem3A_1239 : i32
        %mul3A_1245 = arith.constant 1024 : i32
        %mul3A_1246 = arith.muli %add3A_1244, %mul3A_1245 : i32
        %dma_wait3A_1247 = arith.constant 3072 : i32
        %dma_wait3A_1248 = tpu.memref_slice %arg11[%dma_wait3A_1247] : memref<4096xf32, #tpu.memory_space<vmem>> -> memref<1024xf32, #tpu.memory_space<vmem>>
        %dma_wait3A_1249 = tpu.memref_slice %arg4[%mul3A_1246] : memref<26214400xf32, #tpu.memory_space<hbm>> -> memref<1024xf32, #tpu.memory_space<hbm>>
        %dma_wait3A_1250 = tpu.memref_slice %arg4[%mul3A_1246] : memref<26214400xf32, #tpu.memory_space<hbm>> -> memref<1024xf32, #tpu.memory_space<hbm>>
        %dma_wait3A_1251 = arith.constant 3072 : i32
        %dma_wait3A_1252 = tpu.memref_slice %arg11[%dma_wait3A_1251] : memref<4096xf32, #tpu.memory_space<vmem>> -> memref<1024xf32, #tpu.memory_space<vmem>>
        tpu.wait_dma2 semaphore(%arg17 : memref<!tpu.dma_semaphore, #tpu.memory_space<semaphore_mem>>) src(%dma_wait3A_1252 : memref<1024xf32, #tpu.memory_space<vmem>>) dst(%dma_wait3A_1250 : memref<1024xf32, #tpu.memory_space<hbm>>)
      } else {
      }
      %mul3A_353 = arith.constant 128 : i32
      %mul3A_354 = arith.muli %add3A_350, %mul3A_353 : i32
      %dma_wait3A_355 = tpu.memref_slice %arg6[%mul3A_354] : memref<25600xi32, #tpu.memory_space<vmem>> -> memref<128xi32, #tpu.memory_space<vmem>>
      %dma_wait3A_356 = arith.constant 0 : i32
      %dma_wait3A_357 = arith.constant 0 : i32
      %dma_wait3A_358 = tpu.memref_slice %arg3[%dma_wait3A_356, %dma_wait3A_357] : memref<250000x128xf32, #tpu.memory_space<hbm>> -> memref<250000x128xf32, #tpu.memory_space<hbm>>
      tpu.wait_indirect_dma semaphore(%arg13 : memref<!tpu.dma_semaphore, #tpu.memory_space<semaphore_mem>>) src(%dma_wait3A_358 : memref<250000x128xf32, #tpu.memory_space<hbm>>) dst(%arg7 : memref<128x128xf32, #tpu.memory_space<vmem>>)
      %mul3A_359 = arith.constant 128 : i32
      %mul3A_360 = arith.muli %add3A_350, %mul3A_359 : i32
      %parallel_loop3A_361 = arith.constant 0 : i32
      %parallel_loop3A_362 = arith.constant 256 : i32
      %parallel_loop3A_363 = arith.constant 1 : i32
      scf.for %parallel_loop3A_1091 = %parallel_loop3A_361 to %parallel_loop3A_362 step %parallel_loop3A_363  : i32 {
        %parallel_loop3A_1092 = arith.constant 8 : i32
        %parallel_loop3A_1093 = arith.divsi %parallel_loop3A_1091, %parallel_loop3A_1092 : i32
        %parallel_loop3A_1094 = arith.constant 0 : i32
        %parallel_loop3A_1095 = arith.cmpi sgt, %parallel_loop3A_1091, %parallel_loop3A_1094 : i32
        %parallel_loop3A_1096 = arith.extui %parallel_loop3A_1095 : i1 to i32
        %parallel_loop3A_1097 = arith.constant 0 : i32
        %parallel_loop3A_1098 = arith.cmpi slt, %parallel_loop3A_1091, %parallel_loop3A_1097 : i32
        %parallel_loop3A_1099 = arith.extui %parallel_loop3A_1098 : i1 to i32
        %parallel_loop3A_1100 = arith.subi %parallel_loop3A_1096, %parallel_loop3A_1099 : i32
        %parallel_loop3A_1101 = arith.constant 0 : i32
        %parallel_loop3A_1102 = arith.cmpi sgt, %parallel_loop3A_1092, %parallel_loop3A_1101 : i32
        %parallel_loop3A_1103 = arith.extui %parallel_loop3A_1102 : i1 to i32
        %parallel_loop3A_1104 = arith.constant 0 : i32
        %parallel_loop3A_1105 = arith.cmpi slt, %parallel_loop3A_1092, %parallel_loop3A_1104 : i32
        %parallel_loop3A_1106 = arith.extui %parallel_loop3A_1105 : i1 to i32
        %parallel_loop3A_1107 = arith.subi %parallel_loop3A_1103, %parallel_loop3A_1106 : i32
        %parallel_loop3A_1108 = arith.cmpi ne, %parallel_loop3A_1100, %parallel_loop3A_1107 : i32
        %parallel_loop3A_1109 = arith.remsi %parallel_loop3A_1091, %parallel_loop3A_1092 : i32
        %parallel_loop3A_1110 = arith.constant 0 : i32
        %parallel_loop3A_1111 = arith.cmpi ne, %parallel_loop3A_1109, %parallel_loop3A_1110 : i32
        %parallel_loop3A_1112 = arith.andi %parallel_loop3A_1108, %parallel_loop3A_1111 : i1
        %parallel_loop3A_1113 = arith.constant 1 : i32
        %parallel_loop3A_1114 = arith.subi %parallel_loop3A_1093, %parallel_loop3A_1113 : i32
        %parallel_loop3A_1115 = arith.select %parallel_loop3A_1112, %parallel_loop3A_1114, %parallel_loop3A_1093 : i32
        %parallel_loop3A_1116 = arith.constant 8 : i32
        %parallel_loop3A_1117 = arith.constant 0 : i32
        %parallel_loop3A_1118 = arith.cmpi eq, %parallel_loop3A_1116, %parallel_loop3A_1117 : i32
        %parallel_loop3A_1119 = arith.constant 1 : i32
        %parallel_loop3A_1120 = arith.select %parallel_loop3A_1118, %parallel_loop3A_1119, %parallel_loop3A_1116 : i32
        %parallel_loop3A_1121 = arith.remsi %parallel_loop3A_1091, %parallel_loop3A_1120 : i32
        %parallel_loop3A_1122 = arith.constant 0 : i32
        %parallel_loop3A_1123 = arith.cmpi ne, %parallel_loop3A_1121, %parallel_loop3A_1122 : i32
        %parallel_loop3A_1124 = arith.constant 0 : i32
        %parallel_loop3A_1125 = arith.cmpi slt, %parallel_loop3A_1121, %parallel_loop3A_1124 : i32
        %parallel_loop3A_1126 = arith.constant 0 : i32
        %parallel_loop3A_1127 = arith.cmpi slt, %parallel_loop3A_1120, %parallel_loop3A_1126 : i32
        %parallel_loop3A_1128 = arith.xori %parallel_loop3A_1125, %parallel_loop3A_1127 : i1
        %parallel_loop3A_1129 = arith.andi %parallel_loop3A_1128, %parallel_loop3A_1123 : i1
        %parallel_loop3A_1130 = arith.addi %parallel_loop3A_1121, %parallel_loop3A_1120 : i32
        %parallel_loop3A_1131 = arith.select %parallel_loop3A_1129, %parallel_loop3A_1130, %parallel_loop3A_1121 : i32
        %parallel_loop3A_1132 = arith.constant 16 : i32
        %parallel_loop3A_1133 = arith.muli %parallel_loop3A_1131, %parallel_loop3A_1132 : i32
        %parallel_loop3A_1134 = arith.addi %mul3A_360, %parallel_loop3A_1133 : i32
        %parallel_loop3A_1135 = arith.index_cast %parallel_loop3A_1134 : i32 to index
        %parallel_loop3A_1136 = tpu.vector_load %arg5[%parallel_loop3A_1135] {strides = array<i32>} : memref<25600xi32, #tpu.memory_space<vmem>>, vector<16xi32>,
        %parallel_loop3A_1137 = arith.constant 16 : i32
        %parallel_loop3A_1138 = arith.muli %parallel_loop3A_1131, %parallel_loop3A_1137 : i32
        %parallel_loop3A_1139 = vector.broadcast %parallel_loop3A_1138 : i32 to vector<16xi32>
        %parallel_loop3A_1140 = arith.addi %iota3A, %parallel_loop3A_1139 : vector<16xi32>
        %parallel_loop3A_1141 = vector.broadcast %parallel_loop3A_1115 : i32 to vector<16xi32>
        %parallel_loop3A_1142 = arith.addi %parallel_loop3A_1136, %parallel_loop3A_1141 : vector<16xi32>
        %parallel_loop3A_1143 = tpu.vector_load_idx %arg7[%parallel_loop3A_1140, %parallel_loop3A_1142] : memref<128x128xf32, #tpu.memory_space<vmem>>[vector<16xi32>, vector<16xi32>], vector<16xf32>,
        %parallel_loop3A_1144 = arith.constant 8 : i32
        %parallel_loop3A_1145 = arith.divsi %parallel_loop3A_1115, %parallel_loop3A_1144 : i32
        %parallel_loop3A_1146 = arith.constant 0 : i32
        %parallel_loop3A_1147 = arith.cmpi sgt, %parallel_loop3A_1115, %parallel_loop3A_1146 : i32
        %parallel_loop3A_1148 = arith.extui %parallel_loop3A_1147 : i1 to i32
        %parallel_loop3A_1149 = arith.constant 0 : i32
        %parallel_loop3A_1150 = arith.cmpi slt, %parallel_loop3A_1115, %parallel_loop3A_1149 : i32
        %parallel_loop3A_1151 = arith.extui %parallel_loop3A_1150 : i1 to i32
        %parallel_loop3A_1152 = arith.subi %parallel_loop3A_1148, %parallel_loop3A_1151 : i32
        %parallel_loop3A_1153 = arith.constant 0 : i32
        %parallel_loop3A_1154 = arith.cmpi sgt, %parallel_loop3A_1144, %parallel_loop3A_1153 : i32
        %parallel_loop3A_1155 = arith.extui %parallel_loop3A_1154 : i1 to i32
        %parallel_loop3A_1156 = arith.constant 0 : i32
        %parallel_loop3A_1157 = arith.cmpi slt, %parallel_loop3A_1144, %parallel_loop3A_1156 : i32
        %parallel_loop3A_1158 = arith.extui %parallel_loop3A_1157 : i1 to i32
        %parallel_loop3A_1159 = arith.subi %parallel_loop3A_1155, %parallel_loop3A_1158 : i32
        %parallel_loop3A_1160 = arith.cmpi ne, %parallel_loop3A_1152, %parallel_loop3A_1159 : i32
        %parallel_loop3A_1161 = arith.remsi %parallel_loop3A_1115, %parallel_loop3A_1144 : i32
        %parallel_loop3A_1162 = arith.constant 0 : i32
        %parallel_loop3A_1163 = arith.cmpi ne, %parallel_loop3A_1161, %parallel_loop3A_1162 : i32
        %parallel_loop3A_1164 = arith.andi %parallel_loop3A_1160, %parallel_loop3A_1163 : i1
        %parallel_loop3A_1165 = arith.constant 1 : i32
        %parallel_loop3A_1166 = arith.subi %parallel_loop3A_1145, %parallel_loop3A_1165 : i32
        %parallel_loop3A_1167 = arith.select %parallel_loop3A_1164, %parallel_loop3A_1166, %parallel_loop3A_1145 : i32
        %parallel_loop3A_1168 = arith.constant 1024 : i32
        %parallel_loop3A_1169 = arith.muli %parallel_loop3A_1167, %parallel_loop3A_1168 : i32
        %parallel_loop3A_1170 = arith.constant 8 : i32
        %parallel_loop3A_1171 = arith.remsi %parallel_loop3A_1115, %parallel_loop3A_1170 : i32
        %parallel_loop3A_1172 = arith.constant 128 : i32
        %parallel_loop3A_1173 = arith.muli %parallel_loop3A_1171, %parallel_loop3A_1172 : i32
        %parallel_loop3A_1174 = arith.addi %parallel_loop3A_1169, %parallel_loop3A_1173 : i32
        %parallel_loop3A_1175 = arith.constant 16 : i32
        %parallel_loop3A_1176 = arith.muli %parallel_loop3A_1131, %parallel_loop3A_1175 : i32
        %parallel_loop3A_1177 = arith.addi %parallel_loop3A_1174, %parallel_loop3A_1176 : i32
        %parallel_loop3A_1178 = vector.broadcast %parallel_loop3A_1177 : i32 to vector<16xi32>
        %parallel_loop3A_1179 = arith.addi %iota3A, %parallel_loop3A_1178 : vector<16xi32>
        tpu.vector_store_idx %arg11[%parallel_loop3A_1179], %parallel_loop3A_1143 : memref<4096xf32, #tpu.memory_space<vmem>>[vector<16xi32>], vector<16xf32>,
      } {sc.loop_unroll_factor = 32 : i64, sc.parallel_access}
      %add3A_364 = arith.addi %mul3A_4, %add3A_350 : i32
      %jit3A_365 = arith.constant 128 : i32
      %div3A_366 = arith.divsi %add3A_364, %jit3A_365 : i32
      %sign3A_367 = arith.constant 0 : i32
      %sign3A_368 = arith.cmpi sgt, %add3A_364, %sign3A_367 : i32
      %sign3A_369 = arith.extui %sign3A_368 : i1 to i32
      %sign3A_370 = arith.constant 0 : i32
      %sign3A_371 = arith.cmpi slt, %add3A_364, %sign3A_370 : i32
      %sign3A_372 = arith.extui %sign3A_371 : i1 to i32
      %sign3A_373 = arith.subi %sign3A_369, %sign3A_372 : i32
      %sign3A_374 = arith.constant 0 : i32
      %sign3A_375 = arith.cmpi sgt, %jit3A_365, %sign3A_374 : i32
      %sign3A_376 = arith.extui %sign3A_375 : i1 to i32
      %sign3A_377 = arith.constant 0 : i32
      %sign3A_378 = arith.cmpi slt, %jit3A_365, %sign3A_377 : i32
      %sign3A_379 = arith.extui %sign3A_378 : i1 to i32
      %sign3A_380 = arith.subi %sign3A_376, %sign3A_379 : i32
      %ne3A_381 = arith.cmpi ne, %sign3A_373, %sign3A_380 : i32
      %rem3A_382 = arith.remsi %add3A_364, %jit3A_365 : i32
      %ne3A_383 = arith.constant 0 : i32
      %ne3A_384 = arith.cmpi ne, %rem3A_382, %ne3A_383 : i32
      %and3A_385 = arith.andi %ne3A_381, %ne3A_384 : i1
      %sub3A_386 = arith.constant 1 : i32
      %sub3A_387 = arith.subi %div3A_366, %sub3A_386 : i32
      %select_n3A_388 = arith.select %and3A_385, %sub3A_387, %div3A_366 : i32
      %rem3A_389 = arith.constant 128 : i32
      %rem3A_390 = arith.remsi %add3A_364, %rem3A_389 : i32
      %mul3A_391 = arith.constant 512 : i32
      %mul3A_392 = arith.muli %select_n3A_388, %mul3A_391 : i32
      %add3A_393 = arith.constant 0 : i32
      %add3A_394 = arith.addi %mul3A_392, %add3A_393 : i32
      %add3A_395 = arith.addi %add3A_394, %rem3A_390 : i32
      %mul3A_396 = arith.constant 1024 : i32
      %mul3A_397 = arith.muli %add3A_395, %mul3A_396 : i32
      %dma_start3A_398 = arith.constant 0 : i32
      %dma_start3A_399 = tpu.memref_slice %arg11[%dma_start3A_398] : memref<4096xf32, #tpu.memory_space<vmem>> -> memref<1024xf32, #tpu.memory_space<vmem>>
      %dma_start3A_400 = tpu.memref_slice %arg4[%mul3A_397] : memref<26214400xf32, #tpu.memory_space<hbm>> -> memref<1024xf32, #tpu.memory_space<hbm>>
      %dma_start3A_401 = tpu.memref_slice %arg4[%mul3A_397] : memref<26214400xf32, #tpu.memory_space<hbm>> -> memref<1024xf32, #tpu.memory_space<hbm>>
      %dma_start3A_402 = arith.constant 0 : i32
      %dma_start3A_403 = tpu.memref_slice %arg11[%dma_start3A_402] : memref<4096xf32, #tpu.memory_space<vmem>> -> memref<1024xf32, #tpu.memory_space<vmem>>
      tpu.enqueue_dma source(%dma_start3A_403 : memref<1024xf32, #tpu.memory_space<vmem>>) target(%dma_start3A_401 : memref<1024xf32, #tpu.memory_space<hbm>>) target_semaphore(%arg17 : memref<!tpu.dma_semaphore, #tpu.memory_space<semaphore_mem>>)
      %add3A_404 = arith.addi %mul3A_4, %add3A_350 : i32
      %jit3A_405 = arith.constant 128 : i32
      %div3A_406 = arith.divsi %add3A_404, %jit3A_405 : i32
      %sign3A_407 = arith.constant 0 : i32
      %sign3A_408 = arith.cmpi sgt, %add3A_404, %sign3A_407 : i32
      %sign3A_409 = arith.extui %sign3A_408 : i1 to i32
      %sign3A_410 = arith.constant 0 : i32
      %sign3A_411 = arith.cmpi slt, %add3A_404, %sign3A_410 : i32
      %sign3A_412 = arith.extui %sign3A_411 : i1 to i32
      %sign3A_413 = arith.subi %sign3A_409, %sign3A_412 : i32
      %sign3A_414 = arith.constant 0 : i32
      %sign3A_415 = arith.cmpi sgt, %jit3A_405, %sign3A_414 : i32
      %sign3A_416 = arith.extui %sign3A_415 : i1 to i32
      %sign3A_417 = arith.constant 0 : i32
      %sign3A_418 = arith.cmpi slt, %jit3A_405, %sign3A_417 : i32
      %sign3A_419 = arith.extui %sign3A_418 : i1 to i32
      %sign3A_420 = arith.subi %sign3A_416, %sign3A_419 : i32
      %ne3A_421 = arith.cmpi ne, %sign3A_413, %sign3A_420 : i32
      %rem3A_422 = arith.remsi %add3A_404, %jit3A_405 : i32
      %ne3A_423 = arith.constant 0 : i32
      %ne3A_424 = arith.cmpi ne, %rem3A_422, %ne3A_423 : i32
      %and3A_425 = arith.andi %ne3A_421, %ne3A_424 : i1
      %sub3A_426 = arith.constant 1 : i32
      %sub3A_427 = arith.subi %div3A_406, %sub3A_426 : i32
      %select_n3A_428 = arith.select %and3A_425, %sub3A_427, %div3A_406 : i32
      %rem3A_429 = arith.constant 128 : i32
      %rem3A_430 = arith.remsi %add3A_404, %rem3A_429 : i32
      %mul3A_431 = arith.constant 512 : i32
      %mul3A_432 = arith.muli %select_n3A_428, %mul3A_431 : i32
      %add3A_433 = arith.constant 128 : i32
      %add3A_434 = arith.addi %mul3A_432, %add3A_433 : i32
      %add3A_435 = arith.addi %add3A_434, %rem3A_430 : i32
      %mul3A_436 = arith.constant 1024 : i32
      %mul3A_437 = arith.muli %add3A_435, %mul3A_436 : i32
      %dma_start3A_438 = arith.constant 1024 : i32
      %dma_start3A_439 = tpu.memref_slice %arg11[%dma_start3A_438] : memref<4096xf32, #tpu.memory_space<vmem>> -> memref<1024xf32, #tpu.memory_space<vmem>>
      %dma_start3A_440 = tpu.memref_slice %arg4[%mul3A_437] : memref<26214400xf32, #tpu.memory_space<hbm>> -> memref<1024xf32, #tpu.memory_space<hbm>>
      %dma_start3A_441 = tpu.memref_slice %arg4[%mul3A_437] : memref<26214400xf32, #tpu.memory_space<hbm>> -> memref<1024xf32, #tpu.memory_space<hbm>>
      %dma_start3A_442 = arith.constant 1024 : i32
      %dma_start3A_443 = tpu.memref_slice %arg11[%dma_start3A_442] : memref<4096xf32, #tpu.memory_space<vmem>> -> memref<1024xf32, #tpu.memory_space<vmem>>
      tpu.enqueue_dma source(%dma_start3A_443 : memref<1024xf32, #tpu.memory_space<vmem>>) target(%dma_start3A_441 : memref<1024xf32, #tpu.memory_space<hbm>>) target_semaphore(%arg17 : memref<!tpu.dma_semaphore, #tpu.memory_space<semaphore_mem>>)
      %add3A_444 = arith.addi %mul3A_4, %add3A_350 : i32
      %jit3A_445 = arith.constant 128 : i32
      %div3A_446 = arith.divsi %add3A_444, %jit3A_445 : i32
      %sign3A_447 = arith.constant 0 : i32
      %sign3A_448 = arith.cmpi sgt, %add3A_444, %sign3A_447 : i32
      %sign3A_449 = arith.extui %sign3A_448 : i1 to i32
      %sign3A_450 = arith.constant 0 : i32
      %sign3A_451 = arith.cmpi slt, %add3A_444, %sign3A_450 : i32
      %sign3A_452 = arith.extui %sign3A_451 : i1 to i32
      %sign3A_453 = arith.subi %sign3A_449, %sign3A_452 : i32
      %sign3A_454 = arith.constant 0 : i32
      %sign3A_455 = arith.cmpi sgt, %jit3A_445, %sign3A_454 : i32
      %sign3A_456 = arith.extui %sign3A_455 : i1 to i32
      %sign3A_457 = arith.constant 0 : i32
      %sign3A_458 = arith.cmpi slt, %jit3A_445, %sign3A_457 : i32
      %sign3A_459 = arith.extui %sign3A_458 : i1 to i32
      %sign3A_460 = arith.subi %sign3A_456, %sign3A_459 : i32
      %ne3A_461 = arith.cmpi ne, %sign3A_453, %sign3A_460 : i32
      %rem3A_462 = arith.remsi %add3A_444, %jit3A_445 : i32
      %ne3A_463 = arith.constant 0 : i32
      %ne3A_464 = arith.cmpi ne, %rem3A_462, %ne3A_463 : i32
      %and3A_465 = arith.andi %ne3A_461, %ne3A_464 : i1
      %sub3A_466 = arith.constant 1 : i32
      %sub3A_467 = arith.subi %div3A_446, %sub3A_466 : i32
      %select_n3A_468 = arith.select %and3A_465, %sub3A_467, %div3A_446 : i32
      %rem3A_469 = arith.constant 128 : i32
      %rem3A_470 = arith.remsi %add3A_444, %rem3A_469 : i32
      %mul3A_471 = arith.constant 512 : i32
      %mul3A_472 = arith.muli %select_n3A_468, %mul3A_471 : i32
      %add3A_473 = arith.constant 256 : i32
      %add3A_474 = arith.addi %mul3A_472, %add3A_473 : i32
      %add3A_475 = arith.addi %add3A_474, %rem3A_470 : i32
      %mul3A_476 = arith.constant 1024 : i32
      %mul3A_477 = arith.muli %add3A_475, %mul3A_476 : i32
      %dma_start3A_478 = arith.constant 2048 : i32
      %dma_start3A_479 = tpu.memref_slice %arg11[%dma_start3A_478] : memref<4096xf32, #tpu.memory_space<vmem>> -> memref<1024xf32, #tpu.memory_space<vmem>>
      %dma_start3A_480 = tpu.memref_slice %arg4[%mul3A_477] : memref<26214400xf32, #tpu.memory_space<hbm>> -> memref<1024xf32, #tpu.memory_space<hbm>>
      %dma_start3A_481 = tpu.memref_slice %arg4[%mul3A_477] : memref<26214400xf32, #tpu.memory_space<hbm>> -> memref<1024xf32, #tpu.memory_space<hbm>>
      %dma_start3A_482 = arith.constant 2048 : i32
      %dma_start3A_483 = tpu.memref_slice %arg11[%dma_start3A_482] : memref<4096xf32, #tpu.memory_space<vmem>> -> memref<1024xf32, #tpu.memory_space<vmem>>
      tpu.enqueue_dma source(%dma_start3A_483 : memref<1024xf32, #tpu.memory_space<vmem>>) target(%dma_start3A_481 : memref<1024xf32, #tpu.memory_space<hbm>>) target_semaphore(%arg17 : memref<!tpu.dma_semaphore, #tpu.memory_space<semaphore_mem>>)
      %add3A_484 = arith.addi %mul3A_4, %add3A_350 : i32
      %jit3A_485 = arith.constant 128 : i32
      %div3A_486 = arith.divsi %add3A_484, %jit3A_485 : i32
      %sign3A_487 = arith.constant 0 : i32
      %sign3A_488 = arith.cmpi sgt, %add3A_484, %sign3A_487 : i32
      %sign3A_489 = arith.extui %sign3A_488 : i1 to i32
      %sign3A_490 = arith.constant 0 : i32
      %sign3A_491 = arith.cmpi slt, %add3A_484, %sign3A_490 : i32
      %sign3A_492 = arith.extui %sign3A_491 : i1 to i32
      %sign3A_493 = arith.subi %sign3A_489, %sign3A_492 : i32
      %sign3A_494 = arith.constant 0 : i32
      %sign3A_495 = arith.cmpi sgt, %jit3A_485, %sign3A_494 : i32
      %sign3A_496 = arith.extui %sign3A_495 : i1 to i32
      %sign3A_497 = arith.constant 0 : i32
      %sign3A_498 = arith.cmpi slt, %jit3A_485, %sign3A_497 : i32
      %sign3A_499 = arith.extui %sign3A_498 : i1 to i32
      %sign3A_500 = arith.subi %sign3A_496, %sign3A_499 : i32
      %ne3A_501 = arith.cmpi ne, %sign3A_493, %sign3A_500 : i32
      %rem3A_502 = arith.remsi %add3A_484, %jit3A_485 : i32
      %ne3A_503 = arith.constant 0 : i32
      %ne3A_504 = arith.cmpi ne, %rem3A_502, %ne3A_503 : i32
      %and3A_505 = arith.andi %ne3A_501, %ne3A_504 : i1
      %sub3A_506 = arith.constant 1 : i32
      %sub3A_507 = arith.subi %div3A_486, %sub3A_506 : i32
      %select_n3A_508 = arith.select %and3A_505, %sub3A_507, %div3A_486 : i32
      %rem3A_509 = arith.constant 128 : i32
      %rem3A_510 = arith.remsi %add3A_484, %rem3A_509 : i32
      %mul3A_511 = arith.constant 512 : i32
      %mul3A_512 = arith.muli %select_n3A_508, %mul3A_511 : i32
      %add3A_513 = arith.constant 384 : i32
      %add3A_514 = arith.addi %mul3A_512, %add3A_513 : i32
      %add3A_515 = arith.addi %add3A_514, %rem3A_510 : i32
      %mul3A_516 = arith.constant 1024 : i32
      %mul3A_517 = arith.muli %add3A_515, %mul3A_516 : i32
      %dma_start3A_518 = arith.constant 3072 : i32
      %dma_start3A_519 = tpu.memref_slice %arg11[%dma_start3A_518] : memref<4096xf32, #tpu.memory_space<vmem>> -> memref<1024xf32, #tpu.memory_space<vmem>>
      %dma_start3A_520 = tpu.memref_slice %arg4[%mul3A_517] : memref<26214400xf32, #tpu.memory_space<hbm>> -> memref<1024xf32, #tpu.memory_space<hbm>>
      %dma_start3A_521 = tpu.memref_slice %arg4[%mul3A_517] : memref<26214400xf32, #tpu.memory_space<hbm>> -> memref<1024xf32, #tpu.memory_space<hbm>>
      %dma_start3A_522 = arith.constant 3072 : i32
      %dma_start3A_523 = tpu.memref_slice %arg11[%dma_start3A_522] : memref<4096xf32, #tpu.memory_space<vmem>> -> memref<1024xf32, #tpu.memory_space<vmem>>
      tpu.enqueue_dma source(%dma_start3A_523 : memref<1024xf32, #tpu.memory_space<vmem>>) target(%dma_start3A_521 : memref<1024xf32, #tpu.memory_space<hbm>>) target_semaphore(%arg17 : memref<!tpu.dma_semaphore, #tpu.memory_space<semaphore_mem>>)
      %add3A_524 = arith.constant 3 : i32
      %add3A_525 = arith.addi %add3A_350, %add3A_524 : i32
      %lt3A = arith.constant 200 : i32
      %lt3A_526 = arith.cmpi slt, %add3A_525, %lt3A : i32
      %convert_element_type3A_527 = arith.extui %lt3A_526 : i1 to i32
      %cond3A_528 = arith.constant 0 : i32
      %cond3A_529 = arith.cmpi ne, %convert_element_type3A_527, %cond3A_528 : i32
      scf.if %cond3A_529 {
        %add3A_1091 = arith.constant 3 : i32
        %add3A_1092 = arith.addi %add3A_350, %add3A_1091 : i32
        %mul3A_1093 = arith.constant 128 : i32
        %mul3A_1094 = arith.muli %add3A_1092, %mul3A_1093 : i32
        %dma_start3A_1095 = tpu.memref_slice %arg6[%mul3A_1094] : memref<25600xi32, #tpu.memory_space<vmem>> -> memref<128xi32, #tpu.memory_space<vmem>>
        %dma_start3A_1096 = arith.constant 0 : i32
        %dma_start3A_1097 = arith.constant 0 : i32
        %dma_start3A_1098 = tpu.memref_slice %arg3[%dma_start3A_1096, %dma_start3A_1097] : memref<250000x128xf32, #tpu.memory_space<hbm>> -> memref<250000x128xf32, #tpu.memory_space<hbm>>
        tpu.enqueue_indirect_dma source(%dma_start3A_1098 : memref<250000x128xf32, #tpu.memory_space<hbm>>) target(%arg10 : memref<128x128xf32, #tpu.memory_space<vmem>>) offsets(%dma_start3A_1095 : memref<128xi32, #tpu.memory_space<vmem>>) semaphore(%arg16 : memref<!tpu.dma_semaphore, #tpu.memory_space<semaphore_mem>>)
      } else {
      }
      %mul3A_530 = arith.constant 4 : i32
      %mul3A_531 = arith.muli %scan3A_346, %mul3A_530 : i32
      %add3A_532 = arith.constant 1 : i32
      %add3A_533 = arith.addi %mul3A_531, %add3A_532 : i32
      %ge3A_534 = arith.constant 2 : i32
      %ge3A_535 = arith.cmpi sge, %add3A_533, %ge3A_534 : i32
      %convert_element_type3A_536 = arith.extui %ge3A_535 : i1 to i32
      %cond3A_537 = arith.constant 0 : i32
      %cond3A_538 = arith.cmpi ne, %convert_element_type3A_536, %cond3A_537 : i32
      scf.if %cond3A_538 {
        %sub3A_1091 = arith.constant 2 : i32
        %sub3A_1092 = arith.subi %add3A_533, %sub3A_1091 : i32
        %add3A_1093 = arith.addi %mul3A_4, %sub3A_1092 : i32
        %jit3A_1094 = arith.constant 128 : i32
        %div3A_1095 = arith.divsi %add3A_1093, %jit3A_1094 : i32
        %sign3A_1096 = arith.constant 0 : i32
        %sign3A_1097 = arith.cmpi sgt, %add3A_1093, %sign3A_1096 : i32
        %sign3A_1098 = arith.extui %sign3A_1097 : i1 to i32
        %sign3A_1099 = arith.constant 0 : i32
        %sign3A_1100 = arith.cmpi slt, %add3A_1093, %sign3A_1099 : i32
        %sign3A_1101 = arith.extui %sign3A_1100 : i1 to i32
        %sign3A_1102 = arith.subi %sign3A_1098, %sign3A_1101 : i32
        %sign3A_1103 = arith.constant 0 : i32
        %sign3A_1104 = arith.cmpi sgt, %jit3A_1094, %sign3A_1103 : i32
        %sign3A_1105 = arith.extui %sign3A_1104 : i1 to i32
        %sign3A_1106 = arith.constant 0 : i32
        %sign3A_1107 = arith.cmpi slt, %jit3A_1094, %sign3A_1106 : i32
        %sign3A_1108 = arith.extui %sign3A_1107 : i1 to i32
        %sign3A_1109 = arith.subi %sign3A_1105, %sign3A_1108 : i32
        %ne3A_1110 = arith.cmpi ne, %sign3A_1102, %sign3A_1109 : i32
        %rem3A_1111 = arith.remsi %add3A_1093, %jit3A_1094 : i32
        %ne3A_1112 = arith.constant 0 : i32
        %ne3A_1113 = arith.cmpi ne, %rem3A_1111, %ne3A_1112 : i32
        %and3A_1114 = arith.andi %ne3A_1110, %ne3A_1113 : i1
        %sub3A_1115 = arith.constant 1 : i32
        %sub3A_1116 = arith.subi %div3A_1095, %sub3A_1115 : i32
        %select_n3A_1117 = arith.select %and3A_1114, %sub3A_1116, %div3A_1095 : i32
        %rem3A_1118 = arith.constant 128 : i32
        %rem3A_1119 = arith.remsi %add3A_1093, %rem3A_1118 : i32
        %mul3A_1120 = arith.constant 512 : i32
        %mul3A_1121 = arith.muli %select_n3A_1117, %mul3A_1120 : i32
        %add3A_1122 = arith.constant 0 : i32
        %add3A_1123 = arith.addi %mul3A_1121, %add3A_1122 : i32
        %add3A_1124 = arith.addi %add3A_1123, %rem3A_1119 : i32
        %mul3A_1125 = arith.constant 1024 : i32
        %mul3A_1126 = arith.muli %add3A_1124, %mul3A_1125 : i32
        %dma_wait3A_1127 = arith.constant 0 : i32
        %dma_wait3A_1128 = tpu.memref_slice %arg12[%dma_wait3A_1127] : memref<4096xf32, #tpu.memory_space<vmem>> -> memref<1024xf32, #tpu.memory_space<vmem>>
        %dma_wait3A_1129 = tpu.memref_slice %arg4[%mul3A_1126] : memref<26214400xf32, #tpu.memory_space<hbm>> -> memref<1024xf32, #tpu.memory_space<hbm>>
        %dma_wait3A_1130 = tpu.memref_slice %arg4[%mul3A_1126] : memref<26214400xf32, #tpu.memory_space<hbm>> -> memref<1024xf32, #tpu.memory_space<hbm>>
        %dma_wait3A_1131 = arith.constant 0 : i32
        %dma_wait3A_1132 = tpu.memref_slice %arg12[%dma_wait3A_1131] : memref<4096xf32, #tpu.memory_space<vmem>> -> memref<1024xf32, #tpu.memory_space<vmem>>
        tpu.wait_dma2 semaphore(%arg18 : memref<!tpu.dma_semaphore, #tpu.memory_space<semaphore_mem>>) src(%dma_wait3A_1132 : memref<1024xf32, #tpu.memory_space<vmem>>) dst(%dma_wait3A_1130 : memref<1024xf32, #tpu.memory_space<hbm>>)
        %add3A_1133 = arith.addi %mul3A_4, %sub3A_1092 : i32
        %jit3A_1134 = arith.constant 128 : i32
        %div3A_1135 = arith.divsi %add3A_1133, %jit3A_1134 : i32
        %sign3A_1136 = arith.constant 0 : i32
        %sign3A_1137 = arith.cmpi sgt, %add3A_1133, %sign3A_1136 : i32
        %sign3A_1138 = arith.extui %sign3A_1137 : i1 to i32
        %sign3A_1139 = arith.constant 0 : i32
        %sign3A_1140 = arith.cmpi slt, %add3A_1133, %sign3A_1139 : i32
        %sign3A_1141 = arith.extui %sign3A_1140 : i1 to i32
        %sign3A_1142 = arith.subi %sign3A_1138, %sign3A_1141 : i32
        %sign3A_1143 = arith.constant 0 : i32
        %sign3A_1144 = arith.cmpi sgt, %jit3A_1134, %sign3A_1143 : i32
        %sign3A_1145 = arith.extui %sign3A_1144 : i1 to i32
        %sign3A_1146 = arith.constant 0 : i32
        %sign3A_1147 = arith.cmpi slt, %jit3A_1134, %sign3A_1146 : i32
        %sign3A_1148 = arith.extui %sign3A_1147 : i1 to i32
        %sign3A_1149 = arith.subi %sign3A_1145, %sign3A_1148 : i32
        %ne3A_1150 = arith.cmpi ne, %sign3A_1142, %sign3A_1149 : i32
        %rem3A_1151 = arith.remsi %add3A_1133, %jit3A_1134 : i32
        %ne3A_1152 = arith.constant 0 : i32
        %ne3A_1153 = arith.cmpi ne, %rem3A_1151, %ne3A_1152 : i32
        %and3A_1154 = arith.andi %ne3A_1150, %ne3A_1153 : i1
        %sub3A_1155 = arith.constant 1 : i32
        %sub3A_1156 = arith.subi %div3A_1135, %sub3A_1155 : i32
        %select_n3A_1157 = arith.select %and3A_1154, %sub3A_1156, %div3A_1135 : i32
        %rem3A_1158 = arith.constant 128 : i32
        %rem3A_1159 = arith.remsi %add3A_1133, %rem3A_1158 : i32
        %mul3A_1160 = arith.constant 512 : i32
        %mul3A_1161 = arith.muli %select_n3A_1157, %mul3A_1160 : i32
        %add3A_1162 = arith.constant 128 : i32
        %add3A_1163 = arith.addi %mul3A_1161, %add3A_1162 : i32
        %add3A_1164 = arith.addi %add3A_1163, %rem3A_1159 : i32
        %mul3A_1165 = arith.constant 1024 : i32
        %mul3A_1166 = arith.muli %add3A_1164, %mul3A_1165 : i32
        %dma_wait3A_1167 = arith.constant 1024 : i32
        %dma_wait3A_1168 = tpu.memref_slice %arg12[%dma_wait3A_1167] : memref<4096xf32, #tpu.memory_space<vmem>> -> memref<1024xf32, #tpu.memory_space<vmem>>
        %dma_wait3A_1169 = tpu.memref_slice %arg4[%mul3A_1166] : memref<26214400xf32, #tpu.memory_space<hbm>> -> memref<1024xf32, #tpu.memory_space<hbm>>
        %dma_wait3A_1170 = tpu.memref_slice %arg4[%mul3A_1166] : memref<26214400xf32, #tpu.memory_space<hbm>> -> memref<1024xf32, #tpu.memory_space<hbm>>
        %dma_wait3A_1171 = arith.constant 1024 : i32
        %dma_wait3A_1172 = tpu.memref_slice %arg12[%dma_wait3A_1171] : memref<4096xf32, #tpu.memory_space<vmem>> -> memref<1024xf32, #tpu.memory_space<vmem>>
        tpu.wait_dma2 semaphore(%arg18 : memref<!tpu.dma_semaphore, #tpu.memory_space<semaphore_mem>>) src(%dma_wait3A_1172 : memref<1024xf32, #tpu.memory_space<vmem>>) dst(%dma_wait3A_1170 : memref<1024xf32, #tpu.memory_space<hbm>>)
        %add3A_1173 = arith.addi %mul3A_4, %sub3A_1092 : i32
        %jit3A_1174 = arith.constant 128 : i32
        %div3A_1175 = arith.divsi %add3A_1173, %jit3A_1174 : i32
        %sign3A_1176 = arith.constant 0 : i32
        %sign3A_1177 = arith.cmpi sgt, %add3A_1173, %sign3A_1176 : i32
        %sign3A_1178 = arith.extui %sign3A_1177 : i1 to i32
        %sign3A_1179 = arith.constant 0 : i32
        %sign3A_1180 = arith.cmpi slt, %add3A_1173, %sign3A_1179 : i32
        %sign3A_1181 = arith.extui %sign3A_1180 : i1 to i32
        %sign3A_1182 = arith.subi %sign3A_1178, %sign3A_1181 : i32
        %sign3A_1183 = arith.constant 0 : i32
        %sign3A_1184 = arith.cmpi sgt, %jit3A_1174, %sign3A_1183 : i32
        %sign3A_1185 = arith.extui %sign3A_1184 : i1 to i32
        %sign3A_1186 = arith.constant 0 : i32
        %sign3A_1187 = arith.cmpi slt, %jit3A_1174, %sign3A_1186 : i32
        %sign3A_1188 = arith.extui %sign3A_1187 : i1 to i32
        %sign3A_1189 = arith.subi %sign3A_1185, %sign3A_1188 : i32
        %ne3A_1190 = arith.cmpi ne, %sign3A_1182, %sign3A_1189 : i32
        %rem3A_1191 = arith.remsi %add3A_1173, %jit3A_1174 : i32
        %ne3A_1192 = arith.constant 0 : i32
        %ne3A_1193 = arith.cmpi ne, %rem3A_1191, %ne3A_1192 : i32
        %and3A_1194 = arith.andi %ne3A_1190, %ne3A_1193 : i1
        %sub3A_1195 = arith.constant 1 : i32
        %sub3A_1196 = arith.subi %div3A_1175, %sub3A_1195 : i32
        %select_n3A_1197 = arith.select %and3A_1194, %sub3A_1196, %div3A_1175 : i32
        %rem3A_1198 = arith.constant 128 : i32
        %rem3A_1199 = arith.remsi %add3A_1173, %rem3A_1198 : i32
        %mul3A_1200 = arith.constant 512 : i32
        %mul3A_1201 = arith.muli %select_n3A_1197, %mul3A_1200 : i32
        %add3A_1202 = arith.constant 256 : i32
        %add3A_1203 = arith.addi %mul3A_1201, %add3A_1202 : i32
        %add3A_1204 = arith.addi %add3A_1203, %rem3A_1199 : i32
        %mul3A_1205 = arith.constant 1024 : i32
        %mul3A_1206 = arith.muli %add3A_1204, %mul3A_1205 : i32
        %dma_wait3A_1207 = arith.constant 2048 : i32
        %dma_wait3A_1208 = tpu.memref_slice %arg12[%dma_wait3A_1207] : memref<4096xf32, #tpu.memory_space<vmem>> -> memref<1024xf32, #tpu.memory_space<vmem>>
        %dma_wait3A_1209 = tpu.memref_slice %arg4[%mul3A_1206] : memref<26214400xf32, #tpu.memory_space<hbm>> -> memref<1024xf32, #tpu.memory_space<hbm>>
        %dma_wait3A_1210 = tpu.memref_slice %arg4[%mul3A_1206] : memref<26214400xf32, #tpu.memory_space<hbm>> -> memref<1024xf32, #tpu.memory_space<hbm>>
        %dma_wait3A_1211 = arith.constant 2048 : i32
        %dma_wait3A_1212 = tpu.memref_slice %arg12[%dma_wait3A_1211] : memref<4096xf32, #tpu.memory_space<vmem>> -> memref<1024xf32, #tpu.memory_space<vmem>>
        tpu.wait_dma2 semaphore(%arg18 : memref<!tpu.dma_semaphore, #tpu.memory_space<semaphore_mem>>) src(%dma_wait3A_1212 : memref<1024xf32, #tpu.memory_space<vmem>>) dst(%dma_wait3A_1210 : memref<1024xf32, #tpu.memory_space<hbm>>)
        %add3A_1213 = arith.addi %mul3A_4, %sub3A_1092 : i32
        %jit3A_1214 = arith.constant 128 : i32
        %div3A_1215 = arith.divsi %add3A_1213, %jit3A_1214 : i32
        %sign3A_1216 = arith.constant 0 : i32
        %sign3A_1217 = arith.cmpi sgt, %add3A_1213, %sign3A_1216 : i32
        %sign3A_1218 = arith.extui %sign3A_1217 : i1 to i32
        %sign3A_1219 = arith.constant 0 : i32
        %sign3A_1220 = arith.cmpi slt, %add3A_1213, %sign3A_1219 : i32
        %sign3A_1221 = arith.extui %sign3A_1220 : i1 to i32
        %sign3A_1222 = arith.subi %sign3A_1218, %sign3A_1221 : i32
        %sign3A_1223 = arith.constant 0 : i32
        %sign3A_1224 = arith.cmpi sgt, %jit3A_1214, %sign3A_1223 : i32
        %sign3A_1225 = arith.extui %sign3A_1224 : i1 to i32
        %sign3A_1226 = arith.constant 0 : i32
        %sign3A_1227 = arith.cmpi slt, %jit3A_1214, %sign3A_1226 : i32
        %sign3A_1228 = arith.extui %sign3A_1227 : i1 to i32
        %sign3A_1229 = arith.subi %sign3A_1225, %sign3A_1228 : i32
        %ne3A_1230 = arith.cmpi ne, %sign3A_1222, %sign3A_1229 : i32
        %rem3A_1231 = arith.remsi %add3A_1213, %jit3A_1214 : i32
        %ne3A_1232 = arith.constant 0 : i32
        %ne3A_1233 = arith.cmpi ne, %rem3A_1231, %ne3A_1232 : i32
        %and3A_1234 = arith.andi %ne3A_1230, %ne3A_1233 : i1
        %sub3A_1235 = arith.constant 1 : i32
        %sub3A_1236 = arith.subi %div3A_1215, %sub3A_1235 : i32
        %select_n3A_1237 = arith.select %and3A_1234, %sub3A_1236, %div3A_1215 : i32
        %rem3A_1238 = arith.constant 128 : i32
        %rem3A_1239 = arith.remsi %add3A_1213, %rem3A_1238 : i32
        %mul3A_1240 = arith.constant 512 : i32
        %mul3A_1241 = arith.muli %select_n3A_1237, %mul3A_1240 : i32
        %add3A_1242 = arith.constant 384 : i32
        %add3A_1243 = arith.addi %mul3A_1241, %add3A_1242 : i32
        %add3A_1244 = arith.addi %add3A_1243, %rem3A_1239 : i32
        %mul3A_1245 = arith.constant 1024 : i32
        %mul3A_1246 = arith.muli %add3A_1244, %mul3A_1245 : i32
        %dma_wait3A_1247 = arith.constant 3072 : i32
        %dma_wait3A_1248 = tpu.memref_slice %arg12[%dma_wait3A_1247] : memref<4096xf32, #tpu.memory_space<vmem>> -> memref<1024xf32, #tpu.memory_space<vmem>>
        %dma_wait3A_1249 = tpu.memref_slice %arg4[%mul3A_1246] : memref<26214400xf32, #tpu.memory_space<hbm>> -> memref<1024xf32, #tpu.memory_space<hbm>>
        %dma_wait3A_1250 = tpu.memref_slice %arg4[%mul3A_1246] : memref<26214400xf32, #tpu.memory_space<hbm>> -> memref<1024xf32, #tpu.memory_space<hbm>>
        %dma_wait3A_1251 = arith.constant 3072 : i32
        %dma_wait3A_1252 = tpu.memref_slice %arg12[%dma_wait3A_1251] : memref<4096xf32, #tpu.memory_space<vmem>> -> memref<1024xf32, #tpu.memory_space<vmem>>
        tpu.wait_dma2 semaphore(%arg18 : memref<!tpu.dma_semaphore, #tpu.memory_space<semaphore_mem>>) src(%dma_wait3A_1252 : memref<1024xf32, #tpu.memory_space<vmem>>) dst(%dma_wait3A_1250 : memref<1024xf32, #tpu.memory_space<hbm>>)
      } else {
      }
      %mul3A_539 = arith.constant 128 : i32
      %mul3A_540 = arith.muli %add3A_533, %mul3A_539 : i32
      %dma_wait3A_541 = tpu.memref_slice %arg6[%mul3A_540] : memref<25600xi32, #tpu.memory_space<vmem>> -> memref<128xi32, #tpu.memory_space<vmem>>
      %dma_wait3A_542 = arith.constant 0 : i32
      %dma_wait3A_543 = arith.constant 0 : i32
      %dma_wait3A_544 = tpu.memref_slice %arg3[%dma_wait3A_542, %dma_wait3A_543] : memref<250000x128xf32, #tpu.memory_space<hbm>> -> memref<250000x128xf32, #tpu.memory_space<hbm>>
      tpu.wait_indirect_dma semaphore(%arg14 : memref<!tpu.dma_semaphore, #tpu.memory_space<semaphore_mem>>) src(%dma_wait3A_544 : memref<250000x128xf32, #tpu.memory_space<hbm>>) dst(%arg8 : memref<128x128xf32, #tpu.memory_space<vmem>>)
      %mul3A_545 = arith.constant 128 : i32
      %mul3A_546 = arith.muli %add3A_533, %mul3A_545 : i32
      %parallel_loop3A_547 = arith.constant 0 : i32
      %parallel_loop3A_548 = arith.constant 256 : i32
      %parallel_loop3A_549 = arith.constant 1 : i32
      scf.for %parallel_loop3A_1091 = %parallel_loop3A_547 to %parallel_loop3A_548 step %parallel_loop3A_549  : i32 {
        %parallel_loop3A_1092 = arith.constant 8 : i32
        %parallel_loop3A_1093 = arith.divsi %parallel_loop3A_1091, %parallel_loop3A_1092 : i32
        %parallel_loop3A_1094 = arith.constant 0 : i32
        %parallel_loop3A_1095 = arith.cmpi sgt, %parallel_loop3A_1091, %parallel_loop3A_1094 : i32
        %parallel_loop3A_1096 = arith.extui %parallel_loop3A_1095 : i1 to i32
        %parallel_loop3A_1097 = arith.constant 0 : i32
        %parallel_loop3A_1098 = arith.cmpi slt, %parallel_loop3A_1091, %parallel_loop3A_1097 : i32
        %parallel_loop3A_1099 = arith.extui %parallel_loop3A_1098 : i1 to i32
        %parallel_loop3A_1100 = arith.subi %parallel_loop3A_1096, %parallel_loop3A_1099 : i32
        %parallel_loop3A_1101 = arith.constant 0 : i32
        %parallel_loop3A_1102 = arith.cmpi sgt, %parallel_loop3A_1092, %parallel_loop3A_1101 : i32
        %parallel_loop3A_1103 = arith.extui %parallel_loop3A_1102 : i1 to i32
        %parallel_loop3A_1104 = arith.constant 0 : i32
        %parallel_loop3A_1105 = arith.cmpi slt, %parallel_loop3A_1092, %parallel_loop3A_1104 : i32
        %parallel_loop3A_1106 = arith.extui %parallel_loop3A_1105 : i1 to i32
        %parallel_loop3A_1107 = arith.subi %parallel_loop3A_1103, %parallel_loop3A_1106 : i32
        %parallel_loop3A_1108 = arith.cmpi ne, %parallel_loop3A_1100, %parallel_loop3A_1107 : i32
        %parallel_loop3A_1109 = arith.remsi %parallel_loop3A_1091, %parallel_loop3A_1092 : i32
        %parallel_loop3A_1110 = arith.constant 0 : i32
        %parallel_loop3A_1111 = arith.cmpi ne, %parallel_loop3A_1109, %parallel_loop3A_1110 : i32
        %parallel_loop3A_1112 = arith.andi %parallel_loop3A_1108, %parallel_loop3A_1111 : i1
        %parallel_loop3A_1113 = arith.constant 1 : i32
        %parallel_loop3A_1114 = arith.subi %parallel_loop3A_1093, %parallel_loop3A_1113 : i32
        %parallel_loop3A_1115 = arith.select %parallel_loop3A_1112, %parallel_loop3A_1114, %parallel_loop3A_1093 : i32
        %parallel_loop3A_1116 = arith.constant 8 : i32
        %parallel_loop3A_1117 = arith.constant 0 : i32
        %parallel_loop3A_1118 = arith.cmpi eq, %parallel_loop3A_1116, %parallel_loop3A_1117 : i32
        %parallel_loop3A_1119 = arith.constant 1 : i32
        %parallel_loop3A_1120 = arith.select %parallel_loop3A_1118, %parallel_loop3A_1119, %parallel_loop3A_1116 : i32
        %parallel_loop3A_1121 = arith.remsi %parallel_loop3A_1091, %parallel_loop3A_1120 : i32
        %parallel_loop3A_1122 = arith.constant 0 : i32
        %parallel_loop3A_1123 = arith.cmpi ne, %parallel_loop3A_1121, %parallel_loop3A_1122 : i32
        %parallel_loop3A_1124 = arith.constant 0 : i32
        %parallel_loop3A_1125 = arith.cmpi slt, %parallel_loop3A_1121, %parallel_loop3A_1124 : i32
        %parallel_loop3A_1126 = arith.constant 0 : i32
        %parallel_loop3A_1127 = arith.cmpi slt, %parallel_loop3A_1120, %parallel_loop3A_1126 : i32
        %parallel_loop3A_1128 = arith.xori %parallel_loop3A_1125, %parallel_loop3A_1127 : i1
        %parallel_loop3A_1129 = arith.andi %parallel_loop3A_1128, %parallel_loop3A_1123 : i1
        %parallel_loop3A_1130 = arith.addi %parallel_loop3A_1121, %parallel_loop3A_1120 : i32
        %parallel_loop3A_1131 = arith.select %parallel_loop3A_1129, %parallel_loop3A_1130, %parallel_loop3A_1121 : i32
        %parallel_loop3A_1132 = arith.constant 16 : i32
        %parallel_loop3A_1133 = arith.muli %parallel_loop3A_1131, %parallel_loop3A_1132 : i32
        %parallel_loop3A_1134 = arith.addi %mul3A_546, %parallel_loop3A_1133 : i32
        %parallel_loop3A_1135 = arith.index_cast %parallel_loop3A_1134 : i32 to index
        %parallel_loop3A_1136 = tpu.vector_load %arg5[%parallel_loop3A_1135] {strides = array<i32>} : memref<25600xi32, #tpu.memory_space<vmem>>, vector<16xi32>,
        %parallel_loop3A_1137 = arith.constant 16 : i32
        %parallel_loop3A_1138 = arith.muli %parallel_loop3A_1131, %parallel_loop3A_1137 : i32
        %parallel_loop3A_1139 = vector.broadcast %parallel_loop3A_1138 : i32 to vector<16xi32>
        %parallel_loop3A_1140 = arith.addi %iota3A, %parallel_loop3A_1139 : vector<16xi32>
        %parallel_loop3A_1141 = vector.broadcast %parallel_loop3A_1115 : i32 to vector<16xi32>
        %parallel_loop3A_1142 = arith.addi %parallel_loop3A_1136, %parallel_loop3A_1141 : vector<16xi32>
        %parallel_loop3A_1143 = tpu.vector_load_idx %arg8[%parallel_loop3A_1140, %parallel_loop3A_1142] : memref<128x128xf32, #tpu.memory_space<vmem>>[vector<16xi32>, vector<16xi32>], vector<16xf32>,
        %parallel_loop3A_1144 = arith.constant 8 : i32
        %parallel_loop3A_1145 = arith.divsi %parallel_loop3A_1115, %parallel_loop3A_1144 : i32
        %parallel_loop3A_1146 = arith.constant 0 : i32
        %parallel_loop3A_1147 = arith.cmpi sgt, %parallel_loop3A_1115, %parallel_loop3A_1146 : i32
        %parallel_loop3A_1148 = arith.extui %parallel_loop3A_1147 : i1 to i32
        %parallel_loop3A_1149 = arith.constant 0 : i32
        %parallel_loop3A_1150 = arith.cmpi slt, %parallel_loop3A_1115, %parallel_loop3A_1149 : i32
        %parallel_loop3A_1151 = arith.extui %parallel_loop3A_1150 : i1 to i32
        %parallel_loop3A_1152 = arith.subi %parallel_loop3A_1148, %parallel_loop3A_1151 : i32
        %parallel_loop3A_1153 = arith.constant 0 : i32
        %parallel_loop3A_1154 = arith.cmpi sgt, %parallel_loop3A_1144, %parallel_loop3A_1153 : i32
        %parallel_loop3A_1155 = arith.extui %parallel_loop3A_1154 : i1 to i32
        %parallel_loop3A_1156 = arith.constant 0 : i32
        %parallel_loop3A_1157 = arith.cmpi slt, %parallel_loop3A_1144, %parallel_loop3A_1156 : i32
        %parallel_loop3A_1158 = arith.extui %parallel_loop3A_1157 : i1 to i32
        %parallel_loop3A_1159 = arith.subi %parallel_loop3A_1155, %parallel_loop3A_1158 : i32
        %parallel_loop3A_1160 = arith.cmpi ne, %parallel_loop3A_1152, %parallel_loop3A_1159 : i32
        %parallel_loop3A_1161 = arith.remsi %parallel_loop3A_1115, %parallel_loop3A_1144 : i32
        %parallel_loop3A_1162 = arith.constant 0 : i32
        %parallel_loop3A_1163 = arith.cmpi ne, %parallel_loop3A_1161, %parallel_loop3A_1162 : i32
        %parallel_loop3A_1164 = arith.andi %parallel_loop3A_1160, %parallel_loop3A_1163 : i1
        %parallel_loop3A_1165 = arith.constant 1 : i32
        %parallel_loop3A_1166 = arith.subi %parallel_loop3A_1145, %parallel_loop3A_1165 : i32
        %parallel_loop3A_1167 = arith.select %parallel_loop3A_1164, %parallel_loop3A_1166, %parallel_loop3A_1145 : i32
        %parallel_loop3A_1168 = arith.constant 1024 : i32
        %parallel_loop3A_1169 = arith.muli %parallel_loop3A_1167, %parallel_loop3A_1168 : i32
        %parallel_loop3A_1170 = arith.constant 8 : i32
        %parallel_loop3A_1171 = arith.remsi %parallel_loop3A_1115, %parallel_loop3A_1170 : i32
        %parallel_loop3A_1172 = arith.constant 128 : i32
        %parallel_loop3A_1173 = arith.muli %parallel_loop3A_1171, %parallel_loop3A_1172 : i32
        %parallel_loop3A_1174 = arith.addi %parallel_loop3A_1169, %parallel_loop3A_1173 : i32
        %parallel_loop3A_1175 = arith.constant 16 : i32
        %parallel_loop3A_1176 = arith.muli %parallel_loop3A_1131, %parallel_loop3A_1175 : i32
        %parallel_loop3A_1177 = arith.addi %parallel_loop3A_1174, %parallel_loop3A_1176 : i32
        %parallel_loop3A_1178 = vector.broadcast %parallel_loop3A_1177 : i32 to vector<16xi32>
        %parallel_loop3A_1179 = arith.addi %iota3A, %parallel_loop3A_1178 : vector<16xi32>
        tpu.vector_store_idx %arg12[%parallel_loop3A_1179], %parallel_loop3A_1143 : memref<4096xf32, #tpu.memory_space<vmem>>[vector<16xi32>], vector<16xf32>,
      } {sc.loop_unroll_factor = 32 : i64, sc.parallel_access}
      %add3A_550 = arith.addi %mul3A_4, %add3A_533 : i32
      %jit3A_551 = arith.constant 128 : i32
      %div3A_552 = arith.divsi %add3A_550, %jit3A_551 : i32
      %sign3A_553 = arith.constant 0 : i32
      %sign3A_554 = arith.cmpi sgt, %add3A_550, %sign3A_553 : i32
      %sign3A_555 = arith.extui %sign3A_554 : i1 to i32
      %sign3A_556 = arith.constant 0 : i32
      %sign3A_557 = arith.cmpi slt, %add3A_550, %sign3A_556 : i32
      %sign3A_558 = arith.extui %sign3A_557 : i1 to i32
      %sign3A_559 = arith.subi %sign3A_555, %sign3A_558 : i32
      %sign3A_560 = arith.constant 0 : i32
      %sign3A_561 = arith.cmpi sgt, %jit3A_551, %sign3A_560 : i32
      %sign3A_562 = arith.extui %sign3A_561 : i1 to i32
      %sign3A_563 = arith.constant 0 : i32
      %sign3A_564 = arith.cmpi slt, %jit3A_551, %sign3A_563 : i32
      %sign3A_565 = arith.extui %sign3A_564 : i1 to i32
      %sign3A_566 = arith.subi %sign3A_562, %sign3A_565 : i32
      %ne3A_567 = arith.cmpi ne, %sign3A_559, %sign3A_566 : i32
      %rem3A_568 = arith.remsi %add3A_550, %jit3A_551 : i32
      %ne3A_569 = arith.constant 0 : i32
      %ne3A_570 = arith.cmpi ne, %rem3A_568, %ne3A_569 : i32
      %and3A_571 = arith.andi %ne3A_567, %ne3A_570 : i1
      %sub3A_572 = arith.constant 1 : i32
      %sub3A_573 = arith.subi %div3A_552, %sub3A_572 : i32
      %select_n3A_574 = arith.select %and3A_571, %sub3A_573, %div3A_552 : i32
      %rem3A_575 = arith.constant 128 : i32
      %rem3A_576 = arith.remsi %add3A_550, %rem3A_575 : i32
      %mul3A_577 = arith.constant 512 : i32
      %mul3A_578 = arith.muli %select_n3A_574, %mul3A_577 : i32
      %add3A_579 = arith.constant 0 : i32
      %add3A_580 = arith.addi %mul3A_578, %add3A_579 : i32
      %add3A_581 = arith.addi %add3A_580, %rem3A_576 : i32
      %mul3A_582 = arith.constant 1024 : i32
      %mul3A_583 = arith.muli %add3A_581, %mul3A_582 : i32
      %dma_start3A_584 = arith.constant 0 : i32
      %dma_start3A_585 = tpu.memref_slice %arg12[%dma_start3A_584] : memref<4096xf32, #tpu.memory_space<vmem>> -> memref<1024xf32, #tpu.memory_space<vmem>>
      %dma_start3A_586 = tpu.memref_slice %arg4[%mul3A_583] : memref<26214400xf32, #tpu.memory_space<hbm>> -> memref<1024xf32, #tpu.memory_space<hbm>>
      %dma_start3A_587 = tpu.memref_slice %arg4[%mul3A_583] : memref<26214400xf32, #tpu.memory_space<hbm>> -> memref<1024xf32, #tpu.memory_space<hbm>>
      %dma_start3A_588 = arith.constant 0 : i32
      %dma_start3A_589 = tpu.memref_slice %arg12[%dma_start3A_588] : memref<4096xf32, #tpu.memory_space<vmem>> -> memref<1024xf32, #tpu.memory_space<vmem>>
      tpu.enqueue_dma source(%dma_start3A_589 : memref<1024xf32, #tpu.memory_space<vmem>>) target(%dma_start3A_587 : memref<1024xf32, #tpu.memory_space<hbm>>) target_semaphore(%arg18 : memref<!tpu.dma_semaphore, #tpu.memory_space<semaphore_mem>>)
      %add3A_590 = arith.addi %mul3A_4, %add3A_533 : i32
      %jit3A_591 = arith.constant 128 : i32
      %div3A_592 = arith.divsi %add3A_590, %jit3A_591 : i32
      %sign3A_593 = arith.constant 0 : i32
      %sign3A_594 = arith.cmpi sgt, %add3A_590, %sign3A_593 : i32
      %sign3A_595 = arith.extui %sign3A_594 : i1 to i32
      %sign3A_596 = arith.constant 0 : i32
      %sign3A_597 = arith.cmpi slt, %add3A_590, %sign3A_596 : i32
      %sign3A_598 = arith.extui %sign3A_597 : i1 to i32
      %sign3A_599 = arith.subi %sign3A_595, %sign3A_598 : i32
      %sign3A_600 = arith.constant 0 : i32
      %sign3A_601 = arith.cmpi sgt, %jit3A_591, %sign3A_600 : i32
      %sign3A_602 = arith.extui %sign3A_601 : i1 to i32
      %sign3A_603 = arith.constant 0 : i32
      %sign3A_604 = arith.cmpi slt, %jit3A_591, %sign3A_603 : i32
      %sign3A_605 = arith.extui %sign3A_604 : i1 to i32
      %sign3A_606 = arith.subi %sign3A_602, %sign3A_605 : i32
      %ne3A_607 = arith.cmpi ne, %sign3A_599, %sign3A_606 : i32
      %rem3A_608 = arith.remsi %add3A_590, %jit3A_591 : i32
      %ne3A_609 = arith.constant 0 : i32
      %ne3A_610 = arith.cmpi ne, %rem3A_608, %ne3A_609 : i32
      %and3A_611 = arith.andi %ne3A_607, %ne3A_610 : i1
      %sub3A_612 = arith.constant 1 : i32
      %sub3A_613 = arith.subi %div3A_592, %sub3A_612 : i32
      %select_n3A_614 = arith.select %and3A_611, %sub3A_613, %div3A_592 : i32
      %rem3A_615 = arith.constant 128 : i32
      %rem3A_616 = arith.remsi %add3A_590, %rem3A_615 : i32
      %mul3A_617 = arith.constant 512 : i32
      %mul3A_618 = arith.muli %select_n3A_614, %mul3A_617 : i32
      %add3A_619 = arith.constant 128 : i32
      %add3A_620 = arith.addi %mul3A_618, %add3A_619 : i32
      %add3A_621 = arith.addi %add3A_620, %rem3A_616 : i32
      %mul3A_622 = arith.constant 1024 : i32
      %mul3A_623 = arith.muli %add3A_621, %mul3A_622 : i32
      %dma_start3A_624 = arith.constant 1024 : i32
      %dma_start3A_625 = tpu.memref_slice %arg12[%dma_start3A_624] : memref<4096xf32, #tpu.memory_space<vmem>> -> memref<1024xf32, #tpu.memory_space<vmem>>
      %dma_start3A_626 = tpu.memref_slice %arg4[%mul3A_623] : memref<26214400xf32, #tpu.memory_space<hbm>> -> memref<1024xf32, #tpu.memory_space<hbm>>
      %dma_start3A_627 = tpu.memref_slice %arg4[%mul3A_623] : memref<26214400xf32, #tpu.memory_space<hbm>> -> memref<1024xf32, #tpu.memory_space<hbm>>
      %dma_start3A_628 = arith.constant 1024 : i32
      %dma_start3A_629 = tpu.memref_slice %arg12[%dma_start3A_628] : memref<4096xf32, #tpu.memory_space<vmem>> -> memref<1024xf32, #tpu.memory_space<vmem>>
      tpu.enqueue_dma source(%dma_start3A_629 : memref<1024xf32, #tpu.memory_space<vmem>>) target(%dma_start3A_627 : memref<1024xf32, #tpu.memory_space<hbm>>) target_semaphore(%arg18 : memref<!tpu.dma_semaphore, #tpu.memory_space<semaphore_mem>>)
      %add3A_630 = arith.addi %mul3A_4, %add3A_533 : i32
      %jit3A_631 = arith.constant 128 : i32
      %div3A_632 = arith.divsi %add3A_630, %jit3A_631 : i32
      %sign3A_633 = arith.constant 0 : i32
      %sign3A_634 = arith.cmpi sgt, %add3A_630, %sign3A_633 : i32
      %sign3A_635 = arith.extui %sign3A_634 : i1 to i32
      %sign3A_636 = arith.constant 0 : i32
      %sign3A_637 = arith.cmpi slt, %add3A_630, %sign3A_636 : i32
      %sign3A_638 = arith.extui %sign3A_637 : i1 to i32
      %sign3A_639 = arith.subi %sign3A_635, %sign3A_638 : i32
      %sign3A_640 = arith.constant 0 : i32
      %sign3A_641 = arith.cmpi sgt, %jit3A_631, %sign3A_640 : i32
      %sign3A_642 = arith.extui %sign3A_641 : i1 to i32
      %sign3A_643 = arith.constant 0 : i32
      %sign3A_644 = arith.cmpi slt, %jit3A_631, %sign3A_643 : i32
      %sign3A_645 = arith.extui %sign3A_644 : i1 to i32
      %sign3A_646 = arith.subi %sign3A_642, %sign3A_645 : i32
      %ne3A_647 = arith.cmpi ne, %sign3A_639, %sign3A_646 : i32
      %rem3A_648 = arith.remsi %add3A_630, %jit3A_631 : i32
      %ne3A_649 = arith.constant 0 : i32
      %ne3A_650 = arith.cmpi ne, %rem3A_648, %ne3A_649 : i32
      %and3A_651 = arith.andi %ne3A_647, %ne3A_650 : i1
      %sub3A_652 = arith.constant 1 : i32
      %sub3A_653 = arith.subi %div3A_632, %sub3A_652 : i32
      %select_n3A_654 = arith.select %and3A_651, %sub3A_653, %div3A_632 : i32
      %rem3A_655 = arith.constant 128 : i32
      %rem3A_656 = arith.remsi %add3A_630, %rem3A_655 : i32
      %mul3A_657 = arith.constant 512 : i32
      %mul3A_658 = arith.muli %select_n3A_654, %mul3A_657 : i32
      %add3A_659 = arith.constant 256 : i32
      %add3A_660 = arith.addi %mul3A_658, %add3A_659 : i32
      %add3A_661 = arith.addi %add3A_660, %rem3A_656 : i32
      %mul3A_662 = arith.constant 1024 : i32
      %mul3A_663 = arith.muli %add3A_661, %mul3A_662 : i32
      %dma_start3A_664 = arith.constant 2048 : i32
      %dma_start3A_665 = tpu.memref_slice %arg12[%dma_start3A_664] : memref<4096xf32, #tpu.memory_space<vmem>> -> memref<1024xf32, #tpu.memory_space<vmem>>
      %dma_start3A_666 = tpu.memref_slice %arg4[%mul3A_663] : memref<26214400xf32, #tpu.memory_space<hbm>> -> memref<1024xf32, #tpu.memory_space<hbm>>
      %dma_start3A_667 = tpu.memref_slice %arg4[%mul3A_663] : memref<26214400xf32, #tpu.memory_space<hbm>> -> memref<1024xf32, #tpu.memory_space<hbm>>
      %dma_start3A_668 = arith.constant 2048 : i32
      %dma_start3A_669 = tpu.memref_slice %arg12[%dma_start3A_668] : memref<4096xf32, #tpu.memory_space<vmem>> -> memref<1024xf32, #tpu.memory_space<vmem>>
      tpu.enqueue_dma source(%dma_start3A_669 : memref<1024xf32, #tpu.memory_space<vmem>>) target(%dma_start3A_667 : memref<1024xf32, #tpu.memory_space<hbm>>) target_semaphore(%arg18 : memref<!tpu.dma_semaphore, #tpu.memory_space<semaphore_mem>>)
      %add3A_670 = arith.addi %mul3A_4, %add3A_533 : i32
      %jit3A_671 = arith.constant 128 : i32
      %div3A_672 = arith.divsi %add3A_670, %jit3A_671 : i32
      %sign3A_673 = arith.constant 0 : i32
      %sign3A_674 = arith.cmpi sgt, %add3A_670, %sign3A_673 : i32
      %sign3A_675 = arith.extui %sign3A_674 : i1 to i32
      %sign3A_676 = arith.constant 0 : i32
      %sign3A_677 = arith.cmpi slt, %add3A_670, %sign3A_676 : i32
      %sign3A_678 = arith.extui %sign3A_677 : i1 to i32
      %sign3A_679 = arith.subi %sign3A_675, %sign3A_678 : i32
      %sign3A_680 = arith.constant 0 : i32
      %sign3A_681 = arith.cmpi sgt, %jit3A_671, %sign3A_680 : i32
      %sign3A_682 = arith.extui %sign3A_681 : i1 to i32
      %sign3A_683 = arith.constant 0 : i32
      %sign3A_684 = arith.cmpi slt, %jit3A_671, %sign3A_683 : i32
      %sign3A_685 = arith.extui %sign3A_684 : i1 to i32
      %sign3A_686 = arith.subi %sign3A_682, %sign3A_685 : i32
      %ne3A_687 = arith.cmpi ne, %sign3A_679, %sign3A_686 : i32
      %rem3A_688 = arith.remsi %add3A_670, %jit3A_671 : i32
      %ne3A_689 = arith.constant 0 : i32
      %ne3A_690 = arith.cmpi ne, %rem3A_688, %ne3A_689 : i32
      %and3A_691 = arith.andi %ne3A_687, %ne3A_690 : i1
      %sub3A_692 = arith.constant 1 : i32
      %sub3A_693 = arith.subi %div3A_672, %sub3A_692 : i32
      %select_n3A_694 = arith.select %and3A_691, %sub3A_693, %div3A_672 : i32
      %rem3A_695 = arith.constant 128 : i32
      %rem3A_696 = arith.remsi %add3A_670, %rem3A_695 : i32
      %mul3A_697 = arith.constant 512 : i32
      %mul3A_698 = arith.muli %select_n3A_694, %mul3A_697 : i32
      %add3A_699 = arith.constant 384 : i32
      %add3A_700 = arith.addi %mul3A_698, %add3A_699 : i32
      %add3A_701 = arith.addi %add3A_700, %rem3A_696 : i32
      %mul3A_702 = arith.constant 1024 : i32
      %mul3A_703 = arith.muli %add3A_701, %mul3A_702 : i32
      %dma_start3A_704 = arith.constant 3072 : i32
      %dma_start3A_705 = tpu.memref_slice %arg12[%dma_start3A_704] : memref<4096xf32, #tpu.memory_space<vmem>> -> memref<1024xf32, #tpu.memory_space<vmem>>
      %dma_start3A_706 = tpu.memref_slice %arg4[%mul3A_703] : memref<26214400xf32, #tpu.memory_space<hbm>> -> memref<1024xf32, #tpu.memory_space<hbm>>
      %dma_start3A_707 = tpu.memref_slice %arg4[%mul3A_703] : memref<26214400xf32, #tpu.memory_space<hbm>> -> memref<1024xf32, #tpu.memory_space<hbm>>
      %dma_start3A_708 = arith.constant 3072 : i32
      %dma_start3A_709 = tpu.memref_slice %arg12[%dma_start3A_708] : memref<4096xf32, #tpu.memory_space<vmem>> -> memref<1024xf32, #tpu.memory_space<vmem>>
      tpu.enqueue_dma source(%dma_start3A_709 : memref<1024xf32, #tpu.memory_space<vmem>>) target(%dma_start3A_707 : memref<1024xf32, #tpu.memory_space<hbm>>) target_semaphore(%arg18 : memref<!tpu.dma_semaphore, #tpu.memory_space<semaphore_mem>>)
      %add3A_710 = arith.constant 3 : i32
      %add3A_711 = arith.addi %add3A_533, %add3A_710 : i32
      %lt3A_712 = arith.constant 200 : i32
      %lt3A_713 = arith.cmpi slt, %add3A_711, %lt3A_712 : i32
      %convert_element_type3A_714 = arith.extui %lt3A_713 : i1 to i32
      %cond3A_715 = arith.constant 0 : i32
      %cond3A_716 = arith.cmpi ne, %convert_element_type3A_714, %cond3A_715 : i32
      scf.if %cond3A_716 {
        %add3A_1091 = arith.constant 3 : i32
        %add3A_1092 = arith.addi %add3A_533, %add3A_1091 : i32
        %mul3A_1093 = arith.constant 128 : i32
        %mul3A_1094 = arith.muli %add3A_1092, %mul3A_1093 : i32
        %dma_start3A_1095 = tpu.memref_slice %arg6[%mul3A_1094] : memref<25600xi32, #tpu.memory_space<vmem>> -> memref<128xi32, #tpu.memory_space<vmem>>
        %dma_start3A_1096 = arith.constant 0 : i32
        %dma_start3A_1097 = arith.constant 0 : i32
        %dma_start3A_1098 = tpu.memref_slice %arg3[%dma_start3A_1096, %dma_start3A_1097] : memref<250000x128xf32, #tpu.memory_space<hbm>> -> memref<250000x128xf32, #tpu.memory_space<hbm>>
        tpu.enqueue_indirect_dma source(%dma_start3A_1098 : memref<250000x128xf32, #tpu.memory_space<hbm>>) target(%arg7 : memref<128x128xf32, #tpu.memory_space<vmem>>) offsets(%dma_start3A_1095 : memref<128xi32, #tpu.memory_space<vmem>>) semaphore(%arg13 : memref<!tpu.dma_semaphore, #tpu.memory_space<semaphore_mem>>)
      } else {
      }
      %mul3A_717 = arith.constant 4 : i32
      %mul3A_718 = arith.muli %scan3A_346, %mul3A_717 : i32
      %add3A_719 = arith.constant 2 : i32
      %add3A_720 = arith.addi %mul3A_718, %add3A_719 : i32
      %ge3A_721 = arith.constant 2 : i32
      %ge3A_722 = arith.cmpi sge, %add3A_720, %ge3A_721 : i32
      %convert_element_type3A_723 = arith.extui %ge3A_722 : i1 to i32
      %cond3A_724 = arith.constant 0 : i32
      %cond3A_725 = arith.cmpi ne, %convert_element_type3A_723, %cond3A_724 : i32
      scf.if %cond3A_725 {
        %sub3A_1091 = arith.constant 2 : i32
        %sub3A_1092 = arith.subi %add3A_720, %sub3A_1091 : i32
        %add3A_1093 = arith.addi %mul3A_4, %sub3A_1092 : i32
        %jit3A_1094 = arith.constant 128 : i32
        %div3A_1095 = arith.divsi %add3A_1093, %jit3A_1094 : i32
        %sign3A_1096 = arith.constant 0 : i32
        %sign3A_1097 = arith.cmpi sgt, %add3A_1093, %sign3A_1096 : i32
        %sign3A_1098 = arith.extui %sign3A_1097 : i1 to i32
        %sign3A_1099 = arith.constant 0 : i32
        %sign3A_1100 = arith.cmpi slt, %add3A_1093, %sign3A_1099 : i32
        %sign3A_1101 = arith.extui %sign3A_1100 : i1 to i32
        %sign3A_1102 = arith.subi %sign3A_1098, %sign3A_1101 : i32
        %sign3A_1103 = arith.constant 0 : i32
        %sign3A_1104 = arith.cmpi sgt, %jit3A_1094, %sign3A_1103 : i32
        %sign3A_1105 = arith.extui %sign3A_1104 : i1 to i32
        %sign3A_1106 = arith.constant 0 : i32
        %sign3A_1107 = arith.cmpi slt, %jit3A_1094, %sign3A_1106 : i32
        %sign3A_1108 = arith.extui %sign3A_1107 : i1 to i32
        %sign3A_1109 = arith.subi %sign3A_1105, %sign3A_1108 : i32
        %ne3A_1110 = arith.cmpi ne, %sign3A_1102, %sign3A_1109 : i32
        %rem3A_1111 = arith.remsi %add3A_1093, %jit3A_1094 : i32
        %ne3A_1112 = arith.constant 0 : i32
        %ne3A_1113 = arith.cmpi ne, %rem3A_1111, %ne3A_1112 : i32
        %and3A_1114 = arith.andi %ne3A_1110, %ne3A_1113 : i1
        %sub3A_1115 = arith.constant 1 : i32
        %sub3A_1116 = arith.subi %div3A_1095, %sub3A_1115 : i32
        %select_n3A_1117 = arith.select %and3A_1114, %sub3A_1116, %div3A_1095 : i32
        %rem3A_1118 = arith.constant 128 : i32
        %rem3A_1119 = arith.remsi %add3A_1093, %rem3A_1118 : i32
        %mul3A_1120 = arith.constant 512 : i32
        %mul3A_1121 = arith.muli %select_n3A_1117, %mul3A_1120 : i32
        %add3A_1122 = arith.constant 0 : i32
        %add3A_1123 = arith.addi %mul3A_1121, %add3A_1122 : i32
        %add3A_1124 = arith.addi %add3A_1123, %rem3A_1119 : i32
        %mul3A_1125 = arith.constant 1024 : i32
        %mul3A_1126 = arith.muli %add3A_1124, %mul3A_1125 : i32
        %dma_wait3A_1127 = arith.constant 0 : i32
        %dma_wait3A_1128 = tpu.memref_slice %arg11[%dma_wait3A_1127] : memref<4096xf32, #tpu.memory_space<vmem>> -> memref<1024xf32, #tpu.memory_space<vmem>>
        %dma_wait3A_1129 = tpu.memref_slice %arg4[%mul3A_1126] : memref<26214400xf32, #tpu.memory_space<hbm>> -> memref<1024xf32, #tpu.memory_space<hbm>>
        %dma_wait3A_1130 = tpu.memref_slice %arg4[%mul3A_1126] : memref<26214400xf32, #tpu.memory_space<hbm>> -> memref<1024xf32, #tpu.memory_space<hbm>>
        %dma_wait3A_1131 = arith.constant 0 : i32
        %dma_wait3A_1132 = tpu.memref_slice %arg11[%dma_wait3A_1131] : memref<4096xf32, #tpu.memory_space<vmem>> -> memref<1024xf32, #tpu.memory_space<vmem>>
        tpu.wait_dma2 semaphore(%arg17 : memref<!tpu.dma_semaphore, #tpu.memory_space<semaphore_mem>>) src(%dma_wait3A_1132 : memref<1024xf32, #tpu.memory_space<vmem>>) dst(%dma_wait3A_1130 : memref<1024xf32, #tpu.memory_space<hbm>>)
        %add3A_1133 = arith.addi %mul3A_4, %sub3A_1092 : i32
        %jit3A_1134 = arith.constant 128 : i32
        %div3A_1135 = arith.divsi %add3A_1133, %jit3A_1134 : i32
        %sign3A_1136 = arith.constant 0 : i32
        %sign3A_1137 = arith.cmpi sgt, %add3A_1133, %sign3A_1136 : i32
        %sign3A_1138 = arith.extui %sign3A_1137 : i1 to i32
        %sign3A_1139 = arith.constant 0 : i32
        %sign3A_1140 = arith.cmpi slt, %add3A_1133, %sign3A_1139 : i32
        %sign3A_1141 = arith.extui %sign3A_1140 : i1 to i32
        %sign3A_1142 = arith.subi %sign3A_1138, %sign3A_1141 : i32
        %sign3A_1143 = arith.constant 0 : i32
        %sign3A_1144 = arith.cmpi sgt, %jit3A_1134, %sign3A_1143 : i32
        %sign3A_1145 = arith.extui %sign3A_1144 : i1 to i32
        %sign3A_1146 = arith.constant 0 : i32
        %sign3A_1147 = arith.cmpi slt, %jit3A_1134, %sign3A_1146 : i32
        %sign3A_1148 = arith.extui %sign3A_1147 : i1 to i32
        %sign3A_1149 = arith.subi %sign3A_1145, %sign3A_1148 : i32
        %ne3A_1150 = arith.cmpi ne, %sign3A_1142, %sign3A_1149 : i32
        %rem3A_1151 = arith.remsi %add3A_1133, %jit3A_1134 : i32
        %ne3A_1152 = arith.constant 0 : i32
        %ne3A_1153 = arith.cmpi ne, %rem3A_1151, %ne3A_1152 : i32
        %and3A_1154 = arith.andi %ne3A_1150, %ne3A_1153 : i1
        %sub3A_1155 = arith.constant 1 : i32
        %sub3A_1156 = arith.subi %div3A_1135, %sub3A_1155 : i32
        %select_n3A_1157 = arith.select %and3A_1154, %sub3A_1156, %div3A_1135 : i32
        %rem3A_1158 = arith.constant 128 : i32
        %rem3A_1159 = arith.remsi %add3A_1133, %rem3A_1158 : i32
        %mul3A_1160 = arith.constant 512 : i32
        %mul3A_1161 = arith.muli %select_n3A_1157, %mul3A_1160 : i32
        %add3A_1162 = arith.constant 128 : i32
        %add3A_1163 = arith.addi %mul3A_1161, %add3A_1162 : i32
        %add3A_1164 = arith.addi %add3A_1163, %rem3A_1159 : i32
        %mul3A_1165 = arith.constant 1024 : i32
        %mul3A_1166 = arith.muli %add3A_1164, %mul3A_1165 : i32
        %dma_wait3A_1167 = arith.constant 1024 : i32
        %dma_wait3A_1168 = tpu.memref_slice %arg11[%dma_wait3A_1167] : memref<4096xf32, #tpu.memory_space<vmem>> -> memref<1024xf32, #tpu.memory_space<vmem>>
        %dma_wait3A_1169 = tpu.memref_slice %arg4[%mul3A_1166] : memref<26214400xf32, #tpu.memory_space<hbm>> -> memref<1024xf32, #tpu.memory_space<hbm>>
        %dma_wait3A_1170 = tpu.memref_slice %arg4[%mul3A_1166] : memref<26214400xf32, #tpu.memory_space<hbm>> -> memref<1024xf32, #tpu.memory_space<hbm>>
        %dma_wait3A_1171 = arith.constant 1024 : i32
        %dma_wait3A_1172 = tpu.memref_slice %arg11[%dma_wait3A_1171] : memref<4096xf32, #tpu.memory_space<vmem>> -> memref<1024xf32, #tpu.memory_space<vmem>>
        tpu.wait_dma2 semaphore(%arg17 : memref<!tpu.dma_semaphore, #tpu.memory_space<semaphore_mem>>) src(%dma_wait3A_1172 : memref<1024xf32, #tpu.memory_space<vmem>>) dst(%dma_wait3A_1170 : memref<1024xf32, #tpu.memory_space<hbm>>)
        %add3A_1173 = arith.addi %mul3A_4, %sub3A_1092 : i32
        %jit3A_1174 = arith.constant 128 : i32
        %div3A_1175 = arith.divsi %add3A_1173, %jit3A_1174 : i32
        %sign3A_1176 = arith.constant 0 : i32
        %sign3A_1177 = arith.cmpi sgt, %add3A_1173, %sign3A_1176 : i32
        %sign3A_1178 = arith.extui %sign3A_1177 : i1 to i32
        %sign3A_1179 = arith.constant 0 : i32
        %sign3A_1180 = arith.cmpi slt, %add3A_1173, %sign3A_1179 : i32
        %sign3A_1181 = arith.extui %sign3A_1180 : i1 to i32
        %sign3A_1182 = arith.subi %sign3A_1178, %sign3A_1181 : i32
        %sign3A_1183 = arith.constant 0 : i32
        %sign3A_1184 = arith.cmpi sgt, %jit3A_1174, %sign3A_1183 : i32
        %sign3A_1185 = arith.extui %sign3A_1184 : i1 to i32
        %sign3A_1186 = arith.constant 0 : i32
        %sign3A_1187 = arith.cmpi slt, %jit3A_1174, %sign3A_1186 : i32
        %sign3A_1188 = arith.extui %sign3A_1187 : i1 to i32
        %sign3A_1189 = arith.subi %sign3A_1185, %sign3A_1188 : i32
        %ne3A_1190 = arith.cmpi ne, %sign3A_1182, %sign3A_1189 : i32
        %rem3A_1191 = arith.remsi %add3A_1173, %jit3A_1174 : i32
        %ne3A_1192 = arith.constant 0 : i32
        %ne3A_1193 = arith.cmpi ne, %rem3A_1191, %ne3A_1192 : i32
        %and3A_1194 = arith.andi %ne3A_1190, %ne3A_1193 : i1
        %sub3A_1195 = arith.constant 1 : i32
        %sub3A_1196 = arith.subi %div3A_1175, %sub3A_1195 : i32
        %select_n3A_1197 = arith.select %and3A_1194, %sub3A_1196, %div3A_1175 : i32
        %rem3A_1198 = arith.constant 128 : i32
        %rem3A_1199 = arith.remsi %add3A_1173, %rem3A_1198 : i32
        %mul3A_1200 = arith.constant 512 : i32
        %mul3A_1201 = arith.muli %select_n3A_1197, %mul3A_1200 : i32
        %add3A_1202 = arith.constant 256 : i32
        %add3A_1203 = arith.addi %mul3A_1201, %add3A_1202 : i32
        %add3A_1204 = arith.addi %add3A_1203, %rem3A_1199 : i32
        %mul3A_1205 = arith.constant 1024 : i32
        %mul3A_1206 = arith.muli %add3A_1204, %mul3A_1205 : i32
        %dma_wait3A_1207 = arith.constant 2048 : i32
        %dma_wait3A_1208 = tpu.memref_slice %arg11[%dma_wait3A_1207] : memref<4096xf32, #tpu.memory_space<vmem>> -> memref<1024xf32, #tpu.memory_space<vmem>>
        %dma_wait3A_1209 = tpu.memref_slice %arg4[%mul3A_1206] : memref<26214400xf32, #tpu.memory_space<hbm>> -> memref<1024xf32, #tpu.memory_space<hbm>>
        %dma_wait3A_1210 = tpu.memref_slice %arg4[%mul3A_1206] : memref<26214400xf32, #tpu.memory_space<hbm>> -> memref<1024xf32, #tpu.memory_space<hbm>>
        %dma_wait3A_1211 = arith.constant 2048 : i32
        %dma_wait3A_1212 = tpu.memref_slice %arg11[%dma_wait3A_1211] : memref<4096xf32, #tpu.memory_space<vmem>> -> memref<1024xf32, #tpu.memory_space<vmem>>
        tpu.wait_dma2 semaphore(%arg17 : memref<!tpu.dma_semaphore, #tpu.memory_space<semaphore_mem>>) src(%dma_wait3A_1212 : memref<1024xf32, #tpu.memory_space<vmem>>) dst(%dma_wait3A_1210 : memref<1024xf32, #tpu.memory_space<hbm>>)
        %add3A_1213 = arith.addi %mul3A_4, %sub3A_1092 : i32
        %jit3A_1214 = arith.constant 128 : i32
        %div3A_1215 = arith.divsi %add3A_1213, %jit3A_1214 : i32
        %sign3A_1216 = arith.constant 0 : i32
        %sign3A_1217 = arith.cmpi sgt, %add3A_1213, %sign3A_1216 : i32
        %sign3A_1218 = arith.extui %sign3A_1217 : i1 to i32
        %sign3A_1219 = arith.constant 0 : i32
        %sign3A_1220 = arith.cmpi slt, %add3A_1213, %sign3A_1219 : i32
        %sign3A_1221 = arith.extui %sign3A_1220 : i1 to i32
        %sign3A_1222 = arith.subi %sign3A_1218, %sign3A_1221 : i32
        %sign3A_1223 = arith.constant 0 : i32
        %sign3A_1224 = arith.cmpi sgt, %jit3A_1214, %sign3A_1223 : i32
        %sign3A_1225 = arith.extui %sign3A_1224 : i1 to i32
        %sign3A_1226 = arith.constant 0 : i32
        %sign3A_1227 = arith.cmpi slt, %jit3A_1214, %sign3A_1226 : i32
        %sign3A_1228 = arith.extui %sign3A_1227 : i1 to i32
        %sign3A_1229 = arith.subi %sign3A_1225, %sign3A_1228 : i32
        %ne3A_1230 = arith.cmpi ne, %sign3A_1222, %sign3A_1229 : i32
        %rem3A_1231 = arith.remsi %add3A_1213, %jit3A_1214 : i32
        %ne3A_1232 = arith.constant 0 : i32
        %ne3A_1233 = arith.cmpi ne, %rem3A_1231, %ne3A_1232 : i32
        %and3A_1234 = arith.andi %ne3A_1230, %ne3A_1233 : i1
        %sub3A_1235 = arith.constant 1 : i32
        %sub3A_1236 = arith.subi %div3A_1215, %sub3A_1235 : i32
        %select_n3A_1237 = arith.select %and3A_1234, %sub3A_1236, %div3A_1215 : i32
        %rem3A_1238 = arith.constant 128 : i32
        %rem3A_1239 = arith.remsi %add3A_1213, %rem3A_1238 : i32
        %mul3A_1240 = arith.constant 512 : i32
        %mul3A_1241 = arith.muli %select_n3A_1237, %mul3A_1240 : i32
        %add3A_1242 = arith.constant 384 : i32
        %add3A_1243 = arith.addi %mul3A_1241, %add3A_1242 : i32
        %add3A_1244 = arith.addi %add3A_1243, %rem3A_1239 : i32
        %mul3A_1245 = arith.constant 1024 : i32
        %mul3A_1246 = arith.muli %add3A_1244, %mul3A_1245 : i32
        %dma_wait3A_1247 = arith.constant 3072 : i32
        %dma_wait3A_1248 = tpu.memref_slice %arg11[%dma_wait3A_1247] : memref<4096xf32, #tpu.memory_space<vmem>> -> memref<1024xf32, #tpu.memory_space<vmem>>
        %dma_wait3A_1249 = tpu.memref_slice %arg4[%mul3A_1246] : memref<26214400xf32, #tpu.memory_space<hbm>> -> memref<1024xf32, #tpu.memory_space<hbm>>
        %dma_wait3A_1250 = tpu.memref_slice %arg4[%mul3A_1246] : memref<26214400xf32, #tpu.memory_space<hbm>> -> memref<1024xf32, #tpu.memory_space<hbm>>
        %dma_wait3A_1251 = arith.constant 3072 : i32
        %dma_wait3A_1252 = tpu.memref_slice %arg11[%dma_wait3A_1251] : memref<4096xf32, #tpu.memory_space<vmem>> -> memref<1024xf32, #tpu.memory_space<vmem>>
        tpu.wait_dma2 semaphore(%arg17 : memref<!tpu.dma_semaphore, #tpu.memory_space<semaphore_mem>>) src(%dma_wait3A_1252 : memref<1024xf32, #tpu.memory_space<vmem>>) dst(%dma_wait3A_1250 : memref<1024xf32, #tpu.memory_space<hbm>>)
      } else {
      }
      %mul3A_726 = arith.constant 128 : i32
      %mul3A_727 = arith.muli %add3A_720, %mul3A_726 : i32
      %dma_wait3A_728 = tpu.memref_slice %arg6[%mul3A_727] : memref<25600xi32, #tpu.memory_space<vmem>> -> memref<128xi32, #tpu.memory_space<vmem>>
      %dma_wait3A_729 = arith.constant 0 : i32
      %dma_wait3A_730 = arith.constant 0 : i32
      %dma_wait3A_731 = tpu.memref_slice %arg3[%dma_wait3A_729, %dma_wait3A_730] : memref<250000x128xf32, #tpu.memory_space<hbm>> -> memref<250000x128xf32, #tpu.memory_space<hbm>>
      tpu.wait_indirect_dma semaphore(%arg15 : memref<!tpu.dma_semaphore, #tpu.memory_space<semaphore_mem>>) src(%dma_wait3A_731 : memref<250000x128xf32, #tpu.memory_space<hbm>>) dst(%arg9 : memref<128x128xf32, #tpu.memory_space<vmem>>)
      %mul3A_732 = arith.constant 128 : i32
      %mul3A_733 = arith.muli %add3A_720, %mul3A_732 : i32
      %parallel_loop3A_734 = arith.constant 0 : i32
      %parallel_loop3A_735 = arith.constant 256 : i32
      %parallel_loop3A_736 = arith.constant 1 : i32
      scf.for %parallel_loop3A_1091 = %parallel_loop3A_734 to %parallel_loop3A_735 step %parallel_loop3A_736  : i32 {
        %parallel_loop3A_1092 = arith.constant 8 : i32
        %parallel_loop3A_1093 = arith.divsi %parallel_loop3A_1091, %parallel_loop3A_1092 : i32
        %parallel_loop3A_1094 = arith.constant 0 : i32
        %parallel_loop3A_1095 = arith.cmpi sgt, %parallel_loop3A_1091, %parallel_loop3A_1094 : i32
        %parallel_loop3A_1096 = arith.extui %parallel_loop3A_1095 : i1 to i32
        %parallel_loop3A_1097 = arith.constant 0 : i32
        %parallel_loop3A_1098 = arith.cmpi slt, %parallel_loop3A_1091, %parallel_loop3A_1097 : i32
        %parallel_loop3A_1099 = arith.extui %parallel_loop3A_1098 : i1 to i32
        %parallel_loop3A_1100 = arith.subi %parallel_loop3A_1096, %parallel_loop3A_1099 : i32
        %parallel_loop3A_1101 = arith.constant 0 : i32
        %parallel_loop3A_1102 = arith.cmpi sgt, %parallel_loop3A_1092, %parallel_loop3A_1101 : i32
        %parallel_loop3A_1103 = arith.extui %parallel_loop3A_1102 : i1 to i32
        %parallel_loop3A_1104 = arith.constant 0 : i32
        %parallel_loop3A_1105 = arith.cmpi slt, %parallel_loop3A_1092, %parallel_loop3A_1104 : i32
        %parallel_loop3A_1106 = arith.extui %parallel_loop3A_1105 : i1 to i32
        %parallel_loop3A_1107 = arith.subi %parallel_loop3A_1103, %parallel_loop3A_1106 : i32
        %parallel_loop3A_1108 = arith.cmpi ne, %parallel_loop3A_1100, %parallel_loop3A_1107 : i32
        %parallel_loop3A_1109 = arith.remsi %parallel_loop3A_1091, %parallel_loop3A_1092 : i32
        %parallel_loop3A_1110 = arith.constant 0 : i32
        %parallel_loop3A_1111 = arith.cmpi ne, %parallel_loop3A_1109, %parallel_loop3A_1110 : i32
        %parallel_loop3A_1112 = arith.andi %parallel_loop3A_1108, %parallel_loop3A_1111 : i1
        %parallel_loop3A_1113 = arith.constant 1 : i32
        %parallel_loop3A_1114 = arith.subi %parallel_loop3A_1093, %parallel_loop3A_1113 : i32
        %parallel_loop3A_1115 = arith.select %parallel_loop3A_1112, %parallel_loop3A_1114, %parallel_loop3A_1093 : i32
        %parallel_loop3A_1116 = arith.constant 8 : i32
        %parallel_loop3A_1117 = arith.constant 0 : i32
        %parallel_loop3A_1118 = arith.cmpi eq, %parallel_loop3A_1116, %parallel_loop3A_1117 : i32
        %parallel_loop3A_1119 = arith.constant 1 : i32
        %parallel_loop3A_1120 = arith.select %parallel_loop3A_1118, %parallel_loop3A_1119, %parallel_loop3A_1116 : i32
        %parallel_loop3A_1121 = arith.remsi %parallel_loop3A_1091, %parallel_loop3A_1120 : i32
        %parallel_loop3A_1122 = arith.constant 0 : i32
        %parallel_loop3A_1123 = arith.cmpi ne, %parallel_loop3A_1121, %parallel_loop3A_1122 : i32
        %parallel_loop3A_1124 = arith.constant 0 : i32
        %parallel_loop3A_1125 = arith.cmpi slt, %parallel_loop3A_1121, %parallel_loop3A_1124 : i32
        %parallel_loop3A_1126 = arith.constant 0 : i32
        %parallel_loop3A_1127 = arith.cmpi slt, %parallel_loop3A_1120, %parallel_loop3A_1126 : i32
        %parallel_loop3A_1128 = arith.xori %parallel_loop3A_1125, %parallel_loop3A_1127 : i1
        %parallel_loop3A_1129 = arith.andi %parallel_loop3A_1128, %parallel_loop3A_1123 : i1
        %parallel_loop3A_1130 = arith.addi %parallel_loop3A_1121, %parallel_loop3A_1120 : i32
        %parallel_loop3A_1131 = arith.select %parallel_loop3A_1129, %parallel_loop3A_1130, %parallel_loop3A_1121 : i32
        %parallel_loop3A_1132 = arith.constant 16 : i32
        %parallel_loop3A_1133 = arith.muli %parallel_loop3A_1131, %parallel_loop3A_1132 : i32
        %parallel_loop3A_1134 = arith.addi %mul3A_733, %parallel_loop3A_1133 : i32
        %parallel_loop3A_1135 = arith.index_cast %parallel_loop3A_1134 : i32 to index
        %parallel_loop3A_1136 = tpu.vector_load %arg5[%parallel_loop3A_1135] {strides = array<i32>} : memref<25600xi32, #tpu.memory_space<vmem>>, vector<16xi32>,
        %parallel_loop3A_1137 = arith.constant 16 : i32
        %parallel_loop3A_1138 = arith.muli %parallel_loop3A_1131, %parallel_loop3A_1137 : i32
        %parallel_loop3A_1139 = vector.broadcast %parallel_loop3A_1138 : i32 to vector<16xi32>
        %parallel_loop3A_1140 = arith.addi %iota3A, %parallel_loop3A_1139 : vector<16xi32>
        %parallel_loop3A_1141 = vector.broadcast %parallel_loop3A_1115 : i32 to vector<16xi32>
        %parallel_loop3A_1142 = arith.addi %parallel_loop3A_1136, %parallel_loop3A_1141 : vector<16xi32>
        %parallel_loop3A_1143 = tpu.vector_load_idx %arg9[%parallel_loop3A_1140, %parallel_loop3A_1142] : memref<128x128xf32, #tpu.memory_space<vmem>>[vector<16xi32>, vector<16xi32>], vector<16xf32>,
        %parallel_loop3A_1144 = arith.constant 8 : i32
        %parallel_loop3A_1145 = arith.divsi %parallel_loop3A_1115, %parallel_loop3A_1144 : i32
        %parallel_loop3A_1146 = arith.constant 0 : i32
        %parallel_loop3A_1147 = arith.cmpi sgt, %parallel_loop3A_1115, %parallel_loop3A_1146 : i32
        %parallel_loop3A_1148 = arith.extui %parallel_loop3A_1147 : i1 to i32
        %parallel_loop3A_1149 = arith.constant 0 : i32
        %parallel_loop3A_1150 = arith.cmpi slt, %parallel_loop3A_1115, %parallel_loop3A_1149 : i32
        %parallel_loop3A_1151 = arith.extui %parallel_loop3A_1150 : i1 to i32
        %parallel_loop3A_1152 = arith.subi %parallel_loop3A_1148, %parallel_loop3A_1151 : i32
        %parallel_loop3A_1153 = arith.constant 0 : i32
        %parallel_loop3A_1154 = arith.cmpi sgt, %parallel_loop3A_1144, %parallel_loop3A_1153 : i32
        %parallel_loop3A_1155 = arith.extui %parallel_loop3A_1154 : i1 to i32
        %parallel_loop3A_1156 = arith.constant 0 : i32
        %parallel_loop3A_1157 = arith.cmpi slt, %parallel_loop3A_1144, %parallel_loop3A_1156 : i32
        %parallel_loop3A_1158 = arith.extui %parallel_loop3A_1157 : i1 to i32
        %parallel_loop3A_1159 = arith.subi %parallel_loop3A_1155, %parallel_loop3A_1158 : i32
        %parallel_loop3A_1160 = arith.cmpi ne, %parallel_loop3A_1152, %parallel_loop3A_1159 : i32
        %parallel_loop3A_1161 = arith.remsi %parallel_loop3A_1115, %parallel_loop3A_1144 : i32
        %parallel_loop3A_1162 = arith.constant 0 : i32
        %parallel_loop3A_1163 = arith.cmpi ne, %parallel_loop3A_1161, %parallel_loop3A_1162 : i32
        %parallel_loop3A_1164 = arith.andi %parallel_loop3A_1160, %parallel_loop3A_1163 : i1
        %parallel_loop3A_1165 = arith.constant 1 : i32
        %parallel_loop3A_1166 = arith.subi %parallel_loop3A_1145, %parallel_loop3A_1165 : i32
        %parallel_loop3A_1167 = arith.select %parallel_loop3A_1164, %parallel_loop3A_1166, %parallel_loop3A_1145 : i32
        %parallel_loop3A_1168 = arith.constant 1024 : i32
        %parallel_loop3A_1169 = arith.muli %parallel_loop3A_1167, %parallel_loop3A_1168 : i32
        %parallel_loop3A_1170 = arith.constant 8 : i32
        %parallel_loop3A_1171 = arith.remsi %parallel_loop3A_1115, %parallel_loop3A_1170 : i32
        %parallel_loop3A_1172 = arith.constant 128 : i32
        %parallel_loop3A_1173 = arith.muli %parallel_loop3A_1171, %parallel_loop3A_1172 : i32
        %parallel_loop3A_1174 = arith.addi %parallel_loop3A_1169, %parallel_loop3A_1173 : i32
        %parallel_loop3A_1175 = arith.constant 16 : i32
        %parallel_loop3A_1176 = arith.muli %parallel_loop3A_1131, %parallel_loop3A_1175 : i32
        %parallel_loop3A_1177 = arith.addi %parallel_loop3A_1174, %parallel_loop3A_1176 : i32
        %parallel_loop3A_1178 = vector.broadcast %parallel_loop3A_1177 : i32 to vector<16xi32>
        %parallel_loop3A_1179 = arith.addi %iota3A, %parallel_loop3A_1178 : vector<16xi32>
        tpu.vector_store_idx %arg11[%parallel_loop3A_1179], %parallel_loop3A_1143 : memref<4096xf32, #tpu.memory_space<vmem>>[vector<16xi32>], vector<16xf32>,
      } {sc.loop_unroll_factor = 32 : i64, sc.parallel_access}
      %add3A_737 = arith.addi %mul3A_4, %add3A_720 : i32
      %jit3A_738 = arith.constant 128 : i32
      %div3A_739 = arith.divsi %add3A_737, %jit3A_738 : i32
      %sign3A_740 = arith.constant 0 : i32
      %sign3A_741 = arith.cmpi sgt, %add3A_737, %sign3A_740 : i32
      %sign3A_742 = arith.extui %sign3A_741 : i1 to i32
      %sign3A_743 = arith.constant 0 : i32
      %sign3A_744 = arith.cmpi slt, %add3A_737, %sign3A_743 : i32
      %sign3A_745 = arith.extui %sign3A_744 : i1 to i32
      %sign3A_746 = arith.subi %sign3A_742, %sign3A_745 : i32
      %sign3A_747 = arith.constant 0 : i32
      %sign3A_748 = arith.cmpi sgt, %jit3A_738, %sign3A_747 : i32
      %sign3A_749 = arith.extui %sign3A_748 : i1 to i32
      %sign3A_750 = arith.constant 0 : i32
      %sign3A_751 = arith.cmpi slt, %jit3A_738, %sign3A_750 : i32
      %sign3A_752 = arith.extui %sign3A_751 : i1 to i32
      %sign3A_753 = arith.subi %sign3A_749, %sign3A_752 : i32
      %ne3A_754 = arith.cmpi ne, %sign3A_746, %sign3A_753 : i32
      %rem3A_755 = arith.remsi %add3A_737, %jit3A_738 : i32
      %ne3A_756 = arith.constant 0 : i32
      %ne3A_757 = arith.cmpi ne, %rem3A_755, %ne3A_756 : i32
      %and3A_758 = arith.andi %ne3A_754, %ne3A_757 : i1
      %sub3A_759 = arith.constant 1 : i32
      %sub3A_760 = arith.subi %div3A_739, %sub3A_759 : i32
      %select_n3A_761 = arith.select %and3A_758, %sub3A_760, %div3A_739 : i32
      %rem3A_762 = arith.constant 128 : i32
      %rem3A_763 = arith.remsi %add3A_737, %rem3A_762 : i32
      %mul3A_764 = arith.constant 512 : i32
      %mul3A_765 = arith.muli %select_n3A_761, %mul3A_764 : i32
      %add3A_766 = arith.constant 0 : i32
      %add3A_767 = arith.addi %mul3A_765, %add3A_766 : i32
      %add3A_768 = arith.addi %add3A_767, %rem3A_763 : i32
      %mul3A_769 = arith.constant 1024 : i32
      %mul3A_770 = arith.muli %add3A_768, %mul3A_769 : i32
      %dma_start3A_771 = arith.constant 0 : i32
      %dma_start3A_772 = tpu.memref_slice %arg11[%dma_start3A_771] : memref<4096xf32, #tpu.memory_space<vmem>> -> memref<1024xf32, #tpu.memory_space<vmem>>
      %dma_start3A_773 = tpu.memref_slice %arg4[%mul3A_770] : memref<26214400xf32, #tpu.memory_space<hbm>> -> memref<1024xf32, #tpu.memory_space<hbm>>
      %dma_start3A_774 = tpu.memref_slice %arg4[%mul3A_770] : memref<26214400xf32, #tpu.memory_space<hbm>> -> memref<1024xf32, #tpu.memory_space<hbm>>
      %dma_start3A_775 = arith.constant 0 : i32
      %dma_start3A_776 = tpu.memref_slice %arg11[%dma_start3A_775] : memref<4096xf32, #tpu.memory_space<vmem>> -> memref<1024xf32, #tpu.memory_space<vmem>>
      tpu.enqueue_dma source(%dma_start3A_776 : memref<1024xf32, #tpu.memory_space<vmem>>) target(%dma_start3A_774 : memref<1024xf32, #tpu.memory_space<hbm>>) target_semaphore(%arg17 : memref<!tpu.dma_semaphore, #tpu.memory_space<semaphore_mem>>)
      %add3A_777 = arith.addi %mul3A_4, %add3A_720 : i32
      %jit3A_778 = arith.constant 128 : i32
      %div3A_779 = arith.divsi %add3A_777, %jit3A_778 : i32
      %sign3A_780 = arith.constant 0 : i32
      %sign3A_781 = arith.cmpi sgt, %add3A_777, %sign3A_780 : i32
      %sign3A_782 = arith.extui %sign3A_781 : i1 to i32
      %sign3A_783 = arith.constant 0 : i32
      %sign3A_784 = arith.cmpi slt, %add3A_777, %sign3A_783 : i32
      %sign3A_785 = arith.extui %sign3A_784 : i1 to i32
      %sign3A_786 = arith.subi %sign3A_782, %sign3A_785 : i32
      %sign3A_787 = arith.constant 0 : i32
      %sign3A_788 = arith.cmpi sgt, %jit3A_778, %sign3A_787 : i32
      %sign3A_789 = arith.extui %sign3A_788 : i1 to i32
      %sign3A_790 = arith.constant 0 : i32
      %sign3A_791 = arith.cmpi slt, %jit3A_778, %sign3A_790 : i32
      %sign3A_792 = arith.extui %sign3A_791 : i1 to i32
      %sign3A_793 = arith.subi %sign3A_789, %sign3A_792 : i32
      %ne3A_794 = arith.cmpi ne, %sign3A_786, %sign3A_793 : i32
      %rem3A_795 = arith.remsi %add3A_777, %jit3A_778 : i32
      %ne3A_796 = arith.constant 0 : i32
      %ne3A_797 = arith.cmpi ne, %rem3A_795, %ne3A_796 : i32
      %and3A_798 = arith.andi %ne3A_794, %ne3A_797 : i1
      %sub3A_799 = arith.constant 1 : i32
      %sub3A_800 = arith.subi %div3A_779, %sub3A_799 : i32
      %select_n3A_801 = arith.select %and3A_798, %sub3A_800, %div3A_779 : i32
      %rem3A_802 = arith.constant 128 : i32
      %rem3A_803 = arith.remsi %add3A_777, %rem3A_802 : i32
      %mul3A_804 = arith.constant 512 : i32
      %mul3A_805 = arith.muli %select_n3A_801, %mul3A_804 : i32
      %add3A_806 = arith.constant 128 : i32
      %add3A_807 = arith.addi %mul3A_805, %add3A_806 : i32
      %add3A_808 = arith.addi %add3A_807, %rem3A_803 : i32
      %mul3A_809 = arith.constant 1024 : i32
      %mul3A_810 = arith.muli %add3A_808, %mul3A_809 : i32
      %dma_start3A_811 = arith.constant 1024 : i32
      %dma_start3A_812 = tpu.memref_slice %arg11[%dma_start3A_811] : memref<4096xf32, #tpu.memory_space<vmem>> -> memref<1024xf32, #tpu.memory_space<vmem>>
      %dma_start3A_813 = tpu.memref_slice %arg4[%mul3A_810] : memref<26214400xf32, #tpu.memory_space<hbm>> -> memref<1024xf32, #tpu.memory_space<hbm>>
      %dma_start3A_814 = tpu.memref_slice %arg4[%mul3A_810] : memref<26214400xf32, #tpu.memory_space<hbm>> -> memref<1024xf32, #tpu.memory_space<hbm>>
      %dma_start3A_815 = arith.constant 1024 : i32
      %dma_start3A_816 = tpu.memref_slice %arg11[%dma_start3A_815] : memref<4096xf32, #tpu.memory_space<vmem>> -> memref<1024xf32, #tpu.memory_space<vmem>>
      tpu.enqueue_dma source(%dma_start3A_816 : memref<1024xf32, #tpu.memory_space<vmem>>) target(%dma_start3A_814 : memref<1024xf32, #tpu.memory_space<hbm>>) target_semaphore(%arg17 : memref<!tpu.dma_semaphore, #tpu.memory_space<semaphore_mem>>)
      %add3A_817 = arith.addi %mul3A_4, %add3A_720 : i32
      %jit3A_818 = arith.constant 128 : i32
      %div3A_819 = arith.divsi %add3A_817, %jit3A_818 : i32
      %sign3A_820 = arith.constant 0 : i32
      %sign3A_821 = arith.cmpi sgt, %add3A_817, %sign3A_820 : i32
      %sign3A_822 = arith.extui %sign3A_821 : i1 to i32
      %sign3A_823 = arith.constant 0 : i32
      %sign3A_824 = arith.cmpi slt, %add3A_817, %sign3A_823 : i32
      %sign3A_825 = arith.extui %sign3A_824 : i1 to i32
      %sign3A_826 = arith.subi %sign3A_822, %sign3A_825 : i32
      %sign3A_827 = arith.constant 0 : i32
      %sign3A_828 = arith.cmpi sgt, %jit3A_818, %sign3A_827 : i32
      %sign3A_829 = arith.extui %sign3A_828 : i1 to i32
      %sign3A_830 = arith.constant 0 : i32
      %sign3A_831 = arith.cmpi slt, %jit3A_818, %sign3A_830 : i32
      %sign3A_832 = arith.extui %sign3A_831 : i1 to i32
      %sign3A_833 = arith.subi %sign3A_829, %sign3A_832 : i32
      %ne3A_834 = arith.cmpi ne, %sign3A_826, %sign3A_833 : i32
      %rem3A_835 = arith.remsi %add3A_817, %jit3A_818 : i32
      %ne3A_836 = arith.constant 0 : i32
      %ne3A_837 = arith.cmpi ne, %rem3A_835, %ne3A_836 : i32
      %and3A_838 = arith.andi %ne3A_834, %ne3A_837 : i1
      %sub3A_839 = arith.constant 1 : i32
      %sub3A_840 = arith.subi %div3A_819, %sub3A_839 : i32
      %select_n3A_841 = arith.select %and3A_838, %sub3A_840, %div3A_819 : i32
      %rem3A_842 = arith.constant 128 : i32
      %rem3A_843 = arith.remsi %add3A_817, %rem3A_842 : i32
      %mul3A_844 = arith.constant 512 : i32
      %mul3A_845 = arith.muli %select_n3A_841, %mul3A_844 : i32
      %add3A_846 = arith.constant 256 : i32
      %add3A_847 = arith.addi %mul3A_845, %add3A_846 : i32
      %add3A_848 = arith.addi %add3A_847, %rem3A_843 : i32
      %mul3A_849 = arith.constant 1024 : i32
      %mul3A_850 = arith.muli %add3A_848, %mul3A_849 : i32
      %dma_start3A_851 = arith.constant 2048 : i32
      %dma_start3A_852 = tpu.memref_slice %arg11[%dma_start3A_851] : memref<4096xf32, #tpu.memory_space<vmem>> -> memref<1024xf32, #tpu.memory_space<vmem>>
      %dma_start3A_853 = tpu.memref_slice %arg4[%mul3A_850] : memref<26214400xf32, #tpu.memory_space<hbm>> -> memref<1024xf32, #tpu.memory_space<hbm>>
      %dma_start3A_854 = tpu.memref_slice %arg4[%mul3A_850] : memref<26214400xf32, #tpu.memory_space<hbm>> -> memref<1024xf32, #tpu.memory_space<hbm>>
      %dma_start3A_855 = arith.constant 2048 : i32
      %dma_start3A_856 = tpu.memref_slice %arg11[%dma_start3A_855] : memref<4096xf32, #tpu.memory_space<vmem>> -> memref<1024xf32, #tpu.memory_space<vmem>>
      tpu.enqueue_dma source(%dma_start3A_856 : memref<1024xf32, #tpu.memory_space<vmem>>) target(%dma_start3A_854 : memref<1024xf32, #tpu.memory_space<hbm>>) target_semaphore(%arg17 : memref<!tpu.dma_semaphore, #tpu.memory_space<semaphore_mem>>)
      %add3A_857 = arith.addi %mul3A_4, %add3A_720 : i32
      %jit3A_858 = arith.constant 128 : i32
      %div3A_859 = arith.divsi %add3A_857, %jit3A_858 : i32
      %sign3A_860 = arith.constant 0 : i32
      %sign3A_861 = arith.cmpi sgt, %add3A_857, %sign3A_860 : i32
      %sign3A_862 = arith.extui %sign3A_861 : i1 to i32
      %sign3A_863 = arith.constant 0 : i32
      %sign3A_864 = arith.cmpi slt, %add3A_857, %sign3A_863 : i32
      %sign3A_865 = arith.extui %sign3A_864 : i1 to i32
      %sign3A_866 = arith.subi %sign3A_862, %sign3A_865 : i32
      %sign3A_867 = arith.constant 0 : i32
      %sign3A_868 = arith.cmpi sgt, %jit3A_858, %sign3A_867 : i32
      %sign3A_869 = arith.extui %sign3A_868 : i1 to i32
      %sign3A_870 = arith.constant 0 : i32
      %sign3A_871 = arith.cmpi slt, %jit3A_858, %sign3A_870 : i32
      %sign3A_872 = arith.extui %sign3A_871 : i1 to i32
      %sign3A_873 = arith.subi %sign3A_869, %sign3A_872 : i32
      %ne3A_874 = arith.cmpi ne, %sign3A_866, %sign3A_873 : i32
      %rem3A_875 = arith.remsi %add3A_857, %jit3A_858 : i32
      %ne3A_876 = arith.constant 0 : i32
      %ne3A_877 = arith.cmpi ne, %rem3A_875, %ne3A_876 : i32
      %and3A_878 = arith.andi %ne3A_874, %ne3A_877 : i1
      %sub3A_879 = arith.constant 1 : i32
      %sub3A_880 = arith.subi %div3A_859, %sub3A_879 : i32
      %select_n3A_881 = arith.select %and3A_878, %sub3A_880, %div3A_859 : i32
      %rem3A_882 = arith.constant 128 : i32
      %rem3A_883 = arith.remsi %add3A_857, %rem3A_882 : i32
      %mul3A_884 = arith.constant 512 : i32
      %mul3A_885 = arith.muli %select_n3A_881, %mul3A_884 : i32
      %add3A_886 = arith.constant 384 : i32
      %add3A_887 = arith.addi %mul3A_885, %add3A_886 : i32
      %add3A_888 = arith.addi %add3A_887, %rem3A_883 : i32
      %mul3A_889 = arith.constant 1024 : i32
      %mul3A_890 = arith.muli %add3A_888, %mul3A_889 : i32
      %dma_start3A_891 = arith.constant 3072 : i32
      %dma_start3A_892 = tpu.memref_slice %arg11[%dma_start3A_891] : memref<4096xf32, #tpu.memory_space<vmem>> -> memref<1024xf32, #tpu.memory_space<vmem>>
      %dma_start3A_893 = tpu.memref_slice %arg4[%mul3A_890] : memref<26214400xf32, #tpu.memory_space<hbm>> -> memref<1024xf32, #tpu.memory_space<hbm>>
      %dma_start3A_894 = tpu.memref_slice %arg4[%mul3A_890] : memref<26214400xf32, #tpu.memory_space<hbm>> -> memref<1024xf32, #tpu.memory_space<hbm>>
      %dma_start3A_895 = arith.constant 3072 : i32
      %dma_start3A_896 = tpu.memref_slice %arg11[%dma_start3A_895] : memref<4096xf32, #tpu.memory_space<vmem>> -> memref<1024xf32, #tpu.memory_space<vmem>>
      tpu.enqueue_dma source(%dma_start3A_896 : memref<1024xf32, #tpu.memory_space<vmem>>) target(%dma_start3A_894 : memref<1024xf32, #tpu.memory_space<hbm>>) target_semaphore(%arg17 : memref<!tpu.dma_semaphore, #tpu.memory_space<semaphore_mem>>)
      %add3A_897 = arith.constant 3 : i32
      %add3A_898 = arith.addi %add3A_720, %add3A_897 : i32
      %lt3A_899 = arith.constant 200 : i32
      %lt3A_900 = arith.cmpi slt, %add3A_898, %lt3A_899 : i32
      %convert_element_type3A_901 = arith.extui %lt3A_900 : i1 to i32
      %cond3A_902 = arith.constant 0 : i32
      %cond3A_903 = arith.cmpi ne, %convert_element_type3A_901, %cond3A_902 : i32
      scf.if %cond3A_903 {
        %add3A_1091 = arith.constant 3 : i32
        %add3A_1092 = arith.addi %add3A_720, %add3A_1091 : i32
        %mul3A_1093 = arith.constant 128 : i32
        %mul3A_1094 = arith.muli %add3A_1092, %mul3A_1093 : i32
        %dma_start3A_1095 = tpu.memref_slice %arg6[%mul3A_1094] : memref<25600xi32, #tpu.memory_space<vmem>> -> memref<128xi32, #tpu.memory_space<vmem>>
        %dma_start3A_1096 = arith.constant 0 : i32
        %dma_start3A_1097 = arith.constant 0 : i32
        %dma_start3A_1098 = tpu.memref_slice %arg3[%dma_start3A_1096, %dma_start3A_1097] : memref<250000x128xf32, #tpu.memory_space<hbm>> -> memref<250000x128xf32, #tpu.memory_space<hbm>>
        tpu.enqueue_indirect_dma source(%dma_start3A_1098 : memref<250000x128xf32, #tpu.memory_space<hbm>>) target(%arg8 : memref<128x128xf32, #tpu.memory_space<vmem>>) offsets(%dma_start3A_1095 : memref<128xi32, #tpu.memory_space<vmem>>) semaphore(%arg14 : memref<!tpu.dma_semaphore, #tpu.memory_space<semaphore_mem>>)
      } else {
      }
      %mul3A_904 = arith.constant 4 : i32
      %mul3A_905 = arith.muli %scan3A_346, %mul3A_904 : i32
      %add3A_906 = arith.constant 3 : i32
      %add3A_907 = arith.addi %mul3A_905, %add3A_906 : i32
      %ge3A_908 = arith.constant 2 : i32
      %ge3A_909 = arith.cmpi sge, %add3A_907, %ge3A_908 : i32
      %convert_element_type3A_910 = arith.extui %ge3A_909 : i1 to i32
      %cond3A_911 = arith.constant 0 : i32
      %cond3A_912 = arith.cmpi ne, %convert_element_type3A_910, %cond3A_911 : i32
      scf.if %cond3A_912 {
        %sub3A_1091 = arith.constant 2 : i32
        %sub3A_1092 = arith.subi %add3A_907, %sub3A_1091 : i32
        %add3A_1093 = arith.addi %mul3A_4, %sub3A_1092 : i32
        %jit3A_1094 = arith.constant 128 : i32
        %div3A_1095 = arith.divsi %add3A_1093, %jit3A_1094 : i32
        %sign3A_1096 = arith.constant 0 : i32
        %sign3A_1097 = arith.cmpi sgt, %add3A_1093, %sign3A_1096 : i32
        %sign3A_1098 = arith.extui %sign3A_1097 : i1 to i32
        %sign3A_1099 = arith.constant 0 : i32
        %sign3A_1100 = arith.cmpi slt, %add3A_1093, %sign3A_1099 : i32
        %sign3A_1101 = arith.extui %sign3A_1100 : i1 to i32
        %sign3A_1102 = arith.subi %sign3A_1098, %sign3A_1101 : i32
        %sign3A_1103 = arith.constant 0 : i32
        %sign3A_1104 = arith.cmpi sgt, %jit3A_1094, %sign3A_1103 : i32
        %sign3A_1105 = arith.extui %sign3A_1104 : i1 to i32
        %sign3A_1106 = arith.constant 0 : i32
        %sign3A_1107 = arith.cmpi slt, %jit3A_1094, %sign3A_1106 : i32
        %sign3A_1108 = arith.extui %sign3A_1107 : i1 to i32
        %sign3A_1109 = arith.subi %sign3A_1105, %sign3A_1108 : i32
        %ne3A_1110 = arith.cmpi ne, %sign3A_1102, %sign3A_1109 : i32
        %rem3A_1111 = arith.remsi %add3A_1093, %jit3A_1094 : i32
        %ne3A_1112 = arith.constant 0 : i32
        %ne3A_1113 = arith.cmpi ne, %rem3A_1111, %ne3A_1112 : i32
        %and3A_1114 = arith.andi %ne3A_1110, %ne3A_1113 : i1
        %sub3A_1115 = arith.constant 1 : i32
        %sub3A_1116 = arith.subi %div3A_1095, %sub3A_1115 : i32
        %select_n3A_1117 = arith.select %and3A_1114, %sub3A_1116, %div3A_1095 : i32
        %rem3A_1118 = arith.constant 128 : i32
        %rem3A_1119 = arith.remsi %add3A_1093, %rem3A_1118 : i32
        %mul3A_1120 = arith.constant 512 : i32
        %mul3A_1121 = arith.muli %select_n3A_1117, %mul3A_1120 : i32
        %add3A_1122 = arith.constant 0 : i32
        %add3A_1123 = arith.addi %mul3A_1121, %add3A_1122 : i32
        %add3A_1124 = arith.addi %add3A_1123, %rem3A_1119 : i32
        %mul3A_1125 = arith.constant 1024 : i32
        %mul3A_1126 = arith.muli %add3A_1124, %mul3A_1125 : i32
        %dma_wait3A_1127 = arith.constant 0 : i32
        %dma_wait3A_1128 = tpu.memref_slice %arg12[%dma_wait3A_1127] : memref<4096xf32, #tpu.memory_space<vmem>> -> memref<1024xf32, #tpu.memory_space<vmem>>
        %dma_wait3A_1129 = tpu.memref_slice %arg4[%mul3A_1126] : memref<26214400xf32, #tpu.memory_space<hbm>> -> memref<1024xf32, #tpu.memory_space<hbm>>
        %dma_wait3A_1130 = tpu.memref_slice %arg4[%mul3A_1126] : memref<26214400xf32, #tpu.memory_space<hbm>> -> memref<1024xf32, #tpu.memory_space<hbm>>
        %dma_wait3A_1131 = arith.constant 0 : i32
        %dma_wait3A_1132 = tpu.memref_slice %arg12[%dma_wait3A_1131] : memref<4096xf32, #tpu.memory_space<vmem>> -> memref<1024xf32, #tpu.memory_space<vmem>>
        tpu.wait_dma2 semaphore(%arg18 : memref<!tpu.dma_semaphore, #tpu.memory_space<semaphore_mem>>) src(%dma_wait3A_1132 : memref<1024xf32, #tpu.memory_space<vmem>>) dst(%dma_wait3A_1130 : memref<1024xf32, #tpu.memory_space<hbm>>)
        %add3A_1133 = arith.addi %mul3A_4, %sub3A_1092 : i32
        %jit3A_1134 = arith.constant 128 : i32
        %div3A_1135 = arith.divsi %add3A_1133, %jit3A_1134 : i32
        %sign3A_1136 = arith.constant 0 : i32
        %sign3A_1137 = arith.cmpi sgt, %add3A_1133, %sign3A_1136 : i32
        %sign3A_1138 = arith.extui %sign3A_1137 : i1 to i32
        %sign3A_1139 = arith.constant 0 : i32
        %sign3A_1140 = arith.cmpi slt, %add3A_1133, %sign3A_1139 : i32
        %sign3A_1141 = arith.extui %sign3A_1140 : i1 to i32
        %sign3A_1142 = arith.subi %sign3A_1138, %sign3A_1141 : i32
        %sign3A_1143 = arith.constant 0 : i32
        %sign3A_1144 = arith.cmpi sgt, %jit3A_1134, %sign3A_1143 : i32
        %sign3A_1145 = arith.extui %sign3A_1144 : i1 to i32
        %sign3A_1146 = arith.constant 0 : i32
        %sign3A_1147 = arith.cmpi slt, %jit3A_1134, %sign3A_1146 : i32
        %sign3A_1148 = arith.extui %sign3A_1147 : i1 to i32
        %sign3A_1149 = arith.subi %sign3A_1145, %sign3A_1148 : i32
        %ne3A_1150 = arith.cmpi ne, %sign3A_1142, %sign3A_1149 : i32
        %rem3A_1151 = arith.remsi %add3A_1133, %jit3A_1134 : i32
        %ne3A_1152 = arith.constant 0 : i32
        %ne3A_1153 = arith.cmpi ne, %rem3A_1151, %ne3A_1152 : i32
        %and3A_1154 = arith.andi %ne3A_1150, %ne3A_1153 : i1
        %sub3A_1155 = arith.constant 1 : i32
        %sub3A_1156 = arith.subi %div3A_1135, %sub3A_1155 : i32
        %select_n3A_1157 = arith.select %and3A_1154, %sub3A_1156, %div3A_1135 : i32
        %rem3A_1158 = arith.constant 128 : i32
        %rem3A_1159 = arith.remsi %add3A_1133, %rem3A_1158 : i32
        %mul3A_1160 = arith.constant 512 : i32
        %mul3A_1161 = arith.muli %select_n3A_1157, %mul3A_1160 : i32
        %add3A_1162 = arith.constant 128 : i32
        %add3A_1163 = arith.addi %mul3A_1161, %add3A_1162 : i32
        %add3A_1164 = arith.addi %add3A_1163, %rem3A_1159 : i32
        %mul3A_1165 = arith.constant 1024 : i32
        %mul3A_1166 = arith.muli %add3A_1164, %mul3A_1165 : i32
        %dma_wait3A_1167 = arith.constant 1024 : i32
        %dma_wait3A_1168 = tpu.memref_slice %arg12[%dma_wait3A_1167] : memref<4096xf32, #tpu.memory_space<vmem>> -> memref<1024xf32, #tpu.memory_space<vmem>>
        %dma_wait3A_1169 = tpu.memref_slice %arg4[%mul3A_1166] : memref<26214400xf32, #tpu.memory_space<hbm>> -> memref<1024xf32, #tpu.memory_space<hbm>>
        %dma_wait3A_1170 = tpu.memref_slice %arg4[%mul3A_1166] : memref<26214400xf32, #tpu.memory_space<hbm>> -> memref<1024xf32, #tpu.memory_space<hbm>>
        %dma_wait3A_1171 = arith.constant 1024 : i32
        %dma_wait3A_1172 = tpu.memref_slice %arg12[%dma_wait3A_1171] : memref<4096xf32, #tpu.memory_space<vmem>> -> memref<1024xf32, #tpu.memory_space<vmem>>
        tpu.wait_dma2 semaphore(%arg18 : memref<!tpu.dma_semaphore, #tpu.memory_space<semaphore_mem>>) src(%dma_wait3A_1172 : memref<1024xf32, #tpu.memory_space<vmem>>) dst(%dma_wait3A_1170 : memref<1024xf32, #tpu.memory_space<hbm>>)
        %add3A_1173 = arith.addi %mul3A_4, %sub3A_1092 : i32
        %jit3A_1174 = arith.constant 128 : i32
        %div3A_1175 = arith.divsi %add3A_1173, %jit3A_1174 : i32
        %sign3A_1176 = arith.constant 0 : i32
        %sign3A_1177 = arith.cmpi sgt, %add3A_1173, %sign3A_1176 : i32
        %sign3A_1178 = arith.extui %sign3A_1177 : i1 to i32
        %sign3A_1179 = arith.constant 0 : i32
        %sign3A_1180 = arith.cmpi slt, %add3A_1173, %sign3A_1179 : i32
        %sign3A_1181 = arith.extui %sign3A_1180 : i1 to i32
        %sign3A_1182 = arith.subi %sign3A_1178, %sign3A_1181 : i32
        %sign3A_1183 = arith.constant 0 : i32
        %sign3A_1184 = arith.cmpi sgt, %jit3A_1174, %sign3A_1183 : i32
        %sign3A_1185 = arith.extui %sign3A_1184 : i1 to i32
        %sign3A_1186 = arith.constant 0 : i32
        %sign3A_1187 = arith.cmpi slt, %jit3A_1174, %sign3A_1186 : i32
        %sign3A_1188 = arith.extui %sign3A_1187 : i1 to i32
        %sign3A_1189 = arith.subi %sign3A_1185, %sign3A_1188 : i32
        %ne3A_1190 = arith.cmpi ne, %sign3A_1182, %sign3A_1189 : i32
        %rem3A_1191 = arith.remsi %add3A_1173, %jit3A_1174 : i32
        %ne3A_1192 = arith.constant 0 : i32
        %ne3A_1193 = arith.cmpi ne, %rem3A_1191, %ne3A_1192 : i32
        %and3A_1194 = arith.andi %ne3A_1190, %ne3A_1193 : i1
        %sub3A_1195 = arith.constant 1 : i32
        %sub3A_1196 = arith.subi %div3A_1175, %sub3A_1195 : i32
        %select_n3A_1197 = arith.select %and3A_1194, %sub3A_1196, %div3A_1175 : i32
        %rem3A_1198 = arith.constant 128 : i32
        %rem3A_1199 = arith.remsi %add3A_1173, %rem3A_1198 : i32
        %mul3A_1200 = arith.constant 512 : i32
        %mul3A_1201 = arith.muli %select_n3A_1197, %mul3A_1200 : i32
        %add3A_1202 = arith.constant 256 : i32
        %add3A_1203 = arith.addi %mul3A_1201, %add3A_1202 : i32
        %add3A_1204 = arith.addi %add3A_1203, %rem3A_1199 : i32
        %mul3A_1205 = arith.constant 1024 : i32
        %mul3A_1206 = arith.muli %add3A_1204, %mul3A_1205 : i32
        %dma_wait3A_1207 = arith.constant 2048 : i32
        %dma_wait3A_1208 = tpu.memref_slice %arg12[%dma_wait3A_1207] : memref<4096xf32, #tpu.memory_space<vmem>> -> memref<1024xf32, #tpu.memory_space<vmem>>
        %dma_wait3A_1209 = tpu.memref_slice %arg4[%mul3A_1206] : memref<26214400xf32, #tpu.memory_space<hbm>> -> memref<1024xf32, #tpu.memory_space<hbm>>
        %dma_wait3A_1210 = tpu.memref_slice %arg4[%mul3A_1206] : memref<26214400xf32, #tpu.memory_space<hbm>> -> memref<1024xf32, #tpu.memory_space<hbm>>
        %dma_wait3A_1211 = arith.constant 2048 : i32
        %dma_wait3A_1212 = tpu.memref_slice %arg12[%dma_wait3A_1211] : memref<4096xf32, #tpu.memory_space<vmem>> -> memref<1024xf32, #tpu.memory_space<vmem>>
        tpu.wait_dma2 semaphore(%arg18 : memref<!tpu.dma_semaphore, #tpu.memory_space<semaphore_mem>>) src(%dma_wait3A_1212 : memref<1024xf32, #tpu.memory_space<vmem>>) dst(%dma_wait3A_1210 : memref<1024xf32, #tpu.memory_space<hbm>>)
        %add3A_1213 = arith.addi %mul3A_4, %sub3A_1092 : i32
        %jit3A_1214 = arith.constant 128 : i32
        %div3A_1215 = arith.divsi %add3A_1213, %jit3A_1214 : i32
        %sign3A_1216 = arith.constant 0 : i32
        %sign3A_1217 = arith.cmpi sgt, %add3A_1213, %sign3A_1216 : i32
        %sign3A_1218 = arith.extui %sign3A_1217 : i1 to i32
        %sign3A_1219 = arith.constant 0 : i32
        %sign3A_1220 = arith.cmpi slt, %add3A_1213, %sign3A_1219 : i32
        %sign3A_1221 = arith.extui %sign3A_1220 : i1 to i32
        %sign3A_1222 = arith.subi %sign3A_1218, %sign3A_1221 : i32
        %sign3A_1223 = arith.constant 0 : i32
        %sign3A_1224 = arith.cmpi sgt, %jit3A_1214, %sign3A_1223 : i32
        %sign3A_1225 = arith.extui %sign3A_1224 : i1 to i32
        %sign3A_1226 = arith.constant 0 : i32
        %sign3A_1227 = arith.cmpi slt, %jit3A_1214, %sign3A_1226 : i32
        %sign3A_1228 = arith.extui %sign3A_1227 : i1 to i32
        %sign3A_1229 = arith.subi %sign3A_1225, %sign3A_1228 : i32
        %ne3A_1230 = arith.cmpi ne, %sign3A_1222, %sign3A_1229 : i32
        %rem3A_1231 = arith.remsi %add3A_1213, %jit3A_1214 : i32
        %ne3A_1232 = arith.constant 0 : i32
        %ne3A_1233 = arith.cmpi ne, %rem3A_1231, %ne3A_1232 : i32
        %and3A_1234 = arith.andi %ne3A_1230, %ne3A_1233 : i1
        %sub3A_1235 = arith.constant 1 : i32
        %sub3A_1236 = arith.subi %div3A_1215, %sub3A_1235 : i32
        %select_n3A_1237 = arith.select %and3A_1234, %sub3A_1236, %div3A_1215 : i32
        %rem3A_1238 = arith.constant 128 : i32
        %rem3A_1239 = arith.remsi %add3A_1213, %rem3A_1238 : i32
        %mul3A_1240 = arith.constant 512 : i32
        %mul3A_1241 = arith.muli %select_n3A_1237, %mul3A_1240 : i32
        %add3A_1242 = arith.constant 384 : i32
        %add3A_1243 = arith.addi %mul3A_1241, %add3A_1242 : i32
        %add3A_1244 = arith.addi %add3A_1243, %rem3A_1239 : i32
        %mul3A_1245 = arith.constant 1024 : i32
        %mul3A_1246 = arith.muli %add3A_1244, %mul3A_1245 : i32
        %dma_wait3A_1247 = arith.constant 3072 : i32
        %dma_wait3A_1248 = tpu.memref_slice %arg12[%dma_wait3A_1247] : memref<4096xf32, #tpu.memory_space<vmem>> -> memref<1024xf32, #tpu.memory_space<vmem>>
        %dma_wait3A_1249 = tpu.memref_slice %arg4[%mul3A_1246] : memref<26214400xf32, #tpu.memory_space<hbm>> -> memref<1024xf32, #tpu.memory_space<hbm>>
        %dma_wait3A_1250 = tpu.memref_slice %arg4[%mul3A_1246] : memref<26214400xf32, #tpu.memory_space<hbm>> -> memref<1024xf32, #tpu.memory_space<hbm>>
        %dma_wait3A_1251 = arith.constant 3072 : i32
        %dma_wait3A_1252 = tpu.memref_slice %arg12[%dma_wait3A_1251] : memref<4096xf32, #tpu.memory_space<vmem>> -> memref<1024xf32, #tpu.memory_space<vmem>>
        tpu.wait_dma2 semaphore(%arg18 : memref<!tpu.dma_semaphore, #tpu.memory_space<semaphore_mem>>) src(%dma_wait3A_1252 : memref<1024xf32, #tpu.memory_space<vmem>>) dst(%dma_wait3A_1250 : memref<1024xf32, #tpu.memory_space<hbm>>)
      } else {
      }
      %mul3A_913 = arith.constant 128 : i32
      %mul3A_914 = arith.muli %add3A_907, %mul3A_913 : i32
      %dma_wait3A_915 = tpu.memref_slice %arg6[%mul3A_914] : memref<25600xi32, #tpu.memory_space<vmem>> -> memref<128xi32, #tpu.memory_space<vmem>>
      %dma_wait3A_916 = arith.constant 0 : i32
      %dma_wait3A_917 = arith.constant 0 : i32
      %dma_wait3A_918 = tpu.memref_slice %arg3[%dma_wait3A_916, %dma_wait3A_917] : memref<250000x128xf32, #tpu.memory_space<hbm>> -> memref<250000x128xf32, #tpu.memory_space<hbm>>
      tpu.wait_indirect_dma semaphore(%arg16 : memref<!tpu.dma_semaphore, #tpu.memory_space<semaphore_mem>>) src(%dma_wait3A_918 : memref<250000x128xf32, #tpu.memory_space<hbm>>) dst(%arg10 : memref<128x128xf32, #tpu.memory_space<vmem>>)
      %mul3A_919 = arith.constant 128 : i32
      %mul3A_920 = arith.muli %add3A_907, %mul3A_919 : i32
      %parallel_loop3A_921 = arith.constant 0 : i32
      %parallel_loop3A_922 = arith.constant 256 : i32
      %parallel_loop3A_923 = arith.constant 1 : i32
      scf.for %parallel_loop3A_1091 = %parallel_loop3A_921 to %parallel_loop3A_922 step %parallel_loop3A_923  : i32 {
        %parallel_loop3A_1092 = arith.constant 8 : i32
        %parallel_loop3A_1093 = arith.divsi %parallel_loop3A_1091, %parallel_loop3A_1092 : i32
        %parallel_loop3A_1094 = arith.constant 0 : i32
        %parallel_loop3A_1095 = arith.cmpi sgt, %parallel_loop3A_1091, %parallel_loop3A_1094 : i32
        %parallel_loop3A_1096 = arith.extui %parallel_loop3A_1095 : i1 to i32
        %parallel_loop3A_1097 = arith.constant 0 : i32
        %parallel_loop3A_1098 = arith.cmpi slt, %parallel_loop3A_1091, %parallel_loop3A_1097 : i32
        %parallel_loop3A_1099 = arith.extui %parallel_loop3A_1098 : i1 to i32
        %parallel_loop3A_1100 = arith.subi %parallel_loop3A_1096, %parallel_loop3A_1099 : i32
        %parallel_loop3A_1101 = arith.constant 0 : i32
        %parallel_loop3A_1102 = arith.cmpi sgt, %parallel_loop3A_1092, %parallel_loop3A_1101 : i32
        %parallel_loop3A_1103 = arith.extui %parallel_loop3A_1102 : i1 to i32
        %parallel_loop3A_1104 = arith.constant 0 : i32
        %parallel_loop3A_1105 = arith.cmpi slt, %parallel_loop3A_1092, %parallel_loop3A_1104 : i32
        %parallel_loop3A_1106 = arith.extui %parallel_loop3A_1105 : i1 to i32
        %parallel_loop3A_1107 = arith.subi %parallel_loop3A_1103, %parallel_loop3A_1106 : i32
        %parallel_loop3A_1108 = arith.cmpi ne, %parallel_loop3A_1100, %parallel_loop3A_1107 : i32
        %parallel_loop3A_1109 = arith.remsi %parallel_loop3A_1091, %parallel_loop3A_1092 : i32
        %parallel_loop3A_1110 = arith.constant 0 : i32
        %parallel_loop3A_1111 = arith.cmpi ne, %parallel_loop3A_1109, %parallel_loop3A_1110 : i32
        %parallel_loop3A_1112 = arith.andi %parallel_loop3A_1108, %parallel_loop3A_1111 : i1
        %parallel_loop3A_1113 = arith.constant 1 : i32
        %parallel_loop3A_1114 = arith.subi %parallel_loop3A_1093, %parallel_loop3A_1113 : i32
        %parallel_loop3A_1115 = arith.select %parallel_loop3A_1112, %parallel_loop3A_1114, %parallel_loop3A_1093 : i32
        %parallel_loop3A_1116 = arith.constant 8 : i32
        %parallel_loop3A_1117 = arith.constant 0 : i32
        %parallel_loop3A_1118 = arith.cmpi eq, %parallel_loop3A_1116, %parallel_loop3A_1117 : i32
        %parallel_loop3A_1119 = arith.constant 1 : i32
        %parallel_loop3A_1120 = arith.select %parallel_loop3A_1118, %parallel_loop3A_1119, %parallel_loop3A_1116 : i32
        %parallel_loop3A_1121 = arith.remsi %parallel_loop3A_1091, %parallel_loop3A_1120 : i32
        %parallel_loop3A_1122 = arith.constant 0 : i32
        %parallel_loop3A_1123 = arith.cmpi ne, %parallel_loop3A_1121, %parallel_loop3A_1122 : i32
        %parallel_loop3A_1124 = arith.constant 0 : i32
        %parallel_loop3A_1125 = arith.cmpi slt, %parallel_loop3A_1121, %parallel_loop3A_1124 : i32
        %parallel_loop3A_1126 = arith.constant 0 : i32
        %parallel_loop3A_1127 = arith.cmpi slt, %parallel_loop3A_1120, %parallel_loop3A_1126 : i32
        %parallel_loop3A_1128 = arith.xori %parallel_loop3A_1125, %parallel_loop3A_1127 : i1
        %parallel_loop3A_1129 = arith.andi %parallel_loop3A_1128, %parallel_loop3A_1123 : i1
        %parallel_loop3A_1130 = arith.addi %parallel_loop3A_1121, %parallel_loop3A_1120 : i32
        %parallel_loop3A_1131 = arith.select %parallel_loop3A_1129, %parallel_loop3A_1130, %parallel_loop3A_1121 : i32
        %parallel_loop3A_1132 = arith.constant 16 : i32
        %parallel_loop3A_1133 = arith.muli %parallel_loop3A_1131, %parallel_loop3A_1132 : i32
        %parallel_loop3A_1134 = arith.addi %mul3A_920, %parallel_loop3A_1133 : i32
        %parallel_loop3A_1135 = arith.index_cast %parallel_loop3A_1134 : i32 to index
        %parallel_loop3A_1136 = tpu.vector_load %arg5[%parallel_loop3A_1135] {strides = array<i32>} : memref<25600xi32, #tpu.memory_space<vmem>>, vector<16xi32>,
        %parallel_loop3A_1137 = arith.constant 16 : i32
        %parallel_loop3A_1138 = arith.muli %parallel_loop3A_1131, %parallel_loop3A_1137 : i32
        %parallel_loop3A_1139 = vector.broadcast %parallel_loop3A_1138 : i32 to vector<16xi32>
        %parallel_loop3A_1140 = arith.addi %iota3A, %parallel_loop3A_1139 : vector<16xi32>
        %parallel_loop3A_1141 = vector.broadcast %parallel_loop3A_1115 : i32 to vector<16xi32>
        %parallel_loop3A_1142 = arith.addi %parallel_loop3A_1136, %parallel_loop3A_1141 : vector<16xi32>
        %parallel_loop3A_1143 = tpu.vector_load_idx %arg10[%parallel_loop3A_1140, %parallel_loop3A_1142] : memref<128x128xf32, #tpu.memory_space<vmem>>[vector<16xi32>, vector<16xi32>], vector<16xf32>,
        %parallel_loop3A_1144 = arith.constant 8 : i32
        %parallel_loop3A_1145 = arith.divsi %parallel_loop3A_1115, %parallel_loop3A_1144 : i32
        %parallel_loop3A_1146 = arith.constant 0 : i32
        %parallel_loop3A_1147 = arith.cmpi sgt, %parallel_loop3A_1115, %parallel_loop3A_1146 : i32
        %parallel_loop3A_1148 = arith.extui %parallel_loop3A_1147 : i1 to i32
        %parallel_loop3A_1149 = arith.constant 0 : i32
        %parallel_loop3A_1150 = arith.cmpi slt, %parallel_loop3A_1115, %parallel_loop3A_1149 : i32
        %parallel_loop3A_1151 = arith.extui %parallel_loop3A_1150 : i1 to i32
        %parallel_loop3A_1152 = arith.subi %parallel_loop3A_1148, %parallel_loop3A_1151 : i32
        %parallel_loop3A_1153 = arith.constant 0 : i32
        %parallel_loop3A_1154 = arith.cmpi sgt, %parallel_loop3A_1144, %parallel_loop3A_1153 : i32
        %parallel_loop3A_1155 = arith.extui %parallel_loop3A_1154 : i1 to i32
        %parallel_loop3A_1156 = arith.constant 0 : i32
        %parallel_loop3A_1157 = arith.cmpi slt, %parallel_loop3A_1144, %parallel_loop3A_1156 : i32
        %parallel_loop3A_1158 = arith.extui %parallel_loop3A_1157 : i1 to i32
        %parallel_loop3A_1159 = arith.subi %parallel_loop3A_1155, %parallel_loop3A_1158 : i32
        %parallel_loop3A_1160 = arith.cmpi ne, %parallel_loop3A_1152, %parallel_loop3A_1159 : i32
        %parallel_loop3A_1161 = arith.remsi %parallel_loop3A_1115, %parallel_loop3A_1144 : i32
        %parallel_loop3A_1162 = arith.constant 0 : i32
        %parallel_loop3A_1163 = arith.cmpi ne, %parallel_loop3A_1161, %parallel_loop3A_1162 : i32
        %parallel_loop3A_1164 = arith.andi %parallel_loop3A_1160, %parallel_loop3A_1163 : i1
        %parallel_loop3A_1165 = arith.constant 1 : i32
        %parallel_loop3A_1166 = arith.subi %parallel_loop3A_1145, %parallel_loop3A_1165 : i32
        %parallel_loop3A_1167 = arith.select %parallel_loop3A_1164, %parallel_loop3A_1166, %parallel_loop3A_1145 : i32
        %parallel_loop3A_1168 = arith.constant 1024 : i32
        %parallel_loop3A_1169 = arith.muli %parallel_loop3A_1167, %parallel_loop3A_1168 : i32
        %parallel_loop3A_1170 = arith.constant 8 : i32
        %parallel_loop3A_1171 = arith.remsi %parallel_loop3A_1115, %parallel_loop3A_1170 : i32
        %parallel_loop3A_1172 = arith.constant 128 : i32
        %parallel_loop3A_1173 = arith.muli %parallel_loop3A_1171, %parallel_loop3A_1172 : i32
        %parallel_loop3A_1174 = arith.addi %parallel_loop3A_1169, %parallel_loop3A_1173 : i32
        %parallel_loop3A_1175 = arith.constant 16 : i32
        %parallel_loop3A_1176 = arith.muli %parallel_loop3A_1131, %parallel_loop3A_1175 : i32
        %parallel_loop3A_1177 = arith.addi %parallel_loop3A_1174, %parallel_loop3A_1176 : i32
        %parallel_loop3A_1178 = vector.broadcast %parallel_loop3A_1177 : i32 to vector<16xi32>
        %parallel_loop3A_1179 = arith.addi %iota3A, %parallel_loop3A_1178 : vector<16xi32>
        tpu.vector_store_idx %arg12[%parallel_loop3A_1179], %parallel_loop3A_1143 : memref<4096xf32, #tpu.memory_space<vmem>>[vector<16xi32>], vector<16xf32>,
      } {sc.loop_unroll_factor = 32 : i64, sc.parallel_access}
      %add3A_924 = arith.addi %mul3A_4, %add3A_907 : i32
      %jit3A_925 = arith.constant 128 : i32
      %div3A_926 = arith.divsi %add3A_924, %jit3A_925 : i32
      %sign3A_927 = arith.constant 0 : i32
      %sign3A_928 = arith.cmpi sgt, %add3A_924, %sign3A_927 : i32
      %sign3A_929 = arith.extui %sign3A_928 : i1 to i32
      %sign3A_930 = arith.constant 0 : i32
      %sign3A_931 = arith.cmpi slt, %add3A_924, %sign3A_930 : i32
      %sign3A_932 = arith.extui %sign3A_931 : i1 to i32
      %sign3A_933 = arith.subi %sign3A_929, %sign3A_932 : i32
      %sign3A_934 = arith.constant 0 : i32
      %sign3A_935 = arith.cmpi sgt, %jit3A_925, %sign3A_934 : i32
      %sign3A_936 = arith.extui %sign3A_935 : i1 to i32
      %sign3A_937 = arith.constant 0 : i32
      %sign3A_938 = arith.cmpi slt, %jit3A_925, %sign3A_937 : i32
      %sign3A_939 = arith.extui %sign3A_938 : i1 to i32
      %sign3A_940 = arith.subi %sign3A_936, %sign3A_939 : i32
      %ne3A_941 = arith.cmpi ne, %sign3A_933, %sign3A_940 : i32
      %rem3A_942 = arith.remsi %add3A_924, %jit3A_925 : i32
      %ne3A_943 = arith.constant 0 : i32
      %ne3A_944 = arith.cmpi ne, %rem3A_942, %ne3A_943 : i32
      %and3A_945 = arith.andi %ne3A_941, %ne3A_944 : i1
      %sub3A_946 = arith.constant 1 : i32
      %sub3A_947 = arith.subi %div3A_926, %sub3A_946 : i32
      %select_n3A_948 = arith.select %and3A_945, %sub3A_947, %div3A_926 : i32
      %rem3A_949 = arith.constant 128 : i32
      %rem3A_950 = arith.remsi %add3A_924, %rem3A_949 : i32
      %mul3A_951 = arith.constant 512 : i32
      %mul3A_952 = arith.muli %select_n3A_948, %mul3A_951 : i32
      %add3A_953 = arith.constant 0 : i32
      %add3A_954 = arith.addi %mul3A_952, %add3A_953 : i32
      %add3A_955 = arith.addi %add3A_954, %rem3A_950 : i32
      %mul3A_956 = arith.constant 1024 : i32
      %mul3A_957 = arith.muli %add3A_955, %mul3A_956 : i32
      %dma_start3A_958 = arith.constant 0 : i32
      %dma_start3A_959 = tpu.memref_slice %arg12[%dma_start3A_958] : memref<4096xf32, #tpu.memory_space<vmem>> -> memref<1024xf32, #tpu.memory_space<vmem>>
      %dma_start3A_960 = tpu.memref_slice %arg4[%mul3A_957] : memref<26214400xf32, #tpu.memory_space<hbm>> -> memref<1024xf32, #tpu.memory_space<hbm>>
      %dma_start3A_961 = tpu.memref_slice %arg4[%mul3A_957] : memref<26214400xf32, #tpu.memory_space<hbm>> -> memref<1024xf32, #tpu.memory_space<hbm>>
      %dma_start3A_962 = arith.constant 0 : i32
      %dma_start3A_963 = tpu.memref_slice %arg12[%dma_start3A_962] : memref<4096xf32, #tpu.memory_space<vmem>> -> memref<1024xf32, #tpu.memory_space<vmem>>
      tpu.enqueue_dma source(%dma_start3A_963 : memref<1024xf32, #tpu.memory_space<vmem>>) target(%dma_start3A_961 : memref<1024xf32, #tpu.memory_space<hbm>>) target_semaphore(%arg18 : memref<!tpu.dma_semaphore, #tpu.memory_space<semaphore_mem>>)
      %add3A_964 = arith.addi %mul3A_4, %add3A_907 : i32
      %jit3A_965 = arith.constant 128 : i32
      %div3A_966 = arith.divsi %add3A_964, %jit3A_965 : i32
      %sign3A_967 = arith.constant 0 : i32
      %sign3A_968 = arith.cmpi sgt, %add3A_964, %sign3A_967 : i32
      %sign3A_969 = arith.extui %sign3A_968 : i1 to i32
      %sign3A_970 = arith.constant 0 : i32
      %sign3A_971 = arith.cmpi slt, %add3A_964, %sign3A_970 : i32
      %sign3A_972 = arith.extui %sign3A_971 : i1 to i32
      %sign3A_973 = arith.subi %sign3A_969, %sign3A_972 : i32
      %sign3A_974 = arith.constant 0 : i32
      %sign3A_975 = arith.cmpi sgt, %jit3A_965, %sign3A_974 : i32
      %sign3A_976 = arith.extui %sign3A_975 : i1 to i32
      %sign3A_977 = arith.constant 0 : i32
      %sign3A_978 = arith.cmpi slt, %jit3A_965, %sign3A_977 : i32
      %sign3A_979 = arith.extui %sign3A_978 : i1 to i32
      %sign3A_980 = arith.subi %sign3A_976, %sign3A_979 : i32
      %ne3A_981 = arith.cmpi ne, %sign3A_973, %sign3A_980 : i32
      %rem3A_982 = arith.remsi %add3A_964, %jit3A_965 : i32
      %ne3A_983 = arith.constant 0 : i32
      %ne3A_984 = arith.cmpi ne, %rem3A_982, %ne3A_983 : i32
      %and3A_985 = arith.andi %ne3A_981, %ne3A_984 : i1
      %sub3A_986 = arith.constant 1 : i32
      %sub3A_987 = arith.subi %div3A_966, %sub3A_986 : i32
      %select_n3A_988 = arith.select %and3A_985, %sub3A_987, %div3A_966 : i32
      %rem3A_989 = arith.constant 128 : i32
      %rem3A_990 = arith.remsi %add3A_964, %rem3A_989 : i32
      %mul3A_991 = arith.constant 512 : i32
      %mul3A_992 = arith.muli %select_n3A_988, %mul3A_991 : i32
      %add3A_993 = arith.constant 128 : i32
      %add3A_994 = arith.addi %mul3A_992, %add3A_993 : i32
      %add3A_995 = arith.addi %add3A_994, %rem3A_990 : i32
      %mul3A_996 = arith.constant 1024 : i32
      %mul3A_997 = arith.muli %add3A_995, %mul3A_996 : i32
      %dma_start3A_998 = arith.constant 1024 : i32
      %dma_start3A_999 = tpu.memref_slice %arg12[%dma_start3A_998] : memref<4096xf32, #tpu.memory_space<vmem>> -> memref<1024xf32, #tpu.memory_space<vmem>>
      %dma_start3A_1000 = tpu.memref_slice %arg4[%mul3A_997] : memref<26214400xf32, #tpu.memory_space<hbm>> -> memref<1024xf32, #tpu.memory_space<hbm>>
      %dma_start3A_1001 = tpu.memref_slice %arg4[%mul3A_997] : memref<26214400xf32, #tpu.memory_space<hbm>> -> memref<1024xf32, #tpu.memory_space<hbm>>
      %dma_start3A_1002 = arith.constant 1024 : i32
      %dma_start3A_1003 = tpu.memref_slice %arg12[%dma_start3A_1002] : memref<4096xf32, #tpu.memory_space<vmem>> -> memref<1024xf32, #tpu.memory_space<vmem>>
      tpu.enqueue_dma source(%dma_start3A_1003 : memref<1024xf32, #tpu.memory_space<vmem>>) target(%dma_start3A_1001 : memref<1024xf32, #tpu.memory_space<hbm>>) target_semaphore(%arg18 : memref<!tpu.dma_semaphore, #tpu.memory_space<semaphore_mem>>)
      %add3A_1004 = arith.addi %mul3A_4, %add3A_907 : i32
      %jit3A_1005 = arith.constant 128 : i32
      %div3A_1006 = arith.divsi %add3A_1004, %jit3A_1005 : i32
      %sign3A_1007 = arith.constant 0 : i32
      %sign3A_1008 = arith.cmpi sgt, %add3A_1004, %sign3A_1007 : i32
      %sign3A_1009 = arith.extui %sign3A_1008 : i1 to i32
      %sign3A_1010 = arith.constant 0 : i32
      %sign3A_1011 = arith.cmpi slt, %add3A_1004, %sign3A_1010 : i32
      %sign3A_1012 = arith.extui %sign3A_1011 : i1 to i32
      %sign3A_1013 = arith.subi %sign3A_1009, %sign3A_1012 : i32
      %sign3A_1014 = arith.constant 0 : i32
      %sign3A_1015 = arith.cmpi sgt, %jit3A_1005, %sign3A_1014 : i32
      %sign3A_1016 = arith.extui %sign3A_1015 : i1 to i32
      %sign3A_1017 = arith.constant 0 : i32
      %sign3A_1018 = arith.cmpi slt, %jit3A_1005, %sign3A_1017 : i32
      %sign3A_1019 = arith.extui %sign3A_1018 : i1 to i32
      %sign3A_1020 = arith.subi %sign3A_1016, %sign3A_1019 : i32
      %ne3A_1021 = arith.cmpi ne, %sign3A_1013, %sign3A_1020 : i32
      %rem3A_1022 = arith.remsi %add3A_1004, %jit3A_1005 : i32
      %ne3A_1023 = arith.constant 0 : i32
      %ne3A_1024 = arith.cmpi ne, %rem3A_1022, %ne3A_1023 : i32
      %and3A_1025 = arith.andi %ne3A_1021, %ne3A_1024 : i1
      %sub3A_1026 = arith.constant 1 : i32
      %sub3A_1027 = arith.subi %div3A_1006, %sub3A_1026 : i32
      %select_n3A_1028 = arith.select %and3A_1025, %sub3A_1027, %div3A_1006 : i32
      %rem3A_1029 = arith.constant 128 : i32
      %rem3A_1030 = arith.remsi %add3A_1004, %rem3A_1029 : i32
      %mul3A_1031 = arith.constant 512 : i32
      %mul3A_1032 = arith.muli %select_n3A_1028, %mul3A_1031 : i32
      %add3A_1033 = arith.constant 256 : i32
      %add3A_1034 = arith.addi %mul3A_1032, %add3A_1033 : i32
      %add3A_1035 = arith.addi %add3A_1034, %rem3A_1030 : i32
      %mul3A_1036 = arith.constant 1024 : i32
      %mul3A_1037 = arith.muli %add3A_1035, %mul3A_1036 : i32
      %dma_start3A_1038 = arith.constant 2048 : i32
      %dma_start3A_1039 = tpu.memref_slice %arg12[%dma_start3A_1038] : memref<4096xf32, #tpu.memory_space<vmem>> -> memref<1024xf32, #tpu.memory_space<vmem>>
      %dma_start3A_1040 = tpu.memref_slice %arg4[%mul3A_1037] : memref<26214400xf32, #tpu.memory_space<hbm>> -> memref<1024xf32, #tpu.memory_space<hbm>>
      %dma_start3A_1041 = tpu.memref_slice %arg4[%mul3A_1037] : memref<26214400xf32, #tpu.memory_space<hbm>> -> memref<1024xf32, #tpu.memory_space<hbm>>
      %dma_start3A_1042 = arith.constant 2048 : i32
      %dma_start3A_1043 = tpu.memref_slice %arg12[%dma_start3A_1042] : memref<4096xf32, #tpu.memory_space<vmem>> -> memref<1024xf32, #tpu.memory_space<vmem>>
      tpu.enqueue_dma source(%dma_start3A_1043 : memref<1024xf32, #tpu.memory_space<vmem>>) target(%dma_start3A_1041 : memref<1024xf32, #tpu.memory_space<hbm>>) target_semaphore(%arg18 : memref<!tpu.dma_semaphore, #tpu.memory_space<semaphore_mem>>)
      %add3A_1044 = arith.addi %mul3A_4, %add3A_907 : i32
      %jit3A_1045 = arith.constant 128 : i32
      %div3A_1046 = arith.divsi %add3A_1044, %jit3A_1045 : i32
      %sign3A_1047 = arith.constant 0 : i32
      %sign3A_1048 = arith.cmpi sgt, %add3A_1044, %sign3A_1047 : i32
      %sign3A_1049 = arith.extui %sign3A_1048 : i1 to i32
      %sign3A_1050 = arith.constant 0 : i32
      %sign3A_1051 = arith.cmpi slt, %add3A_1044, %sign3A_1050 : i32
      %sign3A_1052 = arith.extui %sign3A_1051 : i1 to i32
      %sign3A_1053 = arith.subi %sign3A_1049, %sign3A_1052 : i32
      %sign3A_1054 = arith.constant 0 : i32
      %sign3A_1055 = arith.cmpi sgt, %jit3A_1045, %sign3A_1054 : i32
      %sign3A_1056 = arith.extui %sign3A_1055 : i1 to i32
      %sign3A_1057 = arith.constant 0 : i32
      %sign3A_1058 = arith.cmpi slt, %jit3A_1045, %sign3A_1057 : i32
      %sign3A_1059 = arith.extui %sign3A_1058 : i1 to i32
      %sign3A_1060 = arith.subi %sign3A_1056, %sign3A_1059 : i32
      %ne3A_1061 = arith.cmpi ne, %sign3A_1053, %sign3A_1060 : i32
      %rem3A_1062 = arith.remsi %add3A_1044, %jit3A_1045 : i32
      %ne3A_1063 = arith.constant 0 : i32
      %ne3A_1064 = arith.cmpi ne, %rem3A_1062, %ne3A_1063 : i32
      %and3A_1065 = arith.andi %ne3A_1061, %ne3A_1064 : i1
      %sub3A_1066 = arith.constant 1 : i32
      %sub3A_1067 = arith.subi %div3A_1046, %sub3A_1066 : i32
      %select_n3A_1068 = arith.select %and3A_1065, %sub3A_1067, %div3A_1046 : i32
      %rem3A_1069 = arith.constant 128 : i32
      %rem3A_1070 = arith.remsi %add3A_1044, %rem3A_1069 : i32
      %mul3A_1071 = arith.constant 512 : i32
      %mul3A_1072 = arith.muli %select_n3A_1068, %mul3A_1071 : i32
      %add3A_1073 = arith.constant 384 : i32
      %add3A_1074 = arith.addi %mul3A_1072, %add3A_1073 : i32
      %add3A_1075 = arith.addi %add3A_1074, %rem3A_1070 : i32
      %mul3A_1076 = arith.constant 1024 : i32
      %mul3A_1077 = arith.muli %add3A_1075, %mul3A_1076 : i32
      %dma_start3A_1078 = arith.constant 3072 : i32
      %dma_start3A_1079 = tpu.memref_slice %arg12[%dma_start3A_1078] : memref<4096xf32, #tpu.memory_space<vmem>> -> memref<1024xf32, #tpu.memory_space<vmem>>
      %dma_start3A_1080 = tpu.memref_slice %arg4[%mul3A_1077] : memref<26214400xf32, #tpu.memory_space<hbm>> -> memref<1024xf32, #tpu.memory_space<hbm>>
      %dma_start3A_1081 = tpu.memref_slice %arg4[%mul3A_1077] : memref<26214400xf32, #tpu.memory_space<hbm>> -> memref<1024xf32, #tpu.memory_space<hbm>>
      %dma_start3A_1082 = arith.constant 3072 : i32
      %dma_start3A_1083 = tpu.memref_slice %arg12[%dma_start3A_1082] : memref<4096xf32, #tpu.memory_space<vmem>> -> memref<1024xf32, #tpu.memory_space<vmem>>
      tpu.enqueue_dma source(%dma_start3A_1083 : memref<1024xf32, #tpu.memory_space<vmem>>) target(%dma_start3A_1081 : memref<1024xf32, #tpu.memory_space<hbm>>) target_semaphore(%arg18 : memref<!tpu.dma_semaphore, #tpu.memory_space<semaphore_mem>>)
      %add3A_1084 = arith.constant 3 : i32
      %add3A_1085 = arith.addi %add3A_907, %add3A_1084 : i32
      %lt3A_1086 = arith.constant 200 : i32
      %lt3A_1087 = arith.cmpi slt, %add3A_1085, %lt3A_1086 : i32
      %convert_element_type3A_1088 = arith.extui %lt3A_1087 : i1 to i32
      %cond3A_1089 = arith.constant 0 : i32
      %cond3A_1090 = arith.cmpi ne, %convert_element_type3A_1088, %cond3A_1089 : i32
      scf.if %cond3A_1090 {
        %add3A_1091 = arith.constant 3 : i32
        %add3A_1092 = arith.addi %add3A_907, %add3A_1091 : i32
        %mul3A_1093 = arith.constant 128 : i32
        %mul3A_1094 = arith.muli %add3A_1092, %mul3A_1093 : i32
        %dma_start3A_1095 = tpu.memref_slice %arg6[%mul3A_1094] : memref<25600xi32, #tpu.memory_space<vmem>> -> memref<128xi32, #tpu.memory_space<vmem>>
        %dma_start3A_1096 = arith.constant 0 : i32
        %dma_start3A_1097 = arith.constant 0 : i32
        %dma_start3A_1098 = tpu.memref_slice %arg3[%dma_start3A_1096, %dma_start3A_1097] : memref<250000x128xf32, #tpu.memory_space<hbm>> -> memref<250000x128xf32, #tpu.memory_space<hbm>>
        tpu.enqueue_indirect_dma source(%dma_start3A_1098 : memref<250000x128xf32, #tpu.memory_space<hbm>>) target(%arg9 : memref<128x128xf32, #tpu.memory_space<vmem>>) offsets(%dma_start3A_1095 : memref<128xi32, #tpu.memory_space<vmem>>) semaphore(%arg15 : memref<!tpu.dma_semaphore, #tpu.memory_space<semaphore_mem>>)
      } else {
      }
    }
    %scan3A_26 = arith.constant 50 : i32
    %add3A_27 = arith.constant 198 : i32
    %add3A_28 = arith.addi %mul3A_4, %add3A_27 : i32
    %jit3A = arith.constant 128 : i32
    %div3A = arith.divsi %add3A_28, %jit3A : i32
    %sign3A = arith.constant 0 : i32
    %sign3A_29 = arith.cmpi sgt, %add3A_28, %sign3A : i32
    %sign3A_30 = arith.extui %sign3A_29 : i1 to i32
    %sign3A_31 = arith.constant 0 : i32
    %sign3A_32 = arith.cmpi slt, %add3A_28, %sign3A_31 : i32
    %sign3A_33 = arith.extui %sign3A_32 : i1 to i32
    %sign3A_34 = arith.subi %sign3A_30, %sign3A_33 : i32
    %sign3A_35 = arith.constant 0 : i32
    %sign3A_36 = arith.cmpi sgt, %jit3A, %sign3A_35 : i32
    %sign3A_37 = arith.extui %sign3A_36 : i1 to i32
    %sign3A_38 = arith.constant 0 : i32
    %sign3A_39 = arith.cmpi slt, %jit3A, %sign3A_38 : i32
    %sign3A_40 = arith.extui %sign3A_39 : i1 to i32
    %sign3A_41 = arith.subi %sign3A_37, %sign3A_40 : i32
    %ne3A = arith.cmpi ne, %sign3A_34, %sign3A_41 : i32
    %rem3A = arith.remsi %add3A_28, %jit3A : i32
    %ne3A_42 = arith.constant 0 : i32
    %ne3A_43 = arith.cmpi ne, %rem3A, %ne3A_42 : i32
    %and3A = arith.andi %ne3A, %ne3A_43 : i1
    %sub3A = arith.constant 1 : i32
    %sub3A_44 = arith.subi %div3A, %sub3A : i32
    %select_n3A = arith.select %and3A, %sub3A_44, %div3A : i32
    %rem3A_45 = arith.constant 128 : i32
    %rem3A_46 = arith.remsi %add3A_28, %rem3A_45 : i32
    %mul3A_47 = arith.constant 512 : i32
    %mul3A_48 = arith.muli %select_n3A, %mul3A_47 : i32
    %add3A_49 = arith.constant 0 : i32
    %add3A_50 = arith.addi %mul3A_48, %add3A_49 : i32
    %add3A_51 = arith.addi %add3A_50, %rem3A_46 : i32
    %mul3A_52 = arith.constant 1024 : i32
    %mul3A_53 = arith.muli %add3A_51, %mul3A_52 : i32
    %dma_wait3A = arith.constant 0 : i32
    %dma_wait3A_54 = tpu.memref_slice %arg11[%dma_wait3A] : memref<4096xf32, #tpu.memory_space<vmem>> -> memref<1024xf32, #tpu.memory_space<vmem>>
    %dma_wait3A_55 = tpu.memref_slice %arg4[%mul3A_53] : memref<26214400xf32, #tpu.memory_space<hbm>> -> memref<1024xf32, #tpu.memory_space<hbm>>
    %dma_wait3A_56 = tpu.memref_slice %arg4[%mul3A_53] : memref<26214400xf32, #tpu.memory_space<hbm>> -> memref<1024xf32, #tpu.memory_space<hbm>>
    %dma_wait3A_57 = arith.constant 0 : i32
    %dma_wait3A_58 = tpu.memref_slice %arg11[%dma_wait3A_57] : memref<4096xf32, #tpu.memory_space<vmem>> -> memref<1024xf32, #tpu.memory_space<vmem>>
    tpu.wait_dma2 semaphore(%arg17 : memref<!tpu.dma_semaphore, #tpu.memory_space<semaphore_mem>>) src(%dma_wait3A_58 : memref<1024xf32, #tpu.memory_space<vmem>>) dst(%dma_wait3A_56 : memref<1024xf32, #tpu.memory_space<hbm>>)
    %add3A_59 = arith.constant 198 : i32
    %add3A_60 = arith.addi %mul3A_4, %add3A_59 : i32
    %jit3A_61 = arith.constant 128 : i32
    %div3A_62 = arith.divsi %add3A_60, %jit3A_61 : i32
    %sign3A_63 = arith.constant 0 : i32
    %sign3A_64 = arith.cmpi sgt, %add3A_60, %sign3A_63 : i32
    %sign3A_65 = arith.extui %sign3A_64 : i1 to i32
    %sign3A_66 = arith.constant 0 : i32
    %sign3A_67 = arith.cmpi slt, %add3A_60, %sign3A_66 : i32
    %sign3A_68 = arith.extui %sign3A_67 : i1 to i32
    %sign3A_69 = arith.subi %sign3A_65, %sign3A_68 : i32
    %sign3A_70 = arith.constant 0 : i32
    %sign3A_71 = arith.cmpi sgt, %jit3A_61, %sign3A_70 : i32
    %sign3A_72 = arith.extui %sign3A_71 : i1 to i32
    %sign3A_73 = arith.constant 0 : i32
    %sign3A_74 = arith.cmpi slt, %jit3A_61, %sign3A_73 : i32
    %sign3A_75 = arith.extui %sign3A_74 : i1 to i32
    %sign3A_76 = arith.subi %sign3A_72, %sign3A_75 : i32
    %ne3A_77 = arith.cmpi ne, %sign3A_69, %sign3A_76 : i32
    %rem3A_78 = arith.remsi %add3A_60, %jit3A_61 : i32
    %ne3A_79 = arith.constant 0 : i32
    %ne3A_80 = arith.cmpi ne, %rem3A_78, %ne3A_79 : i32
    %and3A_81 = arith.andi %ne3A_77, %ne3A_80 : i1
    %sub3A_82 = arith.constant 1 : i32
    %sub3A_83 = arith.subi %div3A_62, %sub3A_82 : i32
    %select_n3A_84 = arith.select %and3A_81, %sub3A_83, %div3A_62 : i32
    %rem3A_85 = arith.constant 128 : i32
    %rem3A_86 = arith.remsi %add3A_60, %rem3A_85 : i32
    %mul3A_87 = arith.constant 512 : i32
    %mul3A_88 = arith.muli %select_n3A_84, %mul3A_87 : i32
    %add3A_89 = arith.constant 128 : i32
    %add3A_90 = arith.addi %mul3A_88, %add3A_89 : i32
    %add3A_91 = arith.addi %add3A_90, %rem3A_86 : i32
    %mul3A_92 = arith.constant 1024 : i32
    %mul3A_93 = arith.muli %add3A_91, %mul3A_92 : i32
    %dma_wait3A_94 = arith.constant 1024 : i32
    %dma_wait3A_95 = tpu.memref_slice %arg11[%dma_wait3A_94] : memref<4096xf32, #tpu.memory_space<vmem>> -> memref<1024xf32, #tpu.memory_space<vmem>>
    %dma_wait3A_96 = tpu.memref_slice %arg4[%mul3A_93] : memref<26214400xf32, #tpu.memory_space<hbm>> -> memref<1024xf32, #tpu.memory_space<hbm>>
    %dma_wait3A_97 = tpu.memref_slice %arg4[%mul3A_93] : memref<26214400xf32, #tpu.memory_space<hbm>> -> memref<1024xf32, #tpu.memory_space<hbm>>
    %dma_wait3A_98 = arith.constant 1024 : i32
    %dma_wait3A_99 = tpu.memref_slice %arg11[%dma_wait3A_98] : memref<4096xf32, #tpu.memory_space<vmem>> -> memref<1024xf32, #tpu.memory_space<vmem>>
    tpu.wait_dma2 semaphore(%arg17 : memref<!tpu.dma_semaphore, #tpu.memory_space<semaphore_mem>>) src(%dma_wait3A_99 : memref<1024xf32, #tpu.memory_space<vmem>>) dst(%dma_wait3A_97 : memref<1024xf32, #tpu.memory_space<hbm>>)
    %add3A_100 = arith.constant 198 : i32
    %add3A_101 = arith.addi %mul3A_4, %add3A_100 : i32
    %jit3A_102 = arith.constant 128 : i32
    %div3A_103 = arith.divsi %add3A_101, %jit3A_102 : i32
    %sign3A_104 = arith.constant 0 : i32
    %sign3A_105 = arith.cmpi sgt, %add3A_101, %sign3A_104 : i32
    %sign3A_106 = arith.extui %sign3A_105 : i1 to i32
    %sign3A_107 = arith.constant 0 : i32
    %sign3A_108 = arith.cmpi slt, %add3A_101, %sign3A_107 : i32
    %sign3A_109 = arith.extui %sign3A_108 : i1 to i32
    %sign3A_110 = arith.subi %sign3A_106, %sign3A_109 : i32
    %sign3A_111 = arith.constant 0 : i32
    %sign3A_112 = arith.cmpi sgt, %jit3A_102, %sign3A_111 : i32
    %sign3A_113 = arith.extui %sign3A_112 : i1 to i32
    %sign3A_114 = arith.constant 0 : i32
    %sign3A_115 = arith.cmpi slt, %jit3A_102, %sign3A_114 : i32
    %sign3A_116 = arith.extui %sign3A_115 : i1 to i32
    %sign3A_117 = arith.subi %sign3A_113, %sign3A_116 : i32
    %ne3A_118 = arith.cmpi ne, %sign3A_110, %sign3A_117 : i32
    %rem3A_119 = arith.remsi %add3A_101, %jit3A_102 : i32
    %ne3A_120 = arith.constant 0 : i32
    %ne3A_121 = arith.cmpi ne, %rem3A_119, %ne3A_120 : i32
    %and3A_122 = arith.andi %ne3A_118, %ne3A_121 : i1
    %sub3A_123 = arith.constant 1 : i32
    %sub3A_124 = arith.subi %div3A_103, %sub3A_123 : i32
    %select_n3A_125 = arith.select %and3A_122, %sub3A_124, %div3A_103 : i32
    %rem3A_126 = arith.constant 128 : i32
    %rem3A_127 = arith.remsi %add3A_101, %rem3A_126 : i32
    %mul3A_128 = arith.constant 512 : i32
    %mul3A_129 = arith.muli %select_n3A_125, %mul3A_128 : i32
    %add3A_130 = arith.constant 256 : i32
    %add3A_131 = arith.addi %mul3A_129, %add3A_130 : i32
    %add3A_132 = arith.addi %add3A_131, %rem3A_127 : i32
    %mul3A_133 = arith.constant 1024 : i32
    %mul3A_134 = arith.muli %add3A_132, %mul3A_133 : i32
    %dma_wait3A_135 = arith.constant 2048 : i32
    %dma_wait3A_136 = tpu.memref_slice %arg11[%dma_wait3A_135] : memref<4096xf32, #tpu.memory_space<vmem>> -> memref<1024xf32, #tpu.memory_space<vmem>>
    %dma_wait3A_137 = tpu.memref_slice %arg4[%mul3A_134] : memref<26214400xf32, #tpu.memory_space<hbm>> -> memref<1024xf32, #tpu.memory_space<hbm>>
    %dma_wait3A_138 = tpu.memref_slice %arg4[%mul3A_134] : memref<26214400xf32, #tpu.memory_space<hbm>> -> memref<1024xf32, #tpu.memory_space<hbm>>
    %dma_wait3A_139 = arith.constant 2048 : i32
    %dma_wait3A_140 = tpu.memref_slice %arg11[%dma_wait3A_139] : memref<4096xf32, #tpu.memory_space<vmem>> -> memref<1024xf32, #tpu.memory_space<vmem>>
    tpu.wait_dma2 semaphore(%arg17 : memref<!tpu.dma_semaphore, #tpu.memory_space<semaphore_mem>>) src(%dma_wait3A_140 : memref<1024xf32, #tpu.memory_space<vmem>>) dst(%dma_wait3A_138 : memref<1024xf32, #tpu.memory_space<hbm>>)
    %add3A_141 = arith.constant 198 : i32
    %add3A_142 = arith.addi %mul3A_4, %add3A_141 : i32
    %jit3A_143 = arith.constant 128 : i32
    %div3A_144 = arith.divsi %add3A_142, %jit3A_143 : i32
    %sign3A_145 = arith.constant 0 : i32
    %sign3A_146 = arith.cmpi sgt, %add3A_142, %sign3A_145 : i32
    %sign3A_147 = arith.extui %sign3A_146 : i1 to i32
    %sign3A_148 = arith.constant 0 : i32
    %sign3A_149 = arith.cmpi slt, %add3A_142, %sign3A_148 : i32
    %sign3A_150 = arith.extui %sign3A_149 : i1 to i32
    %sign3A_151 = arith.subi %sign3A_147, %sign3A_150 : i32
    %sign3A_152 = arith.constant 0 : i32
    %sign3A_153 = arith.cmpi sgt, %jit3A_143, %sign3A_152 : i32
    %sign3A_154 = arith.extui %sign3A_153 : i1 to i32
    %sign3A_155 = arith.constant 0 : i32
    %sign3A_156 = arith.cmpi slt, %jit3A_143, %sign3A_155 : i32
    %sign3A_157 = arith.extui %sign3A_156 : i1 to i32
    %sign3A_158 = arith.subi %sign3A_154, %sign3A_157 : i32
    %ne3A_159 = arith.cmpi ne, %sign3A_151, %sign3A_158 : i32
    %rem3A_160 = arith.remsi %add3A_142, %jit3A_143 : i32
    %ne3A_161 = arith.constant 0 : i32
    %ne3A_162 = arith.cmpi ne, %rem3A_160, %ne3A_161 : i32
    %and3A_163 = arith.andi %ne3A_159, %ne3A_162 : i1
    %sub3A_164 = arith.constant 1 : i32
    %sub3A_165 = arith.subi %div3A_144, %sub3A_164 : i32
    %select_n3A_166 = arith.select %and3A_163, %sub3A_165, %div3A_144 : i32
    %rem3A_167 = arith.constant 128 : i32
    %rem3A_168 = arith.remsi %add3A_142, %rem3A_167 : i32
    %mul3A_169 = arith.constant 512 : i32
    %mul3A_170 = arith.muli %select_n3A_166, %mul3A_169 : i32
    %add3A_171 = arith.constant 384 : i32
    %add3A_172 = arith.addi %mul3A_170, %add3A_171 : i32
    %add3A_173 = arith.addi %add3A_172, %rem3A_168 : i32
    %mul3A_174 = arith.constant 1024 : i32
    %mul3A_175 = arith.muli %add3A_173, %mul3A_174 : i32
    %dma_wait3A_176 = arith.constant 3072 : i32
    %dma_wait3A_177 = tpu.memref_slice %arg11[%dma_wait3A_176] : memref<4096xf32, #tpu.memory_space<vmem>> -> memref<1024xf32, #tpu.memory_space<vmem>>
    %dma_wait3A_178 = tpu.memref_slice %arg4[%mul3A_175] : memref<26214400xf32, #tpu.memory_space<hbm>> -> memref<1024xf32, #tpu.memory_space<hbm>>
    %dma_wait3A_179 = tpu.memref_slice %arg4[%mul3A_175] : memref<26214400xf32, #tpu.memory_space<hbm>> -> memref<1024xf32, #tpu.memory_space<hbm>>
    %dma_wait3A_180 = arith.constant 3072 : i32
    %dma_wait3A_181 = tpu.memref_slice %arg11[%dma_wait3A_180] : memref<4096xf32, #tpu.memory_space<vmem>> -> memref<1024xf32, #tpu.memory_space<vmem>>
    tpu.wait_dma2 semaphore(%arg17 : memref<!tpu.dma_semaphore, #tpu.memory_space<semaphore_mem>>) src(%dma_wait3A_181 : memref<1024xf32, #tpu.memory_space<vmem>>) dst(%dma_wait3A_179 : memref<1024xf32, #tpu.memory_space<hbm>>)
    %add3A_182 = arith.constant 199 : i32
    %add3A_183 = arith.addi %mul3A_4, %add3A_182 : i32
    %jit3A_184 = arith.constant 128 : i32
    %div3A_185 = arith.divsi %add3A_183, %jit3A_184 : i32
    %sign3A_186 = arith.constant 0 : i32
    %sign3A_187 = arith.cmpi sgt, %add3A_183, %sign3A_186 : i32
    %sign3A_188 = arith.extui %sign3A_187 : i1 to i32
    %sign3A_189 = arith.constant 0 : i32
    %sign3A_190 = arith.cmpi slt, %add3A_183, %sign3A_189 : i32
    %sign3A_191 = arith.extui %sign3A_190 : i1 to i32
    %sign3A_192 = arith.subi %sign3A_188, %sign3A_191 : i32
    %sign3A_193 = arith.constant 0 : i32
    %sign3A_194 = arith.cmpi sgt, %jit3A_184, %sign3A_193 : i32
    %sign3A_195 = arith.extui %sign3A_194 : i1 to i32
    %sign3A_196 = arith.constant 0 : i32
    %sign3A_197 = arith.cmpi slt, %jit3A_184, %sign3A_196 : i32
    %sign3A_198 = arith.extui %sign3A_197 : i1 to i32
    %sign3A_199 = arith.subi %sign3A_195, %sign3A_198 : i32
    %ne3A_200 = arith.cmpi ne, %sign3A_192, %sign3A_199 : i32
    %rem3A_201 = arith.remsi %add3A_183, %jit3A_184 : i32
    %ne3A_202 = arith.constant 0 : i32
    %ne3A_203 = arith.cmpi ne, %rem3A_201, %ne3A_202 : i32
    %and3A_204 = arith.andi %ne3A_200, %ne3A_203 : i1
    %sub3A_205 = arith.constant 1 : i32
    %sub3A_206 = arith.subi %div3A_185, %sub3A_205 : i32
    %select_n3A_207 = arith.select %and3A_204, %sub3A_206, %div3A_185 : i32
    %rem3A_208 = arith.constant 128 : i32
    %rem3A_209 = arith.remsi %add3A_183, %rem3A_208 : i32
    %mul3A_210 = arith.constant 512 : i32
    %mul3A_211 = arith.muli %select_n3A_207, %mul3A_210 : i32
    %add3A_212 = arith.constant 0 : i32
    %add3A_213 = arith.addi %mul3A_211, %add3A_212 : i32
    %add3A_214 = arith.addi %add3A_213, %rem3A_209 : i32
    %mul3A_215 = arith.constant 1024 : i32
    %mul3A_216 = arith.muli %add3A_214, %mul3A_215 : i32
    %dma_wait3A_217 = arith.constant 0 : i32
    %dma_wait3A_218 = tpu.memref_slice %arg12[%dma_wait3A_217] : memref<4096xf32, #tpu.memory_space<vmem>> -> memref<1024xf32, #tpu.memory_space<vmem>>
    %dma_wait3A_219 = tpu.memref_slice %arg4[%mul3A_216] : memref<26214400xf32, #tpu.memory_space<hbm>> -> memref<1024xf32, #tpu.memory_space<hbm>>
    %dma_wait3A_220 = tpu.memref_slice %arg4[%mul3A_216] : memref<26214400xf32, #tpu.memory_space<hbm>> -> memref<1024xf32, #tpu.memory_space<hbm>>
    %dma_wait3A_221 = arith.constant 0 : i32
    %dma_wait3A_222 = tpu.memref_slice %arg12[%dma_wait3A_221] : memref<4096xf32, #tpu.memory_space<vmem>> -> memref<1024xf32, #tpu.memory_space<vmem>>
    tpu.wait_dma2 semaphore(%arg18 : memref<!tpu.dma_semaphore, #tpu.memory_space<semaphore_mem>>) src(%dma_wait3A_222 : memref<1024xf32, #tpu.memory_space<vmem>>) dst(%dma_wait3A_220 : memref<1024xf32, #tpu.memory_space<hbm>>)
    %add3A_223 = arith.constant 199 : i32
    %add3A_224 = arith.addi %mul3A_4, %add3A_223 : i32
    %jit3A_225 = arith.constant 128 : i32
    %div3A_226 = arith.divsi %add3A_224, %jit3A_225 : i32
    %sign3A_227 = arith.constant 0 : i32
    %sign3A_228 = arith.cmpi sgt, %add3A_224, %sign3A_227 : i32
    %sign3A_229 = arith.extui %sign3A_228 : i1 to i32
    %sign3A_230 = arith.constant 0 : i32
    %sign3A_231 = arith.cmpi slt, %add3A_224, %sign3A_230 : i32
    %sign3A_232 = arith.extui %sign3A_231 : i1 to i32
    %sign3A_233 = arith.subi %sign3A_229, %sign3A_232 : i32
    %sign3A_234 = arith.constant 0 : i32
    %sign3A_235 = arith.cmpi sgt, %jit3A_225, %sign3A_234 : i32
    %sign3A_236 = arith.extui %sign3A_235 : i1 to i32
    %sign3A_237 = arith.constant 0 : i32
    %sign3A_238 = arith.cmpi slt, %jit3A_225, %sign3A_237 : i32
    %sign3A_239 = arith.extui %sign3A_238 : i1 to i32
    %sign3A_240 = arith.subi %sign3A_236, %sign3A_239 : i32
    %ne3A_241 = arith.cmpi ne, %sign3A_233, %sign3A_240 : i32
    %rem3A_242 = arith.remsi %add3A_224, %jit3A_225 : i32
    %ne3A_243 = arith.constant 0 : i32
    %ne3A_244 = arith.cmpi ne, %rem3A_242, %ne3A_243 : i32
    %and3A_245 = arith.andi %ne3A_241, %ne3A_244 : i1
    %sub3A_246 = arith.constant 1 : i32
    %sub3A_247 = arith.subi %div3A_226, %sub3A_246 : i32
    %select_n3A_248 = arith.select %and3A_245, %sub3A_247, %div3A_226 : i32
    %rem3A_249 = arith.constant 128 : i32
    %rem3A_250 = arith.remsi %add3A_224, %rem3A_249 : i32
    %mul3A_251 = arith.constant 512 : i32
    %mul3A_252 = arith.muli %select_n3A_248, %mul3A_251 : i32
    %add3A_253 = arith.constant 128 : i32
    %add3A_254 = arith.addi %mul3A_252, %add3A_253 : i32
    %add3A_255 = arith.addi %add3A_254, %rem3A_250 : i32
    %mul3A_256 = arith.constant 1024 : i32
    %mul3A_257 = arith.muli %add3A_255, %mul3A_256 : i32
    %dma_wait3A_258 = arith.constant 1024 : i32
    %dma_wait3A_259 = tpu.memref_slice %arg12[%dma_wait3A_258] : memref<4096xf32, #tpu.memory_space<vmem>> -> memref<1024xf32, #tpu.memory_space<vmem>>
    %dma_wait3A_260 = tpu.memref_slice %arg4[%mul3A_257] : memref<26214400xf32, #tpu.memory_space<hbm>> -> memref<1024xf32, #tpu.memory_space<hbm>>
    %dma_wait3A_261 = tpu.memref_slice %arg4[%mul3A_257] : memref<26214400xf32, #tpu.memory_space<hbm>> -> memref<1024xf32, #tpu.memory_space<hbm>>
    %dma_wait3A_262 = arith.constant 1024 : i32
    %dma_wait3A_263 = tpu.memref_slice %arg12[%dma_wait3A_262] : memref<4096xf32, #tpu.memory_space<vmem>> -> memref<1024xf32, #tpu.memory_space<vmem>>
    tpu.wait_dma2 semaphore(%arg18 : memref<!tpu.dma_semaphore, #tpu.memory_space<semaphore_mem>>) src(%dma_wait3A_263 : memref<1024xf32, #tpu.memory_space<vmem>>) dst(%dma_wait3A_261 : memref<1024xf32, #tpu.memory_space<hbm>>)
    %add3A_264 = arith.constant 199 : i32
    %add3A_265 = arith.addi %mul3A_4, %add3A_264 : i32
    %jit3A_266 = arith.constant 128 : i32
    %div3A_267 = arith.divsi %add3A_265, %jit3A_266 : i32
    %sign3A_268 = arith.constant 0 : i32
    %sign3A_269 = arith.cmpi sgt, %add3A_265, %sign3A_268 : i32
    %sign3A_270 = arith.extui %sign3A_269 : i1 to i32
    %sign3A_271 = arith.constant 0 : i32
    %sign3A_272 = arith.cmpi slt, %add3A_265, %sign3A_271 : i32
    %sign3A_273 = arith.extui %sign3A_272 : i1 to i32
    %sign3A_274 = arith.subi %sign3A_270, %sign3A_273 : i32
    %sign3A_275 = arith.constant 0 : i32
    %sign3A_276 = arith.cmpi sgt, %jit3A_266, %sign3A_275 : i32
    %sign3A_277 = arith.extui %sign3A_276 : i1 to i32
    %sign3A_278 = arith.constant 0 : i32
    %sign3A_279 = arith.cmpi slt, %jit3A_266, %sign3A_278 : i32
    %sign3A_280 = arith.extui %sign3A_279 : i1 to i32
    %sign3A_281 = arith.subi %sign3A_277, %sign3A_280 : i32
    %ne3A_282 = arith.cmpi ne, %sign3A_274, %sign3A_281 : i32
    %rem3A_283 = arith.remsi %add3A_265, %jit3A_266 : i32
    %ne3A_284 = arith.constant 0 : i32
    %ne3A_285 = arith.cmpi ne, %rem3A_283, %ne3A_284 : i32
    %and3A_286 = arith.andi %ne3A_282, %ne3A_285 : i1
    %sub3A_287 = arith.constant 1 : i32
    %sub3A_288 = arith.subi %div3A_267, %sub3A_287 : i32
    %select_n3A_289 = arith.select %and3A_286, %sub3A_288, %div3A_267 : i32
    %rem3A_290 = arith.constant 128 : i32
    %rem3A_291 = arith.remsi %add3A_265, %rem3A_290 : i32
    %mul3A_292 = arith.constant 512 : i32
    %mul3A_293 = arith.muli %select_n3A_289, %mul3A_292 : i32
    %add3A_294 = arith.constant 256 : i32
    %add3A_295 = arith.addi %mul3A_293, %add3A_294 : i32
    %add3A_296 = arith.addi %add3A_295, %rem3A_291 : i32
    %mul3A_297 = arith.constant 1024 : i32
    %mul3A_298 = arith.muli %add3A_296, %mul3A_297 : i32
    %dma_wait3A_299 = arith.constant 2048 : i32
    %dma_wait3A_300 = tpu.memref_slice %arg12[%dma_wait3A_299] : memref<4096xf32, #tpu.memory_space<vmem>> -> memref<1024xf32, #tpu.memory_space<vmem>>
    %dma_wait3A_301 = tpu.memref_slice %arg4[%mul3A_298] : memref<26214400xf32, #tpu.memory_space<hbm>> -> memref<1024xf32, #tpu.memory_space<hbm>>
    %dma_wait3A_302 = tpu.memref_slice %arg4[%mul3A_298] : memref<26214400xf32, #tpu.memory_space<hbm>> -> memref<1024xf32, #tpu.memory_space<hbm>>
    %dma_wait3A_303 = arith.constant 2048 : i32
    %dma_wait3A_304 = tpu.memref_slice %arg12[%dma_wait3A_303] : memref<4096xf32, #tpu.memory_space<vmem>> -> memref<1024xf32, #tpu.memory_space<vmem>>
    tpu.wait_dma2 semaphore(%arg18 : memref<!tpu.dma_semaphore, #tpu.memory_space<semaphore_mem>>) src(%dma_wait3A_304 : memref<1024xf32, #tpu.memory_space<vmem>>) dst(%dma_wait3A_302 : memref<1024xf32, #tpu.memory_space<hbm>>)
    %add3A_305 = arith.constant 199 : i32
    %add3A_306 = arith.addi %mul3A_4, %add3A_305 : i32
    %jit3A_307 = arith.constant 128 : i32
    %div3A_308 = arith.divsi %add3A_306, %jit3A_307 : i32
    %sign3A_309 = arith.constant 0 : i32
    %sign3A_310 = arith.cmpi sgt, %add3A_306, %sign3A_309 : i32
    %sign3A_311 = arith.extui %sign3A_310 : i1 to i32
    %sign3A_312 = arith.constant 0 : i32
    %sign3A_313 = arith.cmpi slt, %add3A_306, %sign3A_312 : i32
    %sign3A_314 = arith.extui %sign3A_313 : i1 to i32
    %sign3A_315 = arith.subi %sign3A_311, %sign3A_314 : i32
    %sign3A_316 = arith.constant 0 : i32
    %sign3A_317 = arith.cmpi sgt, %jit3A_307, %sign3A_316 : i32
    %sign3A_318 = arith.extui %sign3A_317 : i1 to i32
    %sign3A_319 = arith.constant 0 : i32
    %sign3A_320 = arith.cmpi slt, %jit3A_307, %sign3A_319 : i32
    %sign3A_321 = arith.extui %sign3A_320 : i1 to i32
    %sign3A_322 = arith.subi %sign3A_318, %sign3A_321 : i32
    %ne3A_323 = arith.cmpi ne, %sign3A_315, %sign3A_322 : i32
    %rem3A_324 = arith.remsi %add3A_306, %jit3A_307 : i32
    %ne3A_325 = arith.constant 0 : i32
    %ne3A_326 = arith.cmpi ne, %rem3A_324, %ne3A_325 : i32
    %and3A_327 = arith.andi %ne3A_323, %ne3A_326 : i1
    %sub3A_328 = arith.constant 1 : i32
    %sub3A_329 = arith.subi %div3A_308, %sub3A_328 : i32
    %select_n3A_330 = arith.select %and3A_327, %sub3A_329, %div3A_308 : i32
    %rem3A_331 = arith.constant 128 : i32
    %rem3A_332 = arith.remsi %add3A_306, %rem3A_331 : i32
    %mul3A_333 = arith.constant 512 : i32
    %mul3A_334 = arith.muli %select_n3A_330, %mul3A_333 : i32
    %add3A_335 = arith.constant 384 : i32
    %add3A_336 = arith.addi %mul3A_334, %add3A_335 : i32
    %add3A_337 = arith.addi %add3A_336, %rem3A_332 : i32
    %mul3A_338 = arith.constant 1024 : i32
    %mul3A_339 = arith.muli %add3A_337, %mul3A_338 : i32
    %dma_wait3A_340 = arith.constant 3072 : i32
    %dma_wait3A_341 = tpu.memref_slice %arg12[%dma_wait3A_340] : memref<4096xf32, #tpu.memory_space<vmem>> -> memref<1024xf32, #tpu.memory_space<vmem>>
    %dma_wait3A_342 = tpu.memref_slice %arg4[%mul3A_339] : memref<26214400xf32, #tpu.memory_space<hbm>> -> memref<1024xf32, #tpu.memory_space<hbm>>
    %dma_wait3A_343 = tpu.memref_slice %arg4[%mul3A_339] : memref<26214400xf32, #tpu.memory_space<hbm>> -> memref<1024xf32, #tpu.memory_space<hbm>>
    %dma_wait3A_344 = arith.constant 3072 : i32
    %dma_wait3A_345 = tpu.memref_slice %arg12[%dma_wait3A_344] : memref<4096xf32, #tpu.memory_space<vmem>> -> memref<1024xf32, #tpu.memory_space<vmem>>
    tpu.wait_dma2 semaphore(%arg18 : memref<!tpu.dma_semaphore, #tpu.memory_space<semaphore_mem>>) src(%dma_wait3A_345 : memref<1024xf32, #tpu.memory_space<vmem>>) dst(%dma_wait3A_343 : memref<1024xf32, #tpu.memory_space<hbm>>)
    return
  }
}

</mosaic_0001>

<sc_bundles>
// kernel: kernel.3.cloned.1.call-start
scs
__scs_entry_jumppad:
0x0: {  	(pc) =	sbr.rel $0x88, $3  }
0x1: {  	(tag) =	ssettag $0x0;
	lr =	simm.s32 $0x1  }
0x2: {  	[smem:$0x3F9F] =	sst lr;
	_ =	strace $0xD0000000  }
0x3: {  	_ = 	snop  }
0x4: {  	_ = 	snop  }
0x5: {  	_ = 	snop  }
0x6: {  	_ = 	snop  }
0x7: {  	_ = 	snop  }
__scs_overlays_trampoline_lowered:
0x8: {  	[smem:$0x3FAE] =	sst s0  }
0x9: {  	[smem:$0x3FAF] =	sst s1  }
0xa: {  	[smem:$0x3FB0] =	sst s2  }
0xb: {  	[smem:$0x3FB1] =	sst s3  }
0xc: {  	[smem:$0x3FB2] =	sst s4  }
0xd: {  	[smem:$0x3FB3] =	sst s5  }
0xe: {  	[smem:$0x3FB4] =	sst s6  }
0xf: {  	[smem:$0x3FB5] =	sst s7  }
0x10: {  	[smem:$0x3FB6] =	sst s8  }
0x11: {  	[smem:$0x3FB7] =	sst s9;
	s0 =	simm.s32 @!p0 $0x0  }
0x12: {  	s1 =	sld [smem:$0x3F9D];
	s0 =	simm.s32 @p0 $0x1  }
0x13: {  	[smem:$0x3FB8] =	sst s0;
	s0 =	simm.s32 @!p1 $0x0  }
0x14: {  	s2 =	sld [smem:$0x3F9C];
	s0 =	simm.s32 @p1 $0x1  }
0x15: {  	[smem:$0x3FB9] =	sst s0;
	s0 =	simm.s32 @!p2 $0x0  }
0x16: {  	s3 =	sld [smem:$0x3FDB];
	s0 =	simm.s32 @p2 $0x1  }
0x17: {  	s4 =	simm.s32 $0x1BF5;
	[smem:$0x3FBB] =	sst s0  }
0x18: {  	s0 =	sld [smem:$0x3F9E];
	_ =	swait.ge [sflag:s4], $0x0  }
0x19: {  	s7 =	sld [smem:$0x3F9F]  }
0x1a: {  	s8 =	sadd.s32 $0xFFFFE003, lr  }
0x1b: {  	s9 =	sadd.s32 $0xFFFFFEF7, lr;
	s5 =	simm.s32 $0xFFFFFFFF;
	p2 =	slt.u32 s8, $0xFFFFF086  }
0x1c: {  	p1 =	slt.u32 s9, $0xF7A;
	s5 =	simm.s32 @!p2 $0x0  }
0x1d: {  	s5 =	simm.s32 @p1 $0x1;
	p0 =	seq.s32 s7, s2  }
0x1e: {  	s7 =	smul.u32 @!p0 $0xF7A, s2;
	p2 =	seq.s32 @!p0 s5, $0x0  }
0x1f: {  	s9 =	smul.u32 $0xF7A, s1;
	s8 =	simm.s32 @!p0 $0x1BF5;
	p2 =	por !p2, p0  }
0x20: {  	[sflag:s8] =	ssyncset.s32 @!p0 $0xFFFFF086;
	s6 =	sadd.s32 @!p0 s3, s7;
	s7 =	simm.s32 @!p0 $0x108  }
0x21: {  	s3 =	sadd.s32 s3, s9;
	s6 =	sadd.s32 @!p0 $0x88, s6;
	s7 =	simm.s32 @p2 $0x1082  }
0x22: {  	[simem:s7], [sflag:s8] =	dma.local @!p0 [hbm:s6], $0xF7A  }
0x23: {  	s9 =	sor.u32 $0xD0000000, s2;
	s6 =	simm.s32 $0x108;
	_ =	swait.ge @!p0 [sflag:s8], $0x0  }
0x24: {  	s3 =	sadd.s32 $0x88, s3;
	s6 =	simm.s32 @!p1 $0x1082;
	[sflag:s4] =	ssyncset.s32 $0xFFFFF086  }
0x25: {  	[simem:s6], [sflag:s4] =	dma.local [hbm:s3], $0xF7A  }
0x26: {  	[smem:$0x3F9F] =	sst s1;
	(tag) =	ssettag s2;
	_ =	strace s9  }
0x27: {  	s1 =	sld [smem:$0x3FAF]  }
0x28: {  	s2 =	sld [smem:$0x3FB0]  }
0x29: {  	s4 =	sld [smem:$0x3FB2]  }
0x2a: {  	p0 =	seq.s32 s5, $0x0;
	s5 =	sld [smem:$0x3FB3]  }
0x2b: {  	s6 =	sld [smem:$0x3FB4]  }
0x2c: {  	s7 =	sld [smem:$0x3FB5]  }
0x2d: {  	s3 =	simm.s32 $0x108;
	s8 =	sld [smem:$0x3FB6]  }
0x2e: {  	s3 =	simm.s32 @!p0 $0x1082;
	s9 =	sld [smem:$0x3FB7]  }
0x2f: {  	lr =	sadd.s32 s0, s3;
	s0 =	sld [smem:$0x3FAE]  }
0x30: {  	s3 =	sld [smem:$0x3FB1]  }
0x31: {  	[smem:$0x3FBA] =	sst s10  }
0x32: {  	s10 =	sld [smem:$0x3FB8];
	_ =	sdelay $0x3  }
0x33: {  	p0 =	seq.s32 s10, $0x1;
	s10 =	sld [smem:$0x3FBA];
	_ =	sdelay $0x3  }
0x34: {  	[smem:$0x3FBA] =	sst s10  }
0x35: {  	s10 =	sld [smem:$0x3FB9];
	_ =	sdelay $0x3  }
0x36: {  	p1 =	seq.s32 s10, $0x1;
	s10 =	sld [smem:$0x3FBA];
	_ =	sdelay $0x3  }
0x37: {  	[smem:$0x3FBA] =	sst s10  }
0x38: {  	s10 =	sld [smem:$0x3FBB]  }
0x39: {  	_ = 	snop;
	(pc) =	sbr.ind lr, $3  }
0x3a: {  	_ = 	snop  }
0x3b: {  	_ = 	snop  }
0x3c: {  	p2 =	seq.s32 s10, $0x1;
	s10 =	sld [smem:$0x3FBA]  }
0x3d: {  	_ =	shalt  }
0x3e: {  	_ =	shalt  }
0x3f: {  	_ =	shalt  }
0x40: {  	_ =	shalt  }
0x41: {  	_ =	shalt  }
0x42: {  	_ =	shalt  }
0x43: {  	_ =	shalt  }
0x44: {  	_ =	shalt  }
0x45: {  	_ =	shalt  }
0x46: {  	_ =	shalt  }
0x47: {  	_ =	shalt  }
0x48: {  	_ =	shalt  }
0x49: {  	_ =	shalt  }
0x4a: {  	_ =	shalt  }
0x4b: {  	_ =	shalt  }
0x4c: {  	_ =	shalt  }
0x4d: {  	_ =	shalt  }
0x4e: {  	_ =	shalt  }
0x4f: {  	_ =	shalt  }
0x50: {  	_ =	shalt  }
0x51: {  	_ =	shalt  }
0x52: {  	_ =	shalt  }
0x53: {  	_ =	shalt  }
0x54: {  	_ =	shalt  }
0x55: {  	_ =	shalt  }
0x56: {  	_ =	shalt  }
0x57: {  	_ =	shalt  }
0x58: {  	_ =	shalt  }
0x59: {  	_ =	shalt  }
0x5a: {  	_ =	shalt  }
0x5b: {  	_ =	shalt  }
0x5c: {  	_ =	shalt  }
0x5d: {  	_ =	shalt  }
0x5e: {  	_ =	shalt  }
0x5f: {  	_ =	shalt  }
0x60: {  	_ =	shalt  }
0x61: {  	_ =	shalt  }
0x62: {  	_ =	shalt  }
0x63: {  	_ =	shalt  }
0x64: {  	_ =	shalt  }
0x65: {  	_ =	shalt  }
0x66: {  	_ =	shalt  }
0x67: {  	_ =	shalt  }
0x68: {  	_ =	shalt  }
0x69: {  	_ =	shalt  }
0x6a: {  	_ =	shalt  }
0x6b: {  	_ =	shalt  }
0x6c: {  	_ =	shalt  }
0x6d: {  	_ =	shalt  }
0x6e: {  	_ =	shalt  }
0x6f: {  	_ =	shalt  }
0x70: {  	_ =	shalt  }
0x71: {  	_ =	shalt  }
0x72: {  	_ =	shalt  }
0x73: {  	_ =	shalt  }
0x74: {  	_ =	shalt  }
0x75: {  	_ =	shalt  }
0x76: {  	_ =	shalt  }
0x77: {  	_ =	shalt  }
0x78: {  	_ =	shalt  }
0x79: {  	_ =	shalt  }
0x7a: {  	_ =	shalt  }
0x7b: {  	_ =	shalt  }
0x7c: {  	_ =	shalt  }
0x7d: {  	_ =	shalt  }
0x7e: {  	_ =	shalt  }
0x7f: {  	_ =	shalt  }
0x80: {  	_ =	shalt  }
0x81: {  	_ =	shalt  }
0x82: {  	_ =	shalt  }
0x83: {  	_ =	shalt  }
0x84: {  	_ =	shalt  }
0x85: {  	_ =	shalt  }
0x86: {  	_ =	shalt  }
0x87: {  	_ =	shalt  }
.Lfunc_end0:
.L_simem_size_0:
called_computation_lowered:
.L_overlay_start_0:
0x88: {  	s2 =	sld [smem:$0x3FD9]  }
0x89: {  	s3 =	sld [smem:$0x3FFE];
	_ =	sdelay $0x1  }
0x8a: {  	s1 =	srdreg.scid  }
0x8b: {  	s0 =	sand.u32 $0x1, s1  }
0x8c: {  	s17 =	sshll.u32 s0, $0xA;
	s2 =	sadd.s32 s3, s2  }
0x8d: {  	s2 =	sadd.s32 s2, s17  }
0x8e: {  	[smem:$0x3FC6] =	sst s2  }
0x8f: {  	_ = 	snop  }
0x90: {  	s2 =	sld [smem:$0x3FD0];
	(tm) =	ssettm $0x1  }
0x91: {  	s18 =	sld [smem:$0x3FFB];
	_ =	sdelay $0x3  }
0x92: {  	_ =	strace s18  }
0x93: {  	s3 =	sld [smem:$0x3FFC];
	_ =	sdelay $0x3  }
0x94: {  	_ =	strace s3  }
0x95: {  	s3 =	sld [smem:$0x3FFD];
	_ =	sdelay $0x3  }
0x96: {  	_ =	strace s3  }
0x97: {  	_ =	strace $0x8FFFFFFF  }
0x98: {  	s19 =	sld [smem:$0x3FDB];
	_ =	sdelay $0x1  }
0x99: {  	s4 =	simm.s32 $_scs_section_size  }
0x9a: {  	s5 =	simm.s32 $_size__tile_overlayer_lowered;
	s6 =	simm.s32 $_tile_overlayer_lowered  }
0x9b: {  	s22 =	simm.s32 $0x1BFF;
	s21 =	sshll.u32 s6, $0x1;
	s3 =	sadd.s32 s4, s19  }
0x9c: {  	s7 =	simm.s32 $0x0;
	s20 =	sshll.u32 s5, $0x1;
	s5 =	sadd.s32 s21, s3  }
0x9d: {  	[timem:s7], [sflag:s22] =	dma.local [hbm:s5], s20  }
0x9e: {  	_ =	swait.ge [sflag:s22], s20  }
0x9f: {  	s4 =	ssub.s32 $0x0, s20;
	[sflag:s22] =	ssyncset.done $0x0  }
0xa0: {  	[sflag:s22] =	ssyncadd.s32 s4;
	_ =	sdelay $0x1  }
0xa1: {  	s23 =	simm.s32 $0x1B8B  }
0xa2: {  	_ =	swait.ge [sflag:s23], $0x1  }
0xa3: {  	[sflag:s23] =	ssyncset.done $0x0  }
0xa4: {  	s25 =	simm.s32 $0x1B8E;
	s24 =	sld [smem:$0x3FFE];
	[sflag:s23] =	ssyncadd.s32 $0xFFFFFFFF  }
0xa5: {  	s26 =	simm.s32 $execute0_lowered;
	[smem:$0x3FD2] =	sst s25  }
0xa6: {  	s5 =	sshll.u32 s26, $0x1;
	_ =	strace $0x80000046;
	[dreg:$0x1] =	wrdreg $0xFFFFFFFF  }
0xa7: {  	s28 =	simm.s32 $_size_execute0_lowered;
	s3 =	sadd.s32 s3, s5;
	[dreg:$0x0] =	wrdreg $0x0  }
0xa8: {  	s5 =	sshll.u32 s28, $0x1;
	[dreg:$0x2] =	wrdreg s3  }
0xa9: {  	[dreg:$0x3] =	wrdreg s5  }
0xaa: {  	[dreg:$0x4] =	wrdreg $0xC0  }
0xab: {  	_ =	task [dreg:s7], $0x5FFFF  }
0xac: {  	[dreg:$0x1] =	wrdreg $0xFFFFFFFF  }
0xad: {  	[dreg:$0x0] =	wrdreg $0x60  }
0xae: {  	[dreg:$0x2] =	wrdreg s24  }
0xaf: {  	[dreg:$0x3] =	wrdreg s2  }
0xb0: {  	[dreg:$0x4] =	wrdreg $0x9  }
0xb1: {  	_ =	task.clear_ibuf [dreg:s7], $0x5FFFF;
	_ =	strace $0x90000046  }
0xb2: {  	s29 =	simm.s32 $0x9;
	_ =	strace $0x80000048  }
0xb3: {  	_ =	swait.ge [sflag:s29], $0x1  }
0xb4: {  	[sflag:s29] =	ssyncadd.s32 $0xFFFFFFFF  }
0xb5: {  	_ =	strace $0x90000048  }
0xb6: {  	_ =	sfence  }
0xb7: {  	s30 =	sld [smem:$0x0];
	_ =	sdelay $0x2  }
0xb8: {  	s31 =	sshll.u32 s1, $0xD;
	s1 =	sshrl.u32 s1, $0x2  }
0xb9: {  	s3 =	sand.u32 $0x4000, s31;
	s1 =	sadd.s32 s1, s30  }
0xba: {  	s0 =	sor.u32 s3, s0;
	s1 =	sshll.u32 s1, $0x11  }
0xbb: {  	s0 =	sor.u32 s1, s0  }
0xbc: {  	s0 =	sadd.s32 $0x8F2B, s0  }
0xbd: {  	[sflag:s0] =	ssyncadd.remote.s32 $0x1  }
0xbe: {  	_ =	sfence.sel $0xFFFF  }
0xbf: {  	[dreg:$0x0] =	wrdreg $0xFFFFFFFF;
	(pc) =	sbr.abs _section_cstart, $3  }
0xc0: {  	[dreg:$0x1] =	wrdreg $0xFFFFFFFF  }
0xc1: {  	_ =	task.clear_ibuf [dreg:s7], $0x2FFFF;
	_ =	strace $0x9FFFFFFF  }
0xc2: {  	(tm) =	ssettm $0x7FFFFFFF  }
0xc3: {  	_ =	shalt  }
tec
execute0_lowered:
.L_overlay_start_1:
0x0: {  	(tag) =	ssettag $0x1  }
0x1: {  	s3 =	stileid.u32  }
0x2: {  	s0 =	rddreg [dreg:$0x0];
	v2 =	vimm.s32 $0x0;
	vm0 =	vcmask $0x300;
	s4 =	sshll.u32 s3, $0x1;
	s3 =	simm.s32 $0x0  }
0x3: {  	v0 =	vlaneseq.u32;
	v49 =	vsel vm0, $0x7, v2;
	[smem:$0x7FF] =	sst s3  }
0x4: {  	s2 =	rddreg [dreg:$0x1];
	v15 =	vor.u32 $0x10, v0;
	_ =	strace $0x80000047;
	[tilespmem:$0x1FF00] =	vst v49  }
0x5: {  	v1 =	vor.u32 $0x20, v0;
	[tilespmem:$0x1FF20] =	vst v15  }
0x6: {  	v9 =	vor.u32 $0x60, v0;
	[tilespmem:$0x1FF30] =	vst v1  }
0x7: {  	v5 =	vor.u32 $0x40, v0;
	[tilespmem:$0x1FF40] =	vst v9  }
0x8: {  	v6 =	vor.u32 $0x50, v0;
	[tilespmem:$0x1FF50] =	vst v5  }
0x9: {  	v11 =	vor.u32 $0x70, v0;
	[tilespmem:$0x1FF60] =	vst v6  }
0xa: {  	s1 =	srdreg.scid;
	s28 =	simm.s32 $0x80;
	s14 =	simm.s32 $0xC800;
	v12 =	vmul.u32 $0x80, v0;
	v3 =	vor.u32 $0x30, v0;
	[tilespmem:$0x1FF70] =	vst v11  }
0xb: {  	s16 =	simm.s32 $0x10800;
	s18 =	simm.s32 $0x14800;
	s20 =	simm.s32 $0x1C800;
	[tilespmem:$0x1FF80] =	vst v3  }
0xc: {  	s29 =	simm.s32 $0x1CC00;
	s30 =	simm.s32 $0x1D000;
	s1 =	sand.u32 $0x1, s1;
	v8 =	vor.u32 $0x2800, v12;
	[tilespmem:$0x1FFB0] =	vst v12  }
0xd: {  	s24 =	simm.s32 $0x18800;
	s31 =	simm.s32 $0x5;
	s5 =	sor.u32 s1, s4;
	v7 =	vor.u32 $0x3000, v12;
	[tilespmem:$0x1FF10] =	vst v8  }
0xe: {  	s7 =	sadd.s32 $0x4000, s2;
	s8 =	sadd.s32 $0x8000, s2;
	s4 =	smul.u32 $0xC80, s5;
	v4 =	vor.u32 $0x2000, v12;
	[tilespmem:$0x1FF90] =	vst v7  }
.Ltmp0:
0xf: {  	s9 =	sadd.s32 $0xC000, s2;
	s1 =	ssub.s32 $0x2, s1;
	v14 =	vor.u32 $0x800, v12;
	[tilespmem:$0x1FFA0] =	vst v4;
	(pc) =	sbr.rel .LBB2_1-.Ltmp0, $4  }
0x10: {  	s25 =	sshrl.u32 s1, $0x1;
	s5 =	smul.u32 $0xC8, s5;
	v16 =	vor.u32 $0x1000, v12;
	[tilespmem:$0x1FFC0] =	vst v14;
	s6 =	sadd.s32 s4, s0  }
0x11: {  	v2 =	vor.u32 $0x1800, v12;
	[tilespmem:$0x1FFD0] =	vst v16;
	s4 =	sadd.s32 $0xF42A00, s0;
	s0 =	ssub.s32 s1, s25;
	s26 =	sadd.s32 $0x600, s6  }
0x12: {  	v10 =	vor.u32 $0x3800, v12;
	[tilespmem:$0x1FFE0] =	vst v2;
	s1 =	simm.s32 $0x6;
	s0 =	smax.u32 s0, $0x1;
	[dreg:$0x3] =	wrdreg s26  }
0x13: {  	[tilespmem:$0x1FFF0] =	vst v10;
	s6 =	simm.s32 $0x0;
	[dreg:$0x4] =	wrdreg s0;
	s26 =	simm.s32 $0x1D800  }
.LBB2_14:
0x14: {  	_ =	swait.ge [sflag:s31], $0x400  }
0x15: {  	[sflag:s31] =	ssyncset.done $0x0  }
0x16: {  	[sflag:s31] =	ssyncadd.s32 $0xFFFFFC00  }
0x17: {  	_ =	swait.ge [sflag:s31], $0x400  }
0x18: {  	[sflag:s31] =	ssyncset.done $0x0  }
0x19: {  	[sflag:s31] =	ssyncadd.s32 $0xFFFFFC00  }
0x1a: {  	_ =	swait.ge [sflag:s31], $0x400  }
0x1b: {  	[sflag:s31] =	ssyncset.done $0x0  }
0x1c: {  	[sflag:s31] =	ssyncadd.s32 $0xFFFFFC00  }
0x1d: {  	_ =	swait.ge [sflag:s31], $0x400  }
0x1e: {  	[sflag:s31] =	ssyncset.done $0x0  }
0x1f: {  	[sflag:s31] =	ssyncadd.s32 $0xFFFFFC00  }
0x20: {  	_ =	swait.ge [sflag:s1], $0x400  }
0x21: {  	[sflag:s1] =	ssyncset.done $0x0  }
0x22: {  	[sflag:s1] =	ssyncadd.s32 $0xFFFFFC00  }
0x23: {  	_ =	swait.ge [sflag:s1], $0x400  }
0x24: {  	[sflag:s1] =	ssyncset.done $0x0  }
0x25: {  	[sflag:s1] =	ssyncadd.s32 $0xFFFFFC00  }
0x26: {  	_ =	swait.ge [sflag:s1], $0x400  }
0x27: {  	[sflag:s1] =	ssyncset.done $0x0  }
0x28: {  	[sflag:s1] =	ssyncadd.s32 $0xFFFFFC00  }
0x29: {  	_ =	swait.ge [sflag:s1], $0x400  }
0x2a: {  	s6 =	rddreg [dreg:$0x5]  }
0x2b: {  	s0 =	rddreg [dreg:$0x4];
	s6 =	sadd.s32 $0x1, s6  }
0x2c: {  	p0 =	sne.s32 s6, s0  }
.Ltmp1:
0x2d: {  	_ = 	snop;
	(pc) =	sbr.rel @!p0 .LBB2_15-.Ltmp1, $3  }
0x2e: {  	_ =	sdelay $0x1  }
0x2f: {  	[sflag:s1] =	ssyncset.done $0x0  }
0x30: {  	v12 =	vmov v42;
	v2 =	vmov v41;
	v10 =	vmov v17;
	v8 =	vld [tilespmem:$0x1FF10];
	[sflag:s1] =	ssyncadd.s32 $0xFFFFFC00  }
.LBB2_1:
0x31: {  	[dreg:$0x5] =	wrdreg s6  }
0x32: {  	s0 =	rddreg [dreg:$0x3];
	s25 =	simm.s32 $0x7  }
0x33: {  	[tilespmem:s3], [sflag:$0x7] =	stream.linear.gather [hbm4b:s0+s3], $0x6400, $0x38;
	[tilespmem:$0x1E800] =	vst v63  }
0x34: {  	_ =	swait.ge [sflag:s25], $0x6400  }
0x35: {  	[sflag:s25] =	ssyncset.done $0x0  }
0x36: {  	s6 =	simm.s32 $0x40;
	[sflag:s25] =	ssyncadd.s32 $0xFFFF9C00  }
0x37: {  	v17 =	vld [tilespmem:s6+$0xFFFFFFC0]  }
0x38: {  	v18 =	vld [tilespmem:s6+$0x30]  }
0x39: {  	v25 =	vld [tilespmem:s6+$0x20];
	_ =	sdelay $0x1  }
0x3a: {  	v19 =	vld [tilespmem:s6+$0xFFFFFFF0]  }
0x3b: {  	s10 =	simm.s32 $0x6440;
	v22 =	vld [tilespmem:s6+$0x10];
	v21 =	vshrl.u32 v17, $0x2  }
0x3c: {  	v23 =	vld [tilespmem:s6+$0xFFFFFFE0];
	v24 =	vshrl.u32 v18, $0x2;
	[tilespmem:s10+$0xFFFFFFC0] =	vst v21  }
0x3d: {  	v20 =	vld [tilespmem:s6+$0xFFFFFFD0];
	v18 =	vshll.u32 v18, $0x5;
	v63 =	vshrl.u32 v25, $0x2;
	[tilespmem:s10+$0x30] =	vst v24  }
0x3e: {  	v17 =	vshll.u32 v17, $0x5;
	v18 =	vand.u32 $0x60, v18;
	[tilespmem:s10+$0x20] =	vst v63  }
0x3f: {  	v21 =	vshrl.u32 v19, $0x2;
	[tilespmem:s6+$0x30] =	vst v18;
	v18 =	vand.u32 $0x60, v17;
	v17 =	vld [tilespmem:s6+$0x0]  }
0x40: {  	[tilespmem:s10+$0xFFFFFFF0] =	vst v21  }
0x41: {  	v26 =	vshrl.u32 v23, $0x2;
	v19 =	vshll.u32 v19, $0x5;
	[tilespmem:s6+$0xFFFFFFC0] =	vst v18;
	v18 =	vshrl.u32 v22, $0x2  }
0x42: {  	v21 =	vshrl.u32 v20, $0x2;
	[tilespmem:s10+$0x10] =	vst v18;
	v18 =	vshll.u32 v22, $0x5;
	v22 =	vshll.u32 v23, $0x5  }
0x43: {  	v19 =	vand.u32 $0x60, v19;
	[tilespmem:s10+$0xFFFFFFD0] =	vst v21;
	v23 =	vshll.u32 v20, $0x5;
	v21 =	vand.u32 $0x60, v22  }
0x44: {  	s11 =	simm.s32 $0x0;
	s13 =	simm.s32 $0xC0;
	s12 =	simm.s32 $0x6440;
	[tilespmem:s10+$0xFFFFFFE0] =	vst v26;
	v22 =	vand.u32 $0x60, v23;
	v23 =	vshll.u32 v25, $0x5;
	v20 =	vshll.u32 v17, $0x5  }
.LBB2_2:
0x45: {  	v24 =	vld [tilespmem:s13+$0xFFFFFFC0];
	s11 =	sadd.s32 $0x8, s11;
	[tilespmem:s6+$0xFFFFFFF0] =	vst v19;
	s10 =	sadd.s32 $0x80, s10  }
0x46: {  	v19 =	vld [tilespmem:s13+$0x30];
	p0 =	slt.u32 s11, $0x638;
	[tilespmem:s6+$0xFFFFFFE0] =	vst v21  }
0x47: {  	v21 =	vld [tilespmem:s13+$0xFFFFFFF0];
	[tilespmem:s6+$0xFFFFFFD0] =	vst v22;
	v22 =	vand.u32 $0x60, v23  }
0x48: {  	v17 =	vshrl.u32 v17, $0x2;
	v23 =	vld [tilespmem:s13+$0xFFFFFFD0];
	[tilespmem:s6+$0x20] =	vst v22  }
0x49: {  	v18 =	vand.u32 $0x60, v18;
	v22 =	vld [tilespmem:s13+$0xFFFFFFE0];
	[tilespmem:s12+$0x0] =	vst v17;
	v17 =	vand.u32 $0x60, v20;
	s12 =	smov.u32 s10  }
0x4a: {  	v20 =	vshrl.u32 v24, $0x2;
	v24 =	vshll.u32 v24, $0x5;
	v25 =	vld [tilespmem:s13+$0x10];
	[tilespmem:s6+$0x0] =	vst v17  }
0x4b: {  	v24 =	vand.u32 $0x60, v24;
	v17 =	vld [tilespmem:s13+$0x0];
	v26 =	vshrl.u32 v19, $0x2;
	v19 =	vshll.u32 v19, $0x5;
	[tilespmem:s6+$0x10] =	vst v18;
	s6 =	smov.u32 s13  }
0x4c: {  	[tilespmem:s10+$0xFFFFFFC0] =	vst v20;
	v18 =	vand.u32 $0x60, v19  }
0x4d: {  	v20 =	vshrl.u32 v21, $0x2;
	v19 =	vshll.u32 v21, $0x5;
	v27 =	vld [tilespmem:s13+$0x20];
	[tilespmem:s10+$0x30] =	vst v26  }
0x4e: {  	v26 =	vshrl.u32 v23, $0x2;
	v19 =	vand.u32 $0x60, v19;
	[tilespmem:s13+$0x30] =	vst v18  }
0x4f: {  	[tilespmem:s10+$0xFFFFFFF0] =	vst v20;
	v18 =	vshll.u32 v25, $0x5  }
.Ltmp2:
0x50: {  	v20 =	vshll.u32 v22, $0x5;
	[tilespmem:s13+$0xFFFFFFC0] =	vst v24;
	v24 =	vshrl.u32 v22, $0x2;
	v22 =	vshrl.u32 v25, $0x2;
	(pc) =	sbr.rel @p0 .LBB2_2-.Ltmp2, $4  }
0x51: {  	v23 =	vshll.u32 v23, $0x5;
	v21 =	vand.u32 $0x60, v20;
	v20 =	vshll.u32 v17, $0x5;
	[tilespmem:s10+$0x10] =	vst v22  }
0x52: {  	v22 =	vand.u32 $0x60, v23;
	[tilespmem:s10+$0xFFFFFFD0] =	vst v26;
	v25 =	vshrl.u32 v27, $0x2;
	v23 =	vshll.u32 v27, $0x5  }
0x53: {  	[tilespmem:s10+$0x20] =	vst v25  }
0x54: {  	s13 =	sadd.s32 $0x80, s13;
	[tilespmem:s10+$0xFFFFFFE0] =	vst v24  }
0x55: {  	[tilespmem:s6+$0xFFFFFFF0] =	vst v19  }
0x56: {  	[tilespmem:s6+$0xFFFFFFE0] =	vst v21  }
0x57: {  	[tilespmem:s6+$0xFFFFFFD0] =	vst v22;
	v19 =	vand.u32 $0x60, v23  }
0x58: {  	v17 =	vshrl.u32 v17, $0x2;
	[tilespmem:s6+$0x20] =	vst v19  }
0x59: {  	v18 =	vand.u32 $0x60, v18;
	[tilespmem:s12+$0x0] =	vst v17  }
0x5a: {  	v17 =	vand.u32 $0x60, v20;
	[tilespmem:s6+$0x10] =	vst v18  }
0x5b: {  	s0 =	simm.s32 $0x6400;
	[tilespmem:s6+$0x0] =	vst v17  }
0x5c: {  	[tilespmem:s14], [sflag:$0x1] =	stream.indirect.gather [hbm4b:s4+s28], $0x80, s0, s28, $0xb8;
	[tilespmem:$0x1E800] =	vst v63  }
0x5d: {  	s23 =	simm.s32 $0x6480  }
0x5e: {  	[tilespmem:s16], [sflag:$0x2] =	stream.indirect.gather [hbm4b:s4+s28], $0x80, s23, s28, $0xb8;
	[tilespmem:$0x1E800] =	vst v63  }
0x5f: {  	s25 =	simm.s32 $0x6500;
	s15 =	simm.s32 $0x0  }
0x60: {  	[tilespmem:s18], [sflag:$0x3] =	stream.indirect.gather [hbm4b:s4+s28], $0x80, s25, s28, $0xb8;
	[tilespmem:$0x1E800] =	vst v63  }
.LBB2_4:
0x61: {  	p0 =	seq.s32 s15, $0x0  }
0x62: {  	s6 =	simm.s32 @!p0 $0x5  }
0x63: {  	_ =	swait.ge @!p0 [sflag:s6], $0x400  }
0x64: {  	[sflag:s6] =	ssyncset.done @!p0 $0x0  }
0x65: {  	[sflag:s6] =	ssyncadd.s32 @!p0 $0xFFFFFC00  }
0x66: {  	_ =	swait.ge @!p0 [sflag:s6], $0x400  }
0x67: {  	[sflag:s6] =	ssyncset.done @!p0 $0x0  }
0x68: {  	[sflag:s6] =	ssyncadd.s32 @!p0 $0xFFFFFC00  }
0x69: {  	_ =	swait.ge @!p0 [sflag:s6], $0x400  }
0x6a: {  	[sflag:s6] =	ssyncset.done @!p0 $0x0  }
0x6b: {  	[sflag:s6] =	ssyncadd.s32 @!p0 $0xFFFFFC00  }
0x6c: {  	_ =	swait.ge @!p0 [sflag:s6], $0x400  }
0x6d: {  	s10 =	simm.s32 $0x0;
	[sflag:s6] =	ssyncset.done @!p0 $0x0  }
0x6e: {  	s0 =	simm.s32 $0x1;
	s11 =	sshll.u32 s15, $0xB;
	v17 =	vmov s10;
	[sflag:s6] =	ssyncadd.s32 @!p0 $0xFFFFFC00  }
0x6f: {  	s12 =	simm.s32 $0x80;
	s13 =	sand.u32 $0xC00, s10;
	v17 =	vshrl.u32 v17, $0x7;
	_ =	swait.ge [sflag:s0], $0x4000  }
0x70: {  	s12 =	sand.u32 $0x280, s12;
	s17 =	sshrl.u32 s11, $0x2;
	v17 =	vshll.u32 v17, v49;
	[sflag:s0] =	ssyncset.done $0x0  }
0x71: {  	s10 =	sor.u32 s13, s12;
	v18 =	vbroadcast v17, $0x0;
	[sflag:s0] =	ssyncadd.s32 $0xFFFFC000;
	s0 =	simm.s32 $0x180  }
0x72: {  	v19 =	vmov s10;
	s6 =	sand.u32 $0x380, s0;
	v26 =	vld [tilespmem:s17+$0x70]  }
0x73: {  	s19 =	simm.s32 $0x100;
	v17 =	vshrl.u32 v19, $0x7;
	v30 =	vor.u32 v11, v18;
	v32 =	vld [tilespmem:s17+$0x30];
	s6 =	sor.u32 s13, s6  }
0x74: {  	s21 =	sand.u32 $0x300, s19;
	v25 =	vor.u32 v0, v18;
	v27 =	vor.u32 v5, v18;
	v23 =	vld [tilespmem:s17+$0x60];
	v20 =	vmov s6  }
0x75: {  	v36 =	vor.u32 v3, v18;
	v35 =	vld [tilespmem:s17+$0x50];
	s6 =	sor.u32 s13, s21;
	v19 =	vshrl.u32 v20, $0x7;
	v20 =	vshll.u32 v17, v49  }
0x76: {  	v21 =	vshll.u32 v19, v49;
	v17 =	vbroadcast v20, $0x0;
	v20 =	vmov s6  }
0x77: {  	s23 =	simm.s32 $0x2;
	s22 =	simm.s32 $0x0;
	v19 =	vor.u32 v1, v18;
	s6 =	simm.s32 $0x3;
	v22 =	vbroadcast v21, $0x0;
	v20 =	vshrl.u32 v20, $0x7  }
0x78: {  	s25 =	simm.s32 $0x1;
	v24 =	vadd.s32 s6, v26;
	v41 =	vadd.s32 s23, v26;
	v42 =	vadd.s32 s22, v26  }
0x79: {  	v26 =	vadd.s32 s25, v26;
	v44 =	vadd.s32 s22, v23;
	v60 =	vor.u32 v0, v22  }
0x7a: {  	v45 =	vadd.s32 s25, v23;
	v47 =	vadd.s32 s25, v35;
	v50 =	vadd.s32 s22, v32;
	[tilespmem:$0x1FEE0] =	vst v60  }
0x7b: {  	v55 =	vadd.s32 s23, v32;
	v57 =	vadd.s32 s6, v35;
	v42 =	vadd.s32 v10, v42;
	v38 =	vld [tilespmem:s17+$0x40]  }
0x7c: {  	v58 =	vadd.s32 s23, v35;
	v33 =	vor.u32 v11, v17;
	v31 =	vadd.s32 v10, v24;
	v39 =	vld [tilespmem:s17+$0x0]  }
0x7d: {  	v20 =	vshll.u32 v20, v49;
	v24 =	vor.u32 v15, v18;
	v26 =	vadd.s32 v10, v26;
	v43 =	vld [tilespmem:s17+$0x20]  }
0x7e: {  	v34 =	vor.u32 v0, v17;
	v28 =	vor.u32 v15, v17;
	v45 =	vadd.s32 v7, v45;
	v46 =	vld [tilespmem:s17+$0x10]  }
0x7f: {  	v37 =	vor.u32 v6, v17;
	v62 =	vor.u32 v9, v17;
	v50 =	vadd.s32 v2, v50  }
0x80: {  	v49 =	vadd.s32 s22, v35;
	v41 =	vadd.s32 v10, v41;
	v47 =	vadd.s32 v8, v47;
	v42 =	vld.idx.msk [tilespmem:v42+s14+$0x0], $0xffff  }
0x81: {  	v21 =	vbroadcast v20, $0x0;
	v29 =	vor.u32 v11, v22;
	v31 =	vld.idx.msk [tilespmem:v31+s14+$0x0], $0xffff;
	v48 =	vadd.s32 s22, v38  }
0x82: {  	v26 =	vld.idx.msk [tilespmem:v26+s14+$0x0], $0xffff;
	v1 =	vadd.s32 s25, v38;
	v63 =	vadd.s32 s23, v43;
	v51 =	vadd.s32 s25, v39  }
0x83: {  	v54 =	vld.idx.msk [tilespmem:v45+s14+$0x0], $0xffff;
	v56 =	vadd.s32 s22, v46;
	v60 =	vadd.s32 s23, v46;
	v35 =	vadd.s32 v12, v51  }
0x84: {  	v59 =	vld.idx.msk [tilespmem:v50+s14+$0x0], $0xffff;
	v61 =	vadd.s32 s25, v46;
	v0 =	vadd.s32 s23, v39;
	v48 =	vadd.s32 v4, v48  }
0x85: {  	v45 =	vld.idx.msk [tilespmem:v41+s14+$0x0], $0xffff;
	v53 =	vadd.s32 s22, v39;
	v5 =	vadd.s32 s6, v39;
	v61 =	vadd.s32 v14, v61  }
0x86: {  	v40 =	vadd.s32 s6, v43;
	v3 =	vadd.s32 v12, v0;
	v52 =	vadd.s32 v12, v53;
	[tilespmem:v30+s20+$0x0] =	vst.idx.msk $0xffff, v42  }
0x87: {  	v13 =	vadd.s32 s6, v38;
	v53 =	vld.idx.msk [tilespmem:v47+s14+$0x0], $0xffff;
	v12 =	vadd.s32 v12, v5;
	v47 =	vadd.s32 s23, v38;
	[tilespmem:v33+s20+$0x0] =	vst.idx.msk $0xffff, v26  }
0x88: {  	v30 =	vadd.s32 s6, v32;
	v42 =	vadd.s32 s25, v32;
	v26 =	vadd.s32 s6, v46;
	[tilespmem:v62+s20+$0x0] =	vst.idx.msk $0xffff, v54;
	v51 =	vld.idx.msk [tilespmem:v35+s14+$0x0], $0xffff  }
0x89: {  	v46 =	vadd.s32 s22, v43;
	v32 =	vadd.s32 v4, v13;
	v33 =	vadd.s32 v14, v26;
	v54 =	vld.idx.msk [tilespmem:v48+s14+$0x0], $0xffff  }
0x8a: {  	v39 =	vadd.s32 v2, v30;
	v30 =	vadd.s32 v14, v60;
	v62 =	vld.idx.msk [tilespmem:v61+s14+$0x0], $0xffff;
	v61 =	vadd.s32 v16, v40  }
0x8b: {  	v43 =	vadd.s32 s25, v43;
	v60 =	vadd.s32 v8, v57;
	v35 =	vadd.s32 v2, v55;
	v55 =	vld.idx.msk [tilespmem:v3+s14+$0x0], $0xffff;
	[tilespmem:$0x1FEF0] =	vst v61  }
0x8c: {  	s10 =	simm.s32 $0x0;
	v57 =	vadd.s32 v4, v1;
	v48 =	vadd.s32 v16, v46;
	v46 =	vadd.s32 v14, v56;
	v56 =	vld.idx.msk [tilespmem:v12+s14+$0x0], $0xffff  }
0x8d: {  	s13 =	sshll.u32 s15, $0x2;
	s21 =	simm.s32 $0x380;
	s22 =	simm.s32 $0x7;
	v40 =	vadd.s32 v2, v42;
	v61 =	vadd.s32 v16, v43;
	v38 =	vld.idx.msk [tilespmem:v52+s14+$0x0], $0xffff;
	v52 =	vadd.s32 v16, v63  }
.LBB2_5:
0x8e: {  	v43 =	vld [tilespmem:s17+$0x0]  }
0x8f: {  	v41 =	vld [tilespmem:s17+$0x10]  }
0x90: {  	v26 =	vld [tilespmem:$0x1FF90]  }
0x91: {  	v5 =	vld [tilespmem:$0x1FF00]  }
0x92: {  	[tilespmem:v34+s20+$0x0] =	vst.idx.msk $0xffff, v51;
	v51 =	vld [tilespmem:s17+$0x40]  }
0x93: {  	v13 =	vld [tilespmem:$0x1FF30]  }
0x94: {  	v3 =	vld [tilespmem:s17+$0x70]  }
0x95: {  	v16 =	vld [tilespmem:$0x1FF50]  }
0x96: {  	v15 =	vld [tilespmem:$0x1FF60]  }
0x97: {  	v14 =	vld [tilespmem:$0x1FF40]  }
0x98: {  	v20 =	vld [tilespmem:$0x1FF80]  }
0x99: {  	v57 =	vld.idx.msk [tilespmem:v57+s14+$0x0], $0xffff  }
0x9a: {  	v52 =	vld.idx.msk [tilespmem:v52+s14+$0x0], $0xffff  }
0x9b: {  	[tilespmem:$0x1FEB0] =	vst v32;
	v32 =	vlaneseq.u32;
	v40 =	vld.idx.msk [tilespmem:v40+s14+$0x0], $0xffff  }
0x9c: {  	v0 =	vmov v21;
	v50 =	vor.u32 v32, v21;
	v21 =	vld.idx.msk [tilespmem:v46+s14+$0x0], $0xffff  }
0x9d: {  	v49 =	vadd.s32 v8, v49;
	v46 =	vld [tilespmem:s17+$0x20]  }
0x9e: {  	v63 =	vadd.s32 v8, v58;
	[tilespmem:v28+s20+$0x0] =	vst.idx.msk $0xffff, v62;
	v62 =	vld [tilespmem:s17+$0x50]  }
0x9f: {  	s12 =	sadd.s32 $0xFFFFFE80, s21;
	s19 =	sadd.s32 $0xFFFFFF00, s21;
	[tilespmem:v36+s20+$0x0] =	vst.idx.msk $0xffff, v59;
	v1 =	vmov v19;
	v19 =	vld [tilespmem:$0x1FFA0]  }
0xa0: {  	s0 =	sand.u32 $0x380, s21;
	s25 =	sand.u32 $0xC00, s12;
	s19 =	sand.u32 $0x280, s19;
	[tilespmem:v37+s20+$0x0] =	vst.idx.msk $0xffff, v53;
	v53 =	vadd.s32 s23, v23;
	v37 =	vld.idx.msk [tilespmem:v60+s14+$0x0], $0xffff  }
0xa1: {  	v9 =	vmovc v17;
	v58 =	vmov v25;
	v17 =	vmov s12;
	s12 =	sor.u32 s25, s19;
	s19 =	sor.u32 s25, s0;
	v25 =	vadd.s32 v26, v53;
	v53 =	vld [tilespmem:s17+$0x30]  }
0xa2: {  	v34 =	vadd.s32 s6, v23;
	v17 =	vshrl.u32 v17, $0x7;
	v4 =	vmov s19;
	v49 =	vld.idx.msk [tilespmem:v49+s14+$0x0], $0xffff  }
0xa3: {  	s0 =	sadd.s32 $0xFFFFFF80, s21;
	v23 =	vmov s12;
	[tilespmem:v27+s20+$0x0] =	vst.idx.msk $0xffff, v54;
	v44 =	vadd.s32 v26, v44;
	v17 =	vshll.u32 v17, v5;
	v63 =	vld.idx.msk [tilespmem:v63+s14+$0x0], $0xffff  }
0xa4: {  	s12 =	sand.u32 $0x300, s0;
	v36 =	vbroadcast v17, $0x0;
	v17 =	vshrl.u32 v23, $0x7;
	v23 =	vshrl.u32 v4, $0x7;
	[tilespmem:v24+s20+$0x0] =	vst.idx.msk $0xffff, v21;
	v24 =	vld.idx.msk [tilespmem:v61+s14+$0x0], $0xffff  }
0xa5: {  	s12 =	sor.u32 s25, s12;
	v6 =	vor.u32 v15, v0;
	v28 =	vshll.u32 v17, v5;
	v23 =	vshll.u32 v23, v5;
	v17 =	vld [tilespmem:$0x1FF70]  }
0xa6: {  	[tilespmem:v29+s20+$0x0] =	vst.idx.msk $0xffff, v31;
	v27 =	vmov s12;
	v12 =	vor.u32 v13, v36;
	v2 =	vbroadcast v23, $0x0;
	v23 =	vld [tilespmem:s17+$0x60]  }
0xa7: {  	v29 =	vor.u32 v15, v22;
	v27 =	vshrl.u32 v27, $0x7;
	[tilespmem:$0x1FED0] =	vst v12;
	v12 =	vld [tilespmem:$0x1FF20]  }
0xa8: {  	v21 =	vshll.u32 v27, v5;
	v27 =	vor.u32 v13, v9;
	v61 =	vadd.s32 v19, v47;
	v47 =	vld.idx.msk [tilespmem:v48+s14+$0x0], $0xffff  }
0xa9: {  	[tilespmem:$0x1FEC0] =	vst v1;
	v8 =	vor.u32 v20, v9;
	v9 =	vor.u32 v16, v9;
	v44 =	vld.idx.msk [tilespmem:v44+s14+$0x0], $0xffff  }
0xaa: {  	v31 =	vor.u32 v15, v18;
	[tilespmem:v50+s20+$0x0] =	vst.idx.msk $0xffff, v55;
	v1 =	vbroadcast v28, $0x0;
	v10 =	vld.idx.msk [tilespmem:v25+s14+$0x0], $0xffff  }
0xab: {  	v59 =	vor.u32 v16, v0;
	v60 =	vor.u32 v14, v18;
	[tilespmem:v6+s20+$0x0] =	vst.idx.msk $0xffff, v63;
	v6 =	vld.idx.msk [tilespmem:v39+s14+$0x0], $0xffff  }
0xac: {  	v34 =	vadd.s32 v26, v34;
	[tilespmem:v29+s20+$0x0] =	vst.idx.msk $0xffff, v37;
	v37 =	vor.u32 v15, v1;
	v15 =	vld [tilespmem:$0x1FFE0]  }
0xad: {  	v7 =	vor.u32 v20, v22;
	v11 =	vor.u32 v14, v0;
	v4 =	vmov v30;
	[tilespmem:v27+s20+$0x0] =	vst.idx.msk $0xffff, v24;
	v24 =	vld [tilespmem:$0x1FEE0]  }
0xae: {  	v5 =	vor.u32 v20, v0;
	v48 =	vor.u32 v16, v22;
	[tilespmem:v9+s20+$0x0] =	vst.idx.msk $0xffff, v57;
	v9 =	vld.idx.msk [tilespmem:v35+s14+$0x0], $0xffff  }
0xaf: {  	s12 =	sadd.s32 $0xFFFFFFFD, s22;
	v18 =	vmov v36;
	v42 =	vbroadcast v21, $0x0;
	v21 =	vor.u32 v13, v22;
	[tilespmem:v31+s20+$0x0] =	vst.idx.msk $0xffff, v49;
	v35 =	vld.idx.msk [tilespmem:v61+s14+$0x0], $0xffff  }
0xb0: {  	v49 =	vadd.s32 s12, v3;
	[tilespmem:v8+s20+$0x0] =	vst.idx.msk $0xffff, v40;
	v28 =	vor.u32 v17, v0;
	v27 =	vor.u32 v32, v2;
	v61 =	vld [tilespmem:$0x1FEB0]  }
0xb1: {  	v30 =	vld [tilespmem:$0x1FFF0];
	v54 =	vor.u32 v17, v36;
	v55 =	vor.u32 v17, v1;
	v29 =	vor.u32 v17, v2;
	[tilespmem:$0x1FEE0] =	vst v27  }
0xb2: {  	s25 =	sadd.s32 $0xFFFFFFFE, s22;
	v63 =	vadd.s32 s12, v53;
	v40 =	vld [tilespmem:$0x1FFB0];
	v50 =	vor.u32 v12, v0;
	v0 =	vor.u32 v13, v0;
	[tilespmem:v60+s20+$0x0] =	vst.idx.msk $0xffff, v44  }
0xb3: {  	v27 =	vor.u32 v16, v18;
	v16 =	vld [tilespmem:$0x1FEC0];
	v60 =	vor.u32 v14, v1;
	[tilespmem:v11+s20+$0x0] =	vst.idx.msk $0xffff, v10;
	v11 =	vadd.s32 s25, v23  }
0xb4: {  	s23 =	sadd.s32 $0xFFFFFFFF, s22;
	v10 =	vld.idx.msk [tilespmem:v33+s14+$0x0], $0xffff;
	[tilespmem:v7+s20+$0x0] =	vst.idx.msk $0xffff, v6;
	v6 =	vadd.s32 v15, v63;
	v11 =	vadd.s32 v26, v11  }
0xb5: {  	v13 =	vld [tilespmem:$0x1FFD0];
	[tilespmem:v28+s20+$0x0] =	vst.idx.msk $0xffff, v45;
	v45 =	vor.u32 v12, v22;
	v22 =	vor.u32 v14, v22;
	v14 =	vadd.s32 s23, v3  }
0xb6: {  	v17 =	vmovc v1;
	v28 =	vadd.s32 s22, v3;
	v3 =	vadd.s32 s25, v3;
	v39 =	vadd.s32 v30, v14;
	v14 =	vld [tilespmem:$0x1FF10]  }
0xb7: {  	v36 =	vadd.s32 v30, v28;
	v28 =	vor.u32 v12, v1;
	[tilespmem:v24+s20+$0x0] =	vst.idx.msk $0xffff, v56;
	v56 =	vld.idx.msk [tilespmem:v34+s14+$0x0], $0xffff  }
0xb8: {  	v3 =	vadd.s32 v30, v3;
	v34 =	vor.u32 v32, v1;
	v1 =	vadd.s32 v30, v49;
	v30 =	vld.idx.msk [tilespmem:v61+s14+$0x0], $0xffff  }
0xb9: {  	[tilespmem:v58+s20+$0x0] =	vst.idx.msk $0xffff, v38;
	v61 =	vld [tilespmem:$0x1FEF0]  }
0xba: {  	v38 =	vadd.s32 s12, v51;
	[tilespmem:v59+s20+$0x0] =	vst.idx.msk $0xffff, v35;
	v59 =	vld.idx.msk [tilespmem:v6+s14+$0x0], $0xffff  }
0xbb: {  	v25 =	vor.u32 v32, v18;
	v57 =	vadd.s32 s25, v51;
	v24 =	vor.u32 v12, v18;
	v12 =	vld.idx.msk [tilespmem:v4+s14+$0x0], $0xffff  }
0xbc: {  	v58 =	vadd.s32 s23, v62;
	v8 =	vadd.s32 s25, v43;
	v57 =	vadd.s32 v19, v57;
	[tilespmem:v45+s20+$0x0] =	vst.idx.msk $0xffff, v10;
	v10 =	vld.idx.msk [tilespmem:v11+s14+$0x0], $0xffff  }
0xbd: {  	v33 =	vadd.s32 s25, v62;
	v7 =	vadd.s32 s23, v46;
	v63 =	vadd.s32 s22, v62;
	v31 =	vld.idx.msk [tilespmem:v36+s14+$0x0], $0xffff  }
0xbe: {  	v8 =	vadd.s32 v40, v8;
	[tilespmem:v5+s20+$0x0] =	vst.idx.msk $0xffff, v9;
	v5 =	vadd.s32 v19, v38;
	v3 =	vld.idx.msk [tilespmem:v3+s14+$0x0], $0xffff  }
0xbf: {  	v9 =	vadd.s32 s25, v41;
	v38 =	vadd.s32 s22, v53;
	v33 =	vadd.s32 v14, v33;
	v14 =	vld [tilespmem:$0x1FFC0]  }
0xc0: {  	v26 =	vadd.s32 s23, v41;
	[tilespmem:v0+s20+$0x0] =	vst.idx.msk $0xffff, v52;
	v0 =	vadd.s32 s12, v41;
	v11 =	vadd.s32 s23, v43;
	v45 =	vld.idx.msk [tilespmem:v39+s14+$0x0], $0xffff  }
0xc1: {  	v52 =	vadd.s32 v13, v7;
	[tilespmem:v16+s20+$0x0] =	vst.idx.msk $0xffff, v47;
	v11 =	vadd.s32 v40, v11;
	v32 =	vld.idx.msk [tilespmem:v61+s14+$0x0], $0xffff  }
0xc2: {  	v49 =	vadd.s32 s12, v62;
	v62 =	vadd.s32 s12, v43;
	v47 =	vadd.s32 s23, v51;
	[tilespmem:v22+s20+$0x0] =	vst.idx.msk $0xffff, v56;
	v1 =	vld.idx.msk [tilespmem:v1+s14+$0x0], $0xffff  }
0xc3: {  	v22 =	vmov v2;
	v2 =	vadd.s32 v40, v62;
	v62 =	vadd.s32 s22, v51;
	v51 =	vld.idx.msk [tilespmem:v8+s14+$0x0], $0xffff;
	[tilespmem:v50+s20+$0x0] =	vst.idx.msk $0xffff, v12  }
0xc4: {  	v6 =	vadd.s32 s25, v53;
	v36 =	vor.u32 v20, v18;
	v8 =	vld [tilespmem:$0x1FF10];
	[tilespmem:v48+s20+$0x0] =	vst.idx.msk $0xffff, v30;
	v9 =	vadd.s32 v14, v9  }
0xc5: {  	s10 =	sadd.s32 $0x20, s10;
	v39 =	vadd.s32 v15, v38;
	v56 =	vadd.s32 s23, v53;
	v53 =	vld.idx.msk [tilespmem:v33+s14+$0x0], $0xffff;
	[tilespmem:v55+s20+$0x0] =	vst.idx.msk $0xffff, v3;
	v61 =	vadd.s32 s22, v43  }
0xc6: {  	p1 =	slt.u32 s10, $0xE0;
	v41 =	vadd.s32 s22, v41;
	v55 =	vld.idx.msk [tilespmem:v11+s14+$0x0], $0xffff;
	[tilespmem:v21+s20+$0x0] =	vst.idx.msk $0xffff, v32;
	v21 =	vmov v42;
	v42 =	vadd.s32 v40, v61  }
.Ltmp3:
0xc7: {  	v4 =	vadd.s32 s22, v46;
	v30 =	vadd.s32 s12, v46;
	v35 =	vadd.s32 v15, v56;
	[tilespmem:v54+s20+$0x0] =	vst.idx.msk $0xffff, v1;
	v54 =	vld.idx.msk [tilespmem:v5+s14+$0x0], $0xffff;
	(pc) =	sbr.rel @p1 .LBB2_5-.Ltmp3, $4  }
0xc8: {  	[tilespmem:v60+s20+$0x0] =	vst.idx.msk $0xffff, v10;
	v33 =	vadd.s32 v14, v41;
	v48 =	vadd.s32 v13, v30;
	v38 =	vld.idx.msk [tilespmem:v2+s14+$0x0], $0xffff  }
0xc9: {  	v30 =	vadd.s32 v14, v26;
	v43 =	vadd.s32 s25, v46;
	v32 =	vadd.s32 v19, v62;
	v62 =	vld.idx.msk [tilespmem:v9+s14+$0x0], $0xffff  }
0xca: {  	v46 =	vadd.s32 v14, v0;
	v60 =	vadd.s32 v8, v63;
	v61 =	vadd.s32 v13, v4;
	v19 =	vld [tilespmem:$0x1FED0]  }
0xcb: {  	s6 =	smov.u32 s22;
	s21 =	sadd.s32 $0x200, s21;
	v44 =	vadd.s32 s12, v23;
	s22 =	sadd.s32 $0x4, s22;
	v40 =	vadd.s32 v15, v6;
	[tilespmem:$0x1FEF0] =	vst v61;
	v61 =	vadd.s32 v13, v43;
	v56 =	vld.idx.msk [tilespmem:v42+s14+$0x0], $0xffff  }
0xcc: {  	_ =	sdelay $0x3  }
0xcd: {  	[tilespmem:v37+s20+$0x0] =	vst.idx.msk $0xffff, v53  }
0xce: {  	[tilespmem:v34+s20+$0x0] =	vst.idx.msk $0xffff, v51  }
0xcf: {  	[tilespmem:v36+s20+$0x0] =	vst.idx.msk $0xffff, v59  }
0xd0: {  	v41 =	vld [tilespmem:$0x1FF90];
	[tilespmem:v28+s20+$0x0] =	vst.idx.msk $0xffff, v62  }
0xd1: {  	v15 =	vld [tilespmem:$0x1FF70];
	[tilespmem:v27+s20+$0x0] =	vst.idx.msk $0xffff, v54  }
0xd2: {  	v13 =	vld [tilespmem:$0x1FF30]  }
0xd3: {  	v26 =	vlaneseq.u32  }
0xd4: {  	v0 =	vor.u32 v26, v21  }
0xd5: {  	v3 =	vld.idx.msk [tilespmem:v46+s14+$0x0], $0xffff  }
0xd6: {  	v5 =	vor.u32 v15, v21  }
0xd7: {  	v1 =	vadd.s32 v8, v49;
	v2 =	vadd.s32 v8, v58;
	v7 =	vld.idx.msk [tilespmem:v61+s14+$0x0], $0xffff;
	v8 =	vor.u32 v13, v17  }
0xd8: {  	[tilespmem:v29+s20+$0x0] =	vst.idx.msk $0xffff, v31  }
0xd9: {  	[tilespmem:v0+s20+$0x0] =	vst.idx.msk $0xffff, v55  }
0xda: {  	v16 =	vld [tilespmem:$0x1FF60];
	[tilespmem:v24+s20+$0x0] =	vst.idx.msk $0xffff, v3  }
0xdb: {  	v29 =	vld [tilespmem:$0x1FF40];
	[tilespmem:v5+s20+$0x0] =	vst.idx.msk $0xffff, v45  }
0xdc: {  	[tilespmem:v8+s20+$0x0] =	vst.idx.msk $0xffff, v7  }
0xdd: {  	v8 =	vld [tilespmem:$0x1FEE0];
	_ =	sdelay $0x2  }
0xde: {  	v4 =	vadd.s32 v41, v44;
	_ =	sdelay $0x2  }
0xdf: {  	v9 =	vld.idx.msk [tilespmem:v60+s14+$0x0], $0xffff;
	v54 =	vor.u32 v16, v22  }
0xe0: {  	v1 =	vld.idx.msk [tilespmem:v1+s14+$0x0], $0xffff;
	v55 =	vor.u32 v16, v18  }
0xe1: {  	v4 =	vld.idx.msk [tilespmem:v4+s14+$0x0], $0xffff;
	v11 =	vor.u32 v29, v18;
	[tilespmem:v8+s20+$0x0] =	vst.idx.msk $0xffff, v56  }
0xe2: {  	v6 =	vadd.s32 s23, v23;
	v14 =	vld [tilespmem:$0x1FF50]  }
0xe3: {  	v6 =	vadd.s32 v41, v6  }
0xe4: {  	v10 =	vadd.s32 s6, v23;
	[tilespmem:v54+s20+$0x0] =	vst.idx.msk $0xffff, v9  }
0xe5: {  	v58 =	vadd.s32 v41, v10;
	[tilespmem:v55+s20+$0x0] =	vst.idx.msk $0xffff, v1  }
0xe6: {  	v2 =	vld.idx.msk [tilespmem:v2+s14+$0x0], $0xffff;
	[tilespmem:v11+s20+$0x0] =	vst.idx.msk $0xffff, v4  }
0xe7: {  	v10 =	vor.u32 v16, v21;
	v11 =	vmov v17;
	v8 =	vor.u32 v14, v17;
	v17 =	vld [tilespmem:$0x1FF80]  }
0xe8: {  	v6 =	vld.idx.msk [tilespmem:v6+s14+$0x0], $0xffff;
	v7 =	vor.u32 v29, v21  }
0xe9: {  	v12 =	vld.idx.msk [tilespmem:v57+s14+$0x0], $0xffff  }
0xea: {  	v60 =	vld.idx.msk [tilespmem:v58+s14+$0x0], $0xffff  }
0xeb: {  	v59 =	vor.u32 v29, v22;
	v20 =	vld [tilespmem:$0x1FFA0]  }
0xec: {  	v63 =	vld.idx.msk [tilespmem:v39+s14+$0x0], $0xffff;
	[tilespmem:v10+s20+$0x0] =	vst.idx.msk $0xffff, v2;
	v62 =	vor.u32 v17, v22  }
0xed: {  	[tilespmem:v7+s20+$0x0] =	vst.idx.msk $0xffff, v6  }
0xee: {  	[tilespmem:v25+s20+$0x0] =	vst.idx.msk $0xffff, v38  }
0xef: {  	v34 =	vld.idx.msk [tilespmem:v52+s14+$0x0], $0xffff;
	[tilespmem:v8+s20+$0x0] =	vst.idx.msk $0xffff, v12  }
0xf0: {  	v61 =	vadd.s32 v20, v47;
	v27 =	vld [tilespmem:$0x1FF20];
	[tilespmem:v59+s20+$0x0] =	vst.idx.msk $0xffff, v60  }
0xf1: {  	v7 =	vld.idx.msk [tilespmem:v40+s14+$0x0], $0xffff;
	[tilespmem:v62+s20+$0x0] =	vst.idx.msk $0xffff, v63  }
0xf2: {  	v9 =	vor.u32 v13, v21;
	v40 =	vld [tilespmem:$0x1FEF0]  }
0xf3: {  	v6 =	vor.u32 v17, v11  }
0xf4: {  	v10 =	vld.idx.msk [tilespmem:v35+s14+$0x0], $0xffff;
	v8 =	vor.u32 v17, v21  }
0xf5: {  	v37 =	vor.u32 v14, v21;
	v38 =	vld.idx.msk [tilespmem:v61+s14+$0x0], $0xffff  }
0xf6: {  	v42 =	vld.idx.msk [tilespmem:v48+s14+$0x0], $0xffff  }
0xf7: {  	v36 =	vld.idx.msk [tilespmem:v33+s14+$0x0], $0xffff;
	v11 =	vor.u32 v27, v22;
	[tilespmem:v9+s20+$0x0] =	vst.idx.msk $0xffff, v34  }
0xf8: {  	v43 =	vor.u32 v14, v22;
	[tilespmem:v6+s20+$0x0] =	vst.idx.msk $0xffff, v7;
	v6 =	vld.idx.msk [tilespmem:v32+s14+$0x0], $0xffff  }
0xf9: {  	[tilespmem:v8+s20+$0x0] =	vst.idx.msk $0xffff, v10;
	v7 =	vor.u32 v27, v21;
	v8 =	vld.idx.msk [tilespmem:v30+s14+$0x0], $0xffff  }
0xfa: {  	s12 =	sadd.s32 s5, s13;
	v39 =	vor.u32 v13, v22;
	[tilespmem:v37+s20+$0x0] =	vst.idx.msk $0xffff, v38;
	v3 =	vld.idx.msk [tilespmem:v40+s14+$0x0], $0xffff  }
0xfb: {  	s10 =	sshll.u32 s12, $0x2;
	[tilespmem:v19+s20+$0x0] =	vst.idx.msk $0xffff, v42  }
0xfc: {  	s6 =	sand.u32 $0x7C, s12;
	s10 =	sand.u32 $0x3FFE00, s10;
	[tilespmem:v11+s20+$0x0] =	vst.idx.msk $0xffff, v36  }
0xfd: {  	s6 =	sor.u32 s6, s10;
	[tilespmem:v43+s20+$0x0] =	vst.idx.msk $0xffff, v6  }
0xfe: {  	s6 =	sshll.u32 s6, $0x7;
	[tilespmem:v7+s20+$0x0] =	vst.idx.msk $0xffff, v8  }
0xff: {  	s19 =	sadd.s32 s2, s6;
	[tilespmem:v39+s20+$0x0] =	vst.idx.msk $0xffff, v3  }
0x100: {  	[hbm4b:s19+s3] =	stream.linear.scatter [tilespmem:s20], [sflag:$0x5], $0x400, $0x38;
	[tilespmem:$0x1E800] =	vst v63  }
0x101: {  	s21 =	sadd.s32 s6, s7  }
0x102: {  	[hbm4b:s21+s3] =	stream.linear.scatter [tilespmem:s29], [sflag:$0x5], $0x400, $0x38;
	[tilespmem:$0x1E800] =	vst v63  }
0x103: {  	s22 =	sadd.s32 s6, s8  }
0x104: {  	[hbm4b:s22+s3] =	stream.linear.scatter [tilespmem:s30], [sflag:$0x5], $0x400, $0x38;
	[tilespmem:$0x1E800] =	vst v63  }
0x105: {  	s0 =	simm.s32 $0x1D400;
	s6 =	sadd.s32 s6, s9  }
0x106: {  	[hbm4b:s6+s3] =	stream.linear.scatter [tilespmem:s0], [sflag:$0x5], $0x400, $0x38;
	[tilespmem:$0x1E800] =	vst v63  }
0x107: {  	s6 =	sor.u32 $0x3, s13  }
0x108: {  	s23 =	sshll.u32 s6, $0x9  }
0x109: {  	s10 =	sshrl.u32 s23, $0x2  }
0x10a: {  	s12 =	sadd.s32 $0x6400, s10  }
0x10b: {  	[tilespmem:s24], [sflag:$0x4] =	stream.indirect.gather [hbm4b:s4+s28], $0x80, s12, s28, $0xb8;
	[tilespmem:$0x1E800] =	vst v63  }
0x10c: {  	s12 =	simm.s32 @!p0 $0x6  }
0x10d: {  	_ =	swait.ge @!p0 [sflag:s12], $0x400  }
0x10e: {  	[sflag:s12] =	ssyncset.done @!p0 $0x0  }
0x10f: {  	[sflag:s12] =	ssyncadd.s32 @!p0 $0xFFFFFC00  }
0x110: {  	_ =	swait.ge @!p0 [sflag:s12], $0x400  }
0x111: {  	[sflag:s12] =	ssyncset.done @!p0 $0x0  }
0x112: {  	[sflag:s12] =	ssyncadd.s32 @!p0 $0xFFFFFC00  }
0x113: {  	_ =	swait.ge @!p0 [sflag:s12], $0x400  }
0x114: {  	[sflag:s12] =	ssyncset.done @!p0 $0x0  }
0x115: {  	[sflag:s12] =	ssyncadd.s32 @!p0 $0xFFFFFC00  }
0x116: {  	_ =	swait.ge @!p0 [sflag:s12], $0x400  }
0x117: {  	s19 =	simm.s32 $0x180;
	[sflag:s12] =	ssyncset.done @!p0 $0x0  }
0x118: {  	s25 =	simm.s32 $0x2;
	s19 =	sand.u32 $0x380, s19;
	[sflag:s12] =	ssyncadd.s32 @!p0 $0xFFFFFC00  }
0x119: {  	s21 =	sor.u32 $0x1, s13;
	s22 =	simm.s32 $0x0;
	_ =	swait.ge [sflag:s25], $0x4000  }
0x11a: {  	s0 =	simm.s32 $0x80;
	s12 =	sshll.u32 s21, $0x7;
	[sflag:s25] =	ssyncset.done $0x0;
	v49 =	vld [tilespmem:$0x1FF00]  }
0x11b: {  	v44 =	vmov s22;
	[sflag:s25] =	ssyncadd.s32 $0xFFFFC000;
	s25 =	sand.u32 $0xC00, s22;
	s22 =	sand.u32 $0x3FFFFF80, s12  }
0x11c: {  	s23 =	sand.u32 $0x280, s0;
	s19 =	sor.u32 s25, s19;
	v47 =	vld [tilespmem:s22+$0x70]  }
0x11d: {  	s0 =	sor.u32 s25, s23;
	s23 =	simm.s32 $0x100;
	v46 =	vmov s19  }
0x11e: {  	v0 =	vshrl.u32 v44, $0x7;
	v45 =	vmov s0;
	s12 =	sand.u32 $0x300, s23;
	v50 =	vshrl.u32 v46, $0x7  }
0x11f: {  	v59 =	vld [tilespmem:$0x1FFF0];
	v48 =	vshrl.u32 v45, $0x7;
	s12 =	sor.u32 s25, s12;
	v0 =	vshll.u32 v0, v49;
	v1 =	vshll.u32 v50, v49  }
0x120: {  	v34 =	vld [tilespmem:$0x1FFC0];
	s23 =	simm.s32 $0x3;
	v51 =	vmov s12;
	v18 =	vbroadcast v0, $0x0;
	v0 =	vshll.u32 v48, v49  }
0x121: {  	v23 =	vld [tilespmem:s22+$0x60];
	s0 =	simm.s32 $0x1;
	s25 =	simm.s32 $0x0;
	s12 =	simm.s32 $0x2;
	v22 =	vbroadcast v1, $0x0;
	v19 =	vbroadcast v0, $0x0;
	v58 =	vadd.s32 s23, v47  }
0x122: {  	v53 =	vld [tilespmem:s22+$0x30];
	v9 =	vadd.s32 s12, v47;
	v10 =	vadd.s32 s25, v47;
	v3 =	vadd.s32 s0, v47  }
0x123: {  	v61 =	vld [tilespmem:s22+$0x50];
	v52 =	vor.u32 v15, v18;
	v25 =	vor.u32 v26, v18;
	v6 =	vor.u32 v27, v18  }
0x124: {  	v47 =	vld [tilespmem:$0x1FF10];
	v36 =	vor.u32 v17, v18;
	v10 =	vadd.s32 v59, v10;
	v3 =	vadd.s32 v59, v3  }
0x125: {  	v17 =	vld [tilespmem:$0x1FFE0];
	v4 =	vor.u32 v15, v19;
	[tilespmem:$0x1FE90] =	vst v6;
	v6 =	vor.u32 v26, v22;
	v24 =	vor.u32 v26, v19  }
0x126: {  	v8 =	vor.u32 v29, v19;
	v29 =	vor.u32 v15, v22;
	v26 =	vadd.s32 s0, v23;
	v15 =	vld [tilespmem:$0x1FFB0];
	[tilespmem:$0x1FEA0] =	vst v6  }
0x127: {  	v0 =	vshrl.u32 v51, $0x7;
	v26 =	vadd.s32 v41, v26;
	v6 =	vld [tilespmem:s22+$0x40]  }
0x128: {  	v44 =	vadd.s32 s25, v23;
	v50 =	vadd.s32 s25, v61;
	v60 =	vadd.s32 v59, v58;
	v7 =	vld [tilespmem:s22+$0x0]  }
0x129: {  	v30 =	vadd.s32 s0, v61;
	v31 =	vadd.s32 s25, v53;
	v9 =	vadd.s32 v59, v9;
	v12 =	vld [tilespmem:s22+$0x10]  }
0x12a: {  	v35 =	vadd.s32 s12, v53;
	v38 =	vadd.s32 s23, v61;
	v2 =	vadd.s32 s0, v53;
	v10 =	vld.idx.msk [tilespmem:v10+s16+$0x0], $0xffff  }
0x12b: {  	v21 =	vor.u32 v13, v18;
	v0 =	vshll.u32 v0, v49;
	v30 =	vadd.s32 v47, v30;
	v3 =	vld.idx.msk [tilespmem:v3+s16+$0x0], $0xffff  }
0x12c: {  	v58 =	vadd.s32 s12, v61;
	v42 =	vbroadcast v0, $0x0;
	v63 =	vadd.s32 v17, v31;
	v26 =	vld.idx.msk [tilespmem:v26+s16+$0x0], $0xffff  }
0x12d: {  	v28 =	vor.u32 v27, v19;
	v27 =	vor.u32 v14, v18;
	v16 =	vor.u32 v16, v19;
	v31 =	vld.idx.msk [tilespmem:v60+s16+$0x0], $0xffff  }
0x12e: {  	v60 =	vadd.s32 s23, v53;
	v45 =	vld.idx.msk [tilespmem:v9+s16+$0x0], $0xffff;
	v35 =	vadd.s32 v17, v35;
	v46 =	vadd.s32 s0, v7  }
0x12f: {  	v11 =	vld [tilespmem:s22+$0x20];
	v39 =	vadd.s32 v17, v60;
	v62 =	vadd.s32 s25, v6;
	v48 =	vadd.s32 v15, v46;
	[tilespmem:v52+s26+$0x0] =	vst.idx.msk $0xffff, v10  }
0x130: {  	v41 =	vadd.s32 s0, v6;
	v43 =	vadd.s32 s12, v7;
	v32 =	vadd.s32 v20, v62;
	v53 =	vld.idx.msk [tilespmem:v30+s16+$0x0], $0xffff;
	[tilespmem:v4+s26+$0x0] =	vst.idx.msk $0xffff, v3  }
0x131: {  	v0 =	vadd.s32 s25, v12;
	v54 =	vadd.s32 s0, v12;
	v43 =	vadd.s32 v15, v43;
	v59 =	vld.idx.msk [tilespmem:v63+s16+$0x0], $0xffff;
	[tilespmem:v8+s26+$0x0] =	vst.idx.msk $0xffff, v26  }
0x132: {  	v55 =	vadd.s32 s25, v7;
	v7 =	vadd.s32 s23, v7;
	v14 =	vadd.s32 v34, v54;
	v8 =	vld [tilespmem:$0x1FF10]  }
0x133: {  	v40 =	vadd.s32 s12, v12;
	v7 =	vadd.s32 v15, v7;
	v62 =	vadd.s32 s23, v12;
	v12 =	vld [tilespmem:$0x1FFD0]  }
0x134: {  	v13 =	vadd.s32 s12, v11;
	v61 =	vadd.s32 s23, v6;
	v9 =	vadd.s32 v15, v55;
	v51 =	vld.idx.msk [tilespmem:v48+s16+$0x0], $0xffff  }
0x135: {  	v47 =	vadd.s32 s12, v6;
	v6 =	vadd.s32 s0, v11;
	v30 =	vadd.s32 v20, v61;
	v54 =	vld.idx.msk [tilespmem:v32+s16+$0x0], $0xffff  }
0x136: {  	v46 =	vadd.s32 v34, v0;
	v57 =	vadd.s32 v20, v41;
	v10 =	vadd.s32 s23, v11;
	v55 =	vld.idx.msk [tilespmem:v43+s16+$0x0], $0xffff  }
0x137: {  	v63 =	vadd.s32 s25, v11;
	v33 =	vadd.s32 v34, v62;
	v26 =	vadd.s32 v34, v40;
	v62 =	vld.idx.msk [tilespmem:v14+s16+$0x0], $0xffff  }
0x138: {  	v40 =	vadd.s32 v17, v2;
	v56 =	vld.idx.msk [tilespmem:v7+s16+$0x0], $0xffff;
	v48 =	vadd.s32 v12, v63;
	v32 =	vadd.s32 v12, v10  }
0x139: {  	s29 =	simm.s32 $0x380;
	s30 =	simm.s32 $0x7;
	s28 =	simm.s32 $0x0;
	v61 =	vadd.s32 v12, v6;
	v60 =	vadd.s32 v8, v38;
	v38 =	vld.idx.msk [tilespmem:v9+s16+$0x0], $0xffff;
	v52 =	vadd.s32 v12, v13  }
.LBB2_7:
0x13a: {  	v43 =	vld [tilespmem:s22+$0x0]  }
0x13b: {  	v41 =	vld [tilespmem:s22+$0x10]  }
0x13c: {  	v20 =	vld [tilespmem:$0x1FF90]  }
0x13d: {  	v7 =	vld.idx.msk [tilespmem:v46+s16+$0x0], $0xffff  }
0x13e: {  	v46 =	vld [tilespmem:s22+$0x20]  }
0x13f: {  	v13 =	vld [tilespmem:$0x1FF30]  }
0x140: {  	v0 =	vadd.s32 v8, v50;
	v11 =	vld [tilespmem:s22+$0x50]  }
0x141: {  	v2 =	vadd.s32 v8, v58;
	v5 =	vadd.s32 s12, v23;
	v8 =	vadd.s32 s23, v23;
	v23 =	vld [tilespmem:s22+$0x60]  }
0x142: {  	v17 =	vld [tilespmem:$0x1FF70]  }
0x143: {  	v14 =	vld [tilespmem:$0x1FE90]  }
0x144: {  	[tilespmem:v16+s26+$0x0] =	vst.idx.msk $0xffff, v53;
	v16 =	vld [tilespmem:$0x1FF50]  }
0x145: {  	[tilespmem:v29+s26+$0x0] =	vst.idx.msk $0xffff, v31;
	v31 =	vld [tilespmem:$0x1FF20]  }
0x146: {  	v15 =	vld [tilespmem:$0x1FF60]  }
0x147: {  	s19 =	sadd.s32 $0xFFFFFE80, s29;
	s25 =	sadd.s32 $0xFFFFFF00, s29;
	v3 =	vmov v21;
	v21 =	vld [tilespmem:$0x1FFF0]  }
0x148: {  	v57 =	vld.idx.msk [tilespmem:v57+s16+$0x0], $0xffff;
	s0 =	sand.u32 $0xC00, s19;
	v50 =	vmov s19;
	s19 =	sand.u32 $0x280, s25;
	s25 =	sand.u32 $0x380, s29  }
0x149: {  	[tilespmem:$0x1FE60] =	vst v26;
	v52 =	vld.idx.msk [tilespmem:v52+s16+$0x0], $0xffff;
	s12 =	sor.u32 s0, s19;
	s19 =	sor.u32 s0, s25;
	s25 =	sadd.s32 $0xFFFFFF80, s29  }
0x14a: {  	v26 =	vlaneseq.u32;
	[tilespmem:v36+s26+$0x0] =	vst.idx.msk $0xffff, v59;
	v35 =	vld.idx.msk [tilespmem:v35+s16+$0x0], $0xffff;
	v9 =	vmov s12;
	s12 =	sand.u32 $0x300, s25  }
0x14b: {  	v6 =	vmov v42;
	v1 =	vor.u32 v26, v42;
	[tilespmem:$0x1FE70] =	vst v3;
	v42 =	vld [tilespmem:$0x1FF80];
	s0 =	sor.u32 s0, s12  }
0x14c: {  	v58 =	vmovc v25;
	v34 =	vmov v30;
	v3 =	vshrl.u32 v50, $0x7;
	[tilespmem:v24+s26+$0x0] =	vst.idx.msk $0xffff, v51;
	v51 =	vld [tilespmem:s22+$0x40];
	v12 =	vmov s0  }
0x14d: {  	v3 =	vshll.u32 v3, v49;
	v9 =	vshrl.u32 v9, $0x7;
	[tilespmem:v28+s26+$0x0] =	vst.idx.msk $0xffff, v62;
	v28 =	vld.idx.msk [tilespmem:v60+s16+$0x0], $0xffff;
	v12 =	vshrl.u32 v12, $0x7  }
0x14e: {  	v10 =	vmov s19;
	v24 =	vor.u32 v13, v19;
	[tilespmem:v14+s26+$0x0] =	vst.idx.msk $0xffff, v7;
	v7 =	vshll.u32 v12, v49;
	v12 =	vld.idx.msk [tilespmem:v61+s16+$0x0], $0xffff  }
0x14f: {  	v10 =	vshrl.u32 v10, $0x7;
	[tilespmem:v27+s26+$0x0] =	vst.idx.msk $0xffff, v54;
	v4 =	vadd.s32 v20, v44;
	v5 =	vadd.s32 v20, v5;
	v44 =	vld [tilespmem:s22+$0x70]  }
0x150: {  	v9 =	vshll.u32 v9, v49;
	v10 =	vshll.u32 v10, v49;
	v27 =	vor.u32 v15, v22;
	v0 =	vld.idx.msk [tilespmem:v0+s16+$0x0], $0xffff  }
0x151: {  	v59 =	vor.u32 v16, v6;
	v63 =	vor.u32 v31, v6;
	v2 =	vld.idx.msk [tilespmem:v2+s16+$0x0], $0xffff;
	v36 =	vor.u32 v15, v6  }
0x152: {  	v37 =	vmov v32;
	v62 =	vor.u32 v13, v22;
	v50 =	vor.u32 v16, v19;
	[tilespmem:v1+s26+$0x0] =	vst.idx.msk $0xffff, v55;
	v49 =	vld [tilespmem:$0x1FFA0]  }
0x153: {  	v3 =	vbroadcast v3, $0x0;
	v1 =	vor.u32 v17, v6;
	[tilespmem:v24+s26+$0x0] =	vst.idx.msk $0xffff, v12;
	v12 =	vor.u32 v42, v19;
	v19 =	vld [tilespmem:$0x1FEA0]  }
0x154: {  	v8 =	vadd.s32 v20, v8;
	[tilespmem:v58+s26+$0x0] =	vst.idx.msk $0xffff, v38;
	v9 =	vbroadcast v9, $0x0;
	v60 =	vor.u32 v42, v22;
	v14 =	vld [tilespmem:$0x1FF40]  }
0x155: {  	v53 =	vld [tilespmem:s22+$0x30];
	v30 =	vor.u32 v13, v3;
	v32 =	vbroadcast v7, $0x0;
	v7 =	vor.u32 v15, v18;
	[tilespmem:v27+s26+$0x0] =	vst.idx.msk $0xffff, v28  }
0x156: {  	v54 =	vor.u32 v17, v3;
	v55 =	vor.u32 v17, v9;
	v4 =	vld.idx.msk [tilespmem:v4+s16+$0x0], $0xffff;
	[tilespmem:v36+s26+$0x0] =	vst.idx.msk $0xffff, v2  }
0x157: {  	v10 =	vbroadcast v10, $0x0;
	v25 =	vadd.s32 s30, v44;
	v5 =	vld.idx.msk [tilespmem:v5+s16+$0x0], $0xffff;
	v28 =	vor.u32 v31, v9;
	[tilespmem:v50+s26+$0x0] =	vst.idx.msk $0xffff, v57  }
0x158: {  	v2 =	vld.idx.msk [tilespmem:v39+s16+$0x0], $0xffff;
	[tilespmem:v1+s26+$0x0] =	vst.idx.msk $0xffff, v45;
	v45 =	vor.u32 v42, v6;
	v61 =	vadd.s32 v49, v47  }
0x159: {  	[tilespmem:$0x1FE80] =	vst v63;
	v47 =	vld.idx.msk [tilespmem:v48+s16+$0x0], $0xffff;
	v29 =	vor.u32 v14, v18;
	v18 =	vmov v3;
	v3 =	vadd.s32 v21, v25  }
0x15a: {  	s19 =	sadd.s32 $0xFFFFFFFD, s30;
	s12 =	sadd.s32 $0xFFFFFFFF, s30;
	v63 =	vor.u32 v14, v6;
	[tilespmem:v7+s26+$0x0] =	vst.idx.msk $0xffff, v0;
	v0 =	vor.u32 v13, v6;
	v6 =	vld.idx.msk [tilespmem:v8+s16+$0x0], $0xffff  }
0x15b: {  	v58 =	vadd.s32 s12, v11;
	v50 =	vadd.s32 s19, v11;
	v7 =	vld.idx.msk [tilespmem:v40+s16+$0x0], $0xffff;
	[tilespmem:v19+s26+$0x0] =	vst.idx.msk $0xffff, v56;
	v19 =	vor.u32 v31, v18  }
0x15c: {  	v36 =	vor.u32 v42, v18;
	v42 =	vmov v32;
	v32 =	vld.idx.msk [tilespmem:v37+s16+$0x0], $0xffff;
	[tilespmem:$0x1FE90] =	vst v19;
	v19 =	vor.u32 v26, v10  }
0x15d: {  	v48 =	vor.u32 v16, v22;
	v27 =	vor.u32 v16, v18;
	v16 =	vor.u32 v15, v9;
	v15 =	vld [tilespmem:$0x1FFE0]  }
0x15e: {  	s0 =	sadd.s32 $0xFFFFFFFE, s30;
	v1 =	vor.u32 v31, v22;
	v22 =	vor.u32 v14, v22;
	v24 =	vor.u32 v26, v9;
	v37 =	vld [tilespmem:$0x1FE60]  }
0x15f: {  	v39 =	vadd.s32 s0, v11;
	v31 =	vld.idx.msk [tilespmem:v3+s16+$0x0], $0xffff;
	v3 =	vor.u32 v14, v9;
	[tilespmem:$0x1FEA0] =	vst v19;
	v19 =	vmovc v9;
	v9 =	vadd.s32 s0, v44  }
0x160: {  	v8 =	vadd.s32 s19, v44;
	[tilespmem:v60+s26+$0x0] =	vst.idx.msk $0xffff, v2;
	v60 =	vadd.s32 s30, v11;
	v11 =	vld [tilespmem:$0x1FF10];
	v9 =	vadd.s32 v21, v9  }
0x161: {  	v8 =	vadd.s32 v21, v8;
	[tilespmem:v63+s26+$0x0] =	vst.idx.msk $0xffff, v5;
	v5 =	vld.idx.msk [tilespmem:v33+s16+$0x0], $0xffff  }
0x162: {  	v13 =	vadd.s32 s12, v44;
	v38 =	vld.idx.msk [tilespmem:v61+s16+$0x0], $0xffff  }
0x163: {  	[tilespmem:v29+s26+$0x0] =	vst.idx.msk $0xffff, v4;
	v4 =	vadd.s32 v21, v13;
	v13 =	vld [tilespmem:$0x1FFB0]  }
0x164: {  	v29 =	vor.u32 v17, v10;
	v17 =	vld [tilespmem:$0x1FE70]  }
0x165: {  	[tilespmem:v22+s26+$0x0] =	vst.idx.msk $0xffff, v6;
	v6 =	vadd.s32 s19, v53;
	v9 =	vld.idx.msk [tilespmem:v9+s16+$0x0], $0xffff  }
0x166: {  	[tilespmem:v45+s26+$0x0] =	vst.idx.msk $0xffff, v35;
	v2 =	vadd.s32 v15, v6;
	v8 =	vld.idx.msk [tilespmem:v8+s16+$0x0], $0xffff  }
0x167: {  	v40 =	vadd.s32 s19, v51;
	[tilespmem:v0+s26+$0x0] =	vst.idx.msk $0xffff, v52;
	v11 =	vadd.s32 v11, v39;
	v14 =	vadd.s32 s0, v23;
	v63 =	vld.idx.msk [tilespmem:v37+s16+$0x0], $0xffff  }
0x168: {  	[tilespmem:v12+s26+$0x0] =	vst.idx.msk $0xffff, v7;
	v12 =	vadd.s32 v49, v40;
	v33 =	vadd.s32 v20, v14;
	v14 =	vld [tilespmem:$0x1FFC0]  }
0x169: {  	[tilespmem:v62+s26+$0x0] =	vst.idx.msk $0xffff, v32;
	v21 =	vmov v30;
	v30 =	vld.idx.msk [tilespmem:v34+s16+$0x0], $0xffff  }
0x16a: {  	v57 =	vadd.s32 s0, v51;
	v45 =	vadd.s32 s0, v41;
	[tilespmem:v55+s26+$0x0] =	vst.idx.msk $0xffff, v9;
	v9 =	vld [tilespmem:$0x1FFD0]  }
0x16b: {  	v61 =	vadd.s32 s30, v43;
	v22 =	vmovc v10;
	v39 =	vadd.s32 s30, v53;
	v10 =	vadd.s32 s0, v43;
	[tilespmem:v59+s26+$0x0] =	vst.idx.msk $0xffff, v38;
	v59 =	vld.idx.msk [tilespmem:v2+s16+$0x0], $0xffff  }
0x16c: {  	v56 =	vadd.s32 s12, v53;
	v10 =	vadd.s32 v13, v10;
	[tilespmem:v1+s26+$0x0] =	vst.idx.msk $0xffff, v5;
	v2 =	vadd.s32 s0, v53;
	v53 =	vld.idx.msk [tilespmem:v11+s16+$0x0], $0xffff  }
0x16d: {  	v57 =	vadd.s32 v49, v57;
	v7 =	vadd.s32 s19, v43;
	v52 =	vadd.s32 s12, v43;
	[tilespmem:v54+s26+$0x0] =	vst.idx.msk $0xffff, v8;
	v54 =	vld.idx.msk [tilespmem:v12+s16+$0x0], $0xffff  }
0x16e: {  	v62 =	vadd.s32 s30, v51;
	v11 =	vadd.s32 v13, v61;
	v5 =	vld.idx.msk [tilespmem:v33+s16+$0x0], $0xffff;
	[tilespmem:v48+s26+$0x0] =	vst.idx.msk $0xffff, v30;
	v30 =	vadd.s32 s19, v46  }
0x16f: {  	v38 =	vadd.s32 v13, v52;
	v48 =	vadd.s32 v9, v30;
	v30 =	vadd.s32 v49, v62;
	v49 =	vld [tilespmem:$0x1FE80]  }
0x170: {  	v7 =	vadd.s32 v13, v7;
	v1 =	vadd.s32 v14, v45;
	v45 =	vld.idx.msk [tilespmem:v4+s16+$0x0], $0xffff  }
0x171: {  	s28 =	sadd.s32 $0x20, s28;
	v8 =	vadd.s32 s0, v46;
	[tilespmem:v17+s26+$0x0] =	vst.idx.msk $0xffff, v47;
	v47 =	vadd.s32 s12, v51;
	v51 =	vld.idx.msk [tilespmem:v10+s16+$0x0], $0xffff  }
0x172: {  	p0 =	slt.u32 s28, $0xE0;
	v25 =	vor.u32 v26, v18;
	v0 =	vadd.s32 s19, v41;
	v61 =	vadd.s32 v9, v8;
	v8 =	vld [tilespmem:$0x1FF10]  }
.Ltmp4:
0x173: {  	v6 =	vadd.s32 s12, v46;
	v39 =	vadd.s32 v15, v39;
	v35 =	vadd.s32 v15, v56;
	v56 =	vld.idx.msk [tilespmem:v11+s16+$0x0], $0xffff;
	(pc) =	sbr.rel @p0 .LBB2_7-.Ltmp4, $4  }
0x174: {  	v26 =	vadd.s32 s12, v41;
	v43 =	vadd.s32 s30, v41;
	v40 =	vadd.s32 v15, v2;
	v55 =	vld.idx.msk [tilespmem:v38+s16+$0x0], $0xffff  }
0x175: {  	v4 =	vadd.s32 s30, v46;
	v33 =	vadd.s32 v14, v43;
	v26 =	vadd.s32 v14, v26;
	v38 =	vld.idx.msk [tilespmem:v7+s16+$0x0], $0xffff  }
0x176: {  	v46 =	vadd.s32 v14, v0;
	[tilespmem:v3+s26+$0x0] =	vst.idx.msk $0xffff, v5;
	v62 =	vld.idx.msk [tilespmem:v1+s16+$0x0], $0xffff;
	v32 =	vadd.s32 v9, v4  }
0x177: {  	s23 =	smov.u32 s30;
	s29 =	sadd.s32 $0x200, s29;
	v44 =	vadd.s32 s19, v23;
	s30 =	sadd.s32 $0x4, s30;
	v52 =	vadd.s32 v9, v6;
	v60 =	vadd.s32 v8, v60;
	[tilespmem:v49+s26+$0x0] =	vst.idx.msk $0xffff, v63;
	v49 =	vld [tilespmem:$0x1FF00]  }
0x178: {  	_ =	sdelay $0x3  }
0x179: {  	[tilespmem:v16+s26+$0x0] =	vst.idx.msk $0xffff, v53;
	v37 =	vlaneseq.u32  }
0x17a: {  	[tilespmem:v24+s26+$0x0] =	vst.idx.msk $0xffff, v51;
	v0 =	vor.u32 v37, v42  }
0x17b: {  	[tilespmem:v36+s26+$0x0] =	vst.idx.msk $0xffff, v59  }
0x17c: {  	v41 =	vld [tilespmem:$0x1FF90];
	[tilespmem:v28+s26+$0x0] =	vst.idx.msk $0xffff, v62  }
0x17d: {  	v15 =	vld [tilespmem:$0x1FF70];
	[tilespmem:v27+s26+$0x0] =	vst.idx.msk $0xffff, v54  }
0x17e: {  	v13 =	vld [tilespmem:$0x1FF30];
	[tilespmem:v29+s26+$0x0] =	vst.idx.msk $0xffff, v31  }
0x17f: {  	[tilespmem:v0+s26+$0x0] =	vst.idx.msk $0xffff, v55  }
0x180: {  	v11 =	vld [tilespmem:$0x1FE90];
	_ =	sdelay $0x2  }
0x181: {  	v3 =	vld.idx.msk [tilespmem:v46+s16+$0x0], $0xffff  }
0x182: {  	v5 =	vor.u32 v15, v42  }
0x183: {  	v1 =	vadd.s32 v8, v50;
	v2 =	vadd.s32 v8, v58;
	v7 =	vld.idx.msk [tilespmem:v61+s16+$0x0], $0xffff;
	v8 =	vor.u32 v13, v19;
	_ =	sdelay $0x2  }
0x184: {  	v16 =	vld [tilespmem:$0x1FF60];
	[tilespmem:v11+s26+$0x0] =	vst.idx.msk $0xffff, v3  }
0x185: {  	v29 =	vld [tilespmem:$0x1FF40];
	[tilespmem:v5+s26+$0x0] =	vst.idx.msk $0xffff, v45  }
0x186: {  	[tilespmem:v8+s26+$0x0] =	vst.idx.msk $0xffff, v7  }
0x187: {  	v8 =	vld [tilespmem:$0x1FEA0]  }
0x188: {  	v4 =	vadd.s32 v41, v44;
	_ =	sdelay $0x2  }
0x189: {  	v9 =	vld.idx.msk [tilespmem:v60+s16+$0x0], $0xffff;
	v53 =	vor.u32 v16, v22  }
0x18a: {  	v6 =	vadd.s32 s12, v23;
	v1 =	vld.idx.msk [tilespmem:v1+s16+$0x0], $0xffff;
	v54 =	vor.u32 v16, v18  }
0x18b: {  	v6 =	vadd.s32 v41, v6;
	v4 =	vld.idx.msk [tilespmem:v4+s16+$0x0], $0xffff;
	v11 =	vor.u32 v29, v18;
	_ =	sdelay $0x1  }
0x18c: {  	[tilespmem:v8+s26+$0x0] =	vst.idx.msk $0xffff, v56  }
0x18d: {  	v14 =	vld [tilespmem:$0x1FF50];
	[tilespmem:v53+s26+$0x0] =	vst.idx.msk $0xffff, v9  }
0x18e: {  	v10 =	vadd.s32 s23, v23;
	v2 =	vld.idx.msk [tilespmem:v2+s16+$0x0], $0xffff;
	[tilespmem:v54+s26+$0x0] =	vst.idx.msk $0xffff, v1  }
0x18f: {  	v55 =	vadd.s32 v41, v10;
	v6 =	vld.idx.msk [tilespmem:v6+s16+$0x0], $0xffff;
	v10 =	vor.u32 v16, v42;
	[tilespmem:v11+s26+$0x0] =	vst.idx.msk $0xffff, v4  }
0x190: {  	v7 =	vor.u32 v29, v42;
	v17 =	vld [tilespmem:$0x1FF80]  }
0x191: {  	v20 =	vld [tilespmem:$0x1FFA0]  }
0x192: {  	v12 =	vld.idx.msk [tilespmem:v57+s16+$0x0], $0xffff;
	v8 =	vor.u32 v14, v19  }
0x193: {  	v63 =	vld.idx.msk [tilespmem:v52+s16+$0x0], $0xffff  }
0x194: {  	v59 =	vld.idx.msk [tilespmem:v55+s16+$0x0], $0xffff;
	v58 =	vor.u32 v29, v22;
	[tilespmem:v10+s26+$0x0] =	vst.idx.msk $0xffff, v2  }
0x195: {  	v62 =	vld.idx.msk [tilespmem:v39+s16+$0x0], $0xffff;
	[tilespmem:v7+s26+$0x0] =	vst.idx.msk $0xffff, v6;
	v61 =	vor.u32 v17, v22  }
0x196: {  	v39 =	vld.idx.msk [tilespmem:v32+s16+$0x0], $0xffff;
	v9 =	vor.u32 v13, v42;
	[tilespmem:v25+s26+$0x0] =	vst.idx.msk $0xffff, v38;
	v60 =	vadd.s32 v20, v47  }
0x197: {  	v7 =	vld.idx.msk [tilespmem:v40+s16+$0x0], $0xffff;
	v6 =	vor.u32 v17, v19;
	[tilespmem:v8+s26+$0x0] =	vst.idx.msk $0xffff, v12  }
0x198: {  	v38 =	vor.u32 v13, v22;
	v27 =	vld [tilespmem:$0x1FF20]  }
0x199: {  	v10 =	vld.idx.msk [tilespmem:v35+s16+$0x0], $0xffff;
	v8 =	vor.u32 v17, v42;
	[tilespmem:v58+s26+$0x0] =	vst.idx.msk $0xffff, v59  }
0x19a: {  	v40 =	vld.idx.msk [tilespmem:v48+s16+$0x0], $0xffff;
	[tilespmem:v61+s26+$0x0] =	vst.idx.msk $0xffff, v62  }
0x19b: {  	v35 =	vor.u32 v14, v42;
	v36 =	vld.idx.msk [tilespmem:v60+s16+$0x0], $0xffff;
	[tilespmem:v9+s26+$0x0] =	vst.idx.msk $0xffff, v63  }
0x19c: {  	v43 =	vor.u32 v14, v22;
	[tilespmem:v6+s26+$0x0] =	vst.idx.msk $0xffff, v7;
	v6 =	vld.idx.msk [tilespmem:v30+s16+$0x0], $0xffff  }
0x19d: {  	v34 =	vld.idx.msk [tilespmem:v33+s16+$0x0], $0xffff;
	[tilespmem:v38+s26+$0x0] =	vst.idx.msk $0xffff, v39;
	v11 =	vor.u32 v27, v22  }
0x19e: {  	s0 =	sadd.s32 s5, s21;
	[tilespmem:v8+s26+$0x0] =	vst.idx.msk $0xffff, v10;
	v8 =	vld.idx.msk [tilespmem:v26+s16+$0x0], $0xffff;
	v7 =	vor.u32 v27, v42  }
0x19f: {  	s30 =	sshll.u32 s0, $0x2;
	[tilespmem:v21+s26+$0x0] =	vst.idx.msk $0xffff, v40  }
0x1a0: {  	s0 =	sand.u32 $0x7D, s0;
	s12 =	sand.u32 $0x3FFE00, s30;
	[tilespmem:v35+s26+$0x0] =	vst.idx.msk $0xffff, v36  }
0x1a1: {  	s0 =	sor.u32 s0, s12;
	[tilespmem:v43+s26+$0x0] =	vst.idx.msk $0xffff, v6  }
0x1a2: {  	s0 =	sshll.u32 s0, $0x7;
	[tilespmem:v11+s26+$0x0] =	vst.idx.msk $0xffff, v34  }
0x1a3: {  	s19 =	sadd.s32 s2, s0;
	[tilespmem:v7+s26+$0x0] =	vst.idx.msk $0xffff, v8  }
0x1a4: {  	[hbm4b:s19+s3] =	stream.linear.scatter [tilespmem:s26], [sflag:$0x6], $0x400, $0x38;
	[tilespmem:$0x1E800] =	vst v63  }
0x1a5: {  	s21 =	sadd.s32 s0, s7;
	s19 =	simm.s32 $0x1DC00  }
0x1a6: {  	[hbm4b:s21+s3] =	stream.linear.scatter [tilespmem:s19], [sflag:$0x6], $0x400, $0x38;
	[tilespmem:$0x1E800] =	vst v63  }
0x1a7: {  	s23 =	simm.s32 $0x1E000;
	p0 =	seq.s32 s15, $0x31;
	s22 =	sadd.s32 s0, s8  }
0x1a8: {  	[hbm4b:s22+s3] =	stream.linear.scatter [tilespmem:s23], [sflag:$0x6], $0x400, $0x38;
	[tilespmem:$0x1E800] =	vst v63  }
0x1a9: {  	s25 =	simm.s32 $0x1E400;
	s11 =	sshrl.u32 @!p0 s11, $0x2;
	s0 =	sadd.s32 s0, s9  }
0x1aa: {  	[hbm4b:s0+s3] =	stream.linear.scatter [tilespmem:s25], [sflag:$0x6], $0x400, $0x38;
	[tilespmem:$0x1E800] =	vst v63  }
0x1ab: {  	s12 =	simm.s32 @!p0 $0x80;
	s19 =	simm.s32 @!p0 $0xC800;
	s0 =	sadd.s32 @!p0 $0x6600, s11  }
0x1ac: {  	[tilespmem:s19], [sflag:$0x1] =	stream.indirect.gather @!p0 [hbm4b:s4+s12], $0x80, s0, s12, $0xb8;
	[tilespmem:$0x1E800] =	vst v63  }
0x1ad: {  	_ =	swait.ge [sflag:s31], $0x400  }
0x1ae: {  	[sflag:s31] =	ssyncset.done $0x0  }
0x1af: {  	[sflag:s31] =	ssyncadd.s32 $0xFFFFFC00  }
0x1b0: {  	_ =	swait.ge [sflag:s31], $0x400  }
0x1b1: {  	[sflag:s31] =	ssyncset.done $0x0  }
0x1b2: {  	[sflag:s31] =	ssyncadd.s32 $0xFFFFFC00  }
0x1b3: {  	_ =	swait.ge [sflag:s31], $0x400  }
0x1b4: {  	s30 =	simm.s32 $0x0;
	s22 =	simm.s32 $0x80;
	[sflag:s31] =	ssyncset.done $0x0  }
0x1b5: {  	s23 =	sand.u32 $0xC00, s30;
	s12 =	simm.s32 $0x180;
	[sflag:s31] =	ssyncadd.s32 $0xFFFFFC00  }
0x1b6: {  	v44 =	vmov s30;
	s25 =	sand.u32 $0x280, s22;
	s12 =	sand.u32 $0x380, s12;
	_ =	swait.ge [sflag:s31], $0x400  }
0x1b7: {  	v0 =	vshrl.u32 v44, $0x7;
	s30 =	sor.u32 s23, s25;
	s12 =	sor.u32 s23, s12;
	[sflag:s31] =	ssyncset.done $0x0  }
0x1b8: {  	v0 =	vshll.u32 v0, v49;
	s21 =	simm.s32 $0x3;
	v45 =	vmov s30;
	v46 =	vmov s12;
	[sflag:s31] =	ssyncadd.s32 $0xFFFFFC00  }
0x1b9: {  	s13 =	sor.u32 $0x2, s13;
	v18 =	vbroadcast v0, $0x0;
	v48 =	vshrl.u32 v45, $0x7;
	v50 =	vshrl.u32 v46, $0x7;
	_ =	swait.ge [sflag:s21], $0x4000  }
0x1ba: {  	s0 =	sshll.u32 s13, $0x7;
	v0 =	vshll.u32 v48, v49;
	v1 =	vshll.u32 v50, v49;
	[sflag:s21] =	ssyncset.done $0x0;
	v57 =	vld [tilespmem:$0x1FFF0]  }
0x1bb: {  	v36 =	vor.u32 v17, v18;
	s22 =	sand.u32 $0x3FFFFF80, s0;
	v19 =	vbroadcast v0, $0x0;
	v22 =	vbroadcast v1, $0x0;
	v17 =	vld [tilespmem:$0x1FFE0];
	[sflag:s21] =	ssyncadd.s32 $0xFFFFC000  }
0x1bc: {  	v52 =	vor.u32 v15, v18;
	s19 =	simm.s32 $0x100;
	v47 =	vld [tilespmem:s22+$0x70]  }
0x1bd: {  	s0 =	sand.u32 $0x300, s19;
	v4 =	vor.u32 v15, v19;
	v8 =	vor.u32 v29, v19;
	v29 =	vor.u32 v15, v22;
	v15 =	vld [tilespmem:$0x1FFB0]  }
0x1be: {  	s0 =	sor.u32 s23, s0;
	v23 =	vld [tilespmem:s22+$0x60]  }
0x1bf: {  	v25 =	vor.u32 v37, v18;
	v21 =	vor.u32 v13, v18;
	v51 =	vmov s0;
	v34 =	vld [tilespmem:$0x1FFC0]  }
0x1c0: {  	v63 =	vor.u32 v27, v18;
	s25 =	simm.s32 $0x0;
	v0 =	vshrl.u32 v51, $0x7;
	v6 =	vor.u32 v37, v22;
	v53 =	vld [tilespmem:s22+$0x30]  }
0x1c1: {  	s30 =	simm.s32 $0x1;
	v0 =	vshll.u32 v0, v49;
	v24 =	vor.u32 v37, v19;
	v59 =	vld [tilespmem:s22+$0x50];
	[tilespmem:$0x1FE50] =	vst v6;
	v10 =	vadd.s32 s25, v47  }
0x1c2: {  	v28 =	vor.u32 v27, v19;
	v7 =	vld [tilespmem:s22+$0x0];
	v3 =	vadd.s32 s30, v47;
	v10 =	vadd.s32 v57, v10  }
0x1c3: {  	v27 =	vor.u32 v14, v18;
	v6 =	vld [tilespmem:s22+$0x40];
	v26 =	vadd.s32 s30, v23;
	v3 =	vadd.s32 v57, v3  }
0x1c4: {  	v16 =	vor.u32 v16, v19;
	v11 =	vld [tilespmem:s22+$0x20];
	v56 =	vadd.s32 s21, v47;
	v26 =	vadd.s32 v41, v26  }
0x1c5: {  	s12 =	simm.s32 $0x2;
	v42 =	vbroadcast v0, $0x0;
	v12 =	vld [tilespmem:s22+$0x10];
	v31 =	vadd.s32 s25, v53;
	v58 =	vadd.s32 v57, v56  }
0x1c6: {  	v9 =	vadd.s32 s12, v47;
	v44 =	vadd.s32 s25, v23;
	v47 =	vld [tilespmem:$0x1FF10];
	v62 =	vadd.s32 v17, v31  }
0x1c7: {  	v50 =	vadd.s32 s25, v59;
	v9 =	vadd.s32 v57, v9;
	v46 =	vadd.s32 s30, v7;
	v10 =	vld.idx.msk [tilespmem:v10+s18+$0x0], $0xffff  }
0x1c8: {  	v30 =	vadd.s32 s30, v59;
	v61 =	vadd.s32 s25, v6;
	v48 =	vadd.s32 v15, v46;
	v3 =	vld.idx.msk [tilespmem:v3+s18+$0x0], $0xffff  }
0x1c9: {  	v35 =	vadd.s32 s12, v53;
	v38 =	vadd.s32 s21, v59;
	v32 =	vadd.s32 v20, v61;
	v26 =	vld.idx.msk [tilespmem:v26+s18+$0x0], $0xffff  }
0x1ca: {  	v2 =	vadd.s32 s30, v53;
	v41 =	vadd.s32 s30, v6;
	v13 =	vadd.s32 s12, v11;
	v31 =	vld.idx.msk [tilespmem:v58+s18+$0x0], $0xffff  }
0x1cb: {  	v0 =	vadd.s32 s25, v12;
	v43 =	vadd.s32 s12, v7;
	v58 =	vadd.s32 s12, v59;
	v59 =	vld.idx.msk [tilespmem:v62+s18+$0x0], $0xffff  }
0x1cc: {  	v55 =	vadd.s32 s25, v7;
	v7 =	vadd.s32 s21, v7;
	v43 =	vadd.s32 v15, v43;
	v45 =	vld.idx.msk [tilespmem:v9+s18+$0x0], $0xffff;
	[tilespmem:v52+s20+$0x0] =	vst.idx.msk $0xffff, v10  }
0x1cd: {  	v40 =	vadd.s32 s12, v12;
	v54 =	vadd.s32 s30, v12;
	v7 =	vadd.s32 v15, v7;
	v51 =	vld.idx.msk [tilespmem:v48+s18+$0x0], $0xffff;
	[tilespmem:v4+s20+$0x0] =	vst.idx.msk $0xffff, v3  }
0x1ce: {  	v14 =	vadd.s32 v34, v54;
	v30 =	vadd.s32 v47, v30;
	v54 =	vld.idx.msk [tilespmem:v32+s18+$0x0], $0xffff;
	[tilespmem:v8+s20+$0x0] =	vst.idx.msk $0xffff, v26  }
0x1cf: {  	v57 =	vadd.s32 s21, v53;
	v60 =	vadd.s32 s21, v6;
	v61 =	vadd.s32 s21, v12;
	v12 =	vld [tilespmem:$0x1FFD0]  }
0x1d0: {  	v35 =	vadd.s32 v17, v35;
	v39 =	vadd.s32 v17, v57;
	v9 =	vadd.s32 v15, v55;
	v8 =	vld [tilespmem:$0x1FF10]  }
0x1d1: {  	v46 =	vadd.s32 v34, v0;
	v57 =	vadd.s32 v20, v41;
	v33 =	vadd.s32 v34, v61;
	v55 =	vld.idx.msk [tilespmem:v43+s18+$0x0], $0xffff  }
0x1d2: {  	v47 =	vadd.s32 s12, v6;
	v6 =	vadd.s32 s30, v11;
	v62 =	vadd.s32 s25, v11;
	v56 =	vld.idx.msk [tilespmem:v7+s18+$0x0], $0xffff  }
0x1d3: {  	v53 =	vld.idx.msk [tilespmem:v30+s18+$0x0], $0xffff;
	v30 =	vadd.s32 v20, v60;
	v10 =	vadd.s32 s21, v11;
	v26 =	vadd.s32 v34, v40  }
0x1d4: {  	v40 =	vadd.s32 v17, v2;
	v48 =	vadd.s32 v12, v62;
	v62 =	vld.idx.msk [tilespmem:v14+s18+$0x0], $0xffff;
	v32 =	vadd.s32 v12, v10  }
0x1d5: {  	s28 =	simm.s32 $0x380;
	s29 =	simm.s32 $0x7;
	s23 =	simm.s32 $0x0;
	v61 =	vadd.s32 v12, v6;
	v60 =	vadd.s32 v8, v38;
	v38 =	vld.idx.msk [tilespmem:v9+s18+$0x0], $0xffff;
	v52 =	vadd.s32 v12, v13  }
.LBB2_9:
0x1d6: {  	v43 =	vld [tilespmem:s22+$0x0]  }
0x1d7: {  	v41 =	vld [tilespmem:s22+$0x10]  }
0x1d8: {  	v20 =	vld [tilespmem:$0x1FF90]  }
0x1d9: {  	v7 =	vld.idx.msk [tilespmem:v46+s18+$0x0], $0xffff  }
0x1da: {  	v46 =	vld [tilespmem:s22+$0x20]  }
0x1db: {  	v13 =	vld [tilespmem:$0x1FF30]  }
0x1dc: {  	v0 =	vadd.s32 v8, v50;
	v11 =	vld [tilespmem:s22+$0x50]  }
0x1dd: {  	v2 =	vadd.s32 v8, v58;
	v5 =	vadd.s32 s12, v23;
	v8 =	vadd.s32 s21, v23;
	v23 =	vld [tilespmem:s22+$0x60]  }
0x1de: {  	v17 =	vld [tilespmem:$0x1FF70]  }
0x1df: {  	[tilespmem:v16+s20+$0x0] =	vst.idx.msk $0xffff, v53;
	v16 =	vld [tilespmem:$0x1FF50]  }
0x1e0: {  	[tilespmem:v29+s20+$0x0] =	vst.idx.msk $0xffff, v31;
	v31 =	vld [tilespmem:$0x1FF20]  }
0x1e1: {  	v15 =	vld [tilespmem:$0x1FF60]  }
0x1e2: {  	s0 =	sadd.s32 $0xFFFFFE80, s28;
	s19 =	sadd.s32 $0xFFFFFF00, s28;
	v3 =	vmov v21;
	v21 =	vld [tilespmem:$0x1FFF0]  }
0x1e3: {  	s30 =	sand.u32 $0x380, s28;
	v57 =	vld.idx.msk [tilespmem:v57+s18+$0x0], $0xffff;
	s25 =	sand.u32 $0xC00, s0;
	s19 =	sand.u32 $0x280, s19  }
0x1e4: {  	[tilespmem:$0x1FE10] =	vst v26;
	v52 =	vld.idx.msk [tilespmem:v52+s18+$0x0], $0xffff;
	v12 =	vmov s0;
	s0 =	sor.u32 s25, s19;
	s19 =	sor.u32 s25, s30;
	s30 =	sadd.s32 $0xFFFFFF80, s28  }
0x1e5: {  	v26 =	vlaneseq.u32;
	[tilespmem:v36+s20+$0x0] =	vst.idx.msk $0xffff, v59;
	v35 =	vld.idx.msk [tilespmem:v35+s18+$0x0], $0xffff;
	v9 =	vmov s0;
	s0 =	sand.u32 $0x300, s30  }
0x1e6: {  	v6 =	vmov v42;
	v1 =	vor.u32 v26, v42;
	[tilespmem:$0x1FE20] =	vst v3;
	v42 =	vld [tilespmem:$0x1FF80];
	s0 =	sor.u32 s25, s0  }
0x1e7: {  	v34 =	vmov v30;
	v3 =	vshrl.u32 v12, $0x7;
	[tilespmem:v24+s20+$0x0] =	vst.idx.msk $0xffff, v51;
	v51 =	vld [tilespmem:s22+$0x40];
	v12 =	vmov s0  }
0x1e8: {  	v37 =	vmov v32;
	v3 =	vshll.u32 v3, v49;
	[tilespmem:v28+s20+$0x0] =	vst.idx.msk $0xffff, v62;
	v28 =	vld.idx.msk [tilespmem:v60+s18+$0x0], $0xffff;
	v12 =	vshrl.u32 v12, $0x7  }
0x1e9: {  	v10 =	vmov s19;
	[tilespmem:v63+s20+$0x0] =	vst.idx.msk $0xffff, v7;
	v24 =	vor.u32 v13, v19;
	v7 =	vshll.u32 v12, v49;
	v12 =	vld.idx.msk [tilespmem:v61+s18+$0x0], $0xffff  }
0x1ea: {  	v58 =	vmovc v25;
	v9 =	vshrl.u32 v9, $0x7;
	v10 =	vshrl.u32 v10, $0x7;
	[tilespmem:v27+s20+$0x0] =	vst.idx.msk $0xffff, v54;
	v4 =	vadd.s32 v20, v44;
	v44 =	vld [tilespmem:s22+$0x70]  }
0x1eb: {  	v5 =	vadd.s32 v20, v5;
	v9 =	vshll.u32 v9, v49;
	v27 =	vor.u32 v15, v22;
	v0 =	vld.idx.msk [tilespmem:v0+s18+$0x0], $0xffff  }
0x1ec: {  	v14 =	vor.u32 v31, v6;
	v2 =	vld.idx.msk [tilespmem:v2+s18+$0x0], $0xffff;
	v36 =	vor.u32 v15, v6;
	[tilespmem:v1+s20+$0x0] =	vst.idx.msk $0xffff, v55  }
0x1ed: {  	v10 =	vshll.u32 v10, v49;
	v59 =	vor.u32 v16, v6;
	v50 =	vor.u32 v16, v19;
	[tilespmem:$0x1FE30] =	vst v14;
	v14 =	vld [tilespmem:$0x1FF40]  }
0x1ee: {  	v3 =	vbroadcast v3, $0x0;
	v1 =	vor.u32 v17, v6;
	[tilespmem:v24+s20+$0x0] =	vst.idx.msk $0xffff, v12;
	v12 =	vor.u32 v42, v19;
	v19 =	vld [tilespmem:$0x1FE50]  }
0x1ef: {  	v62 =	vor.u32 v13, v22;
	v8 =	vadd.s32 v20, v8;
	v9 =	vbroadcast v9, $0x0;
	v49 =	vld [tilespmem:$0x1FFA0];
	[tilespmem:v58+s20+$0x0] =	vst.idx.msk $0xffff, v38  }
0x1f0: {  	v60 =	vor.u32 v42, v22;
	v30 =	vor.u32 v13, v3;
	v4 =	vld.idx.msk [tilespmem:v4+s18+$0x0], $0xffff;
	[tilespmem:v27+s20+$0x0] =	vst.idx.msk $0xffff, v28  }
0x1f1: {  	v54 =	vor.u32 v17, v3;
	v55 =	vor.u32 v17, v9;
	v5 =	vld.idx.msk [tilespmem:v5+s18+$0x0], $0xffff;
	[tilespmem:v36+s20+$0x0] =	vst.idx.msk $0xffff, v2  }
0x1f2: {  	v32 =	vbroadcast v7, $0x0;
	v7 =	vor.u32 v15, v18;
	v25 =	vadd.s32 s29, v44;
	v2 =	vld.idx.msk [tilespmem:v39+s18+$0x0], $0xffff;
	[tilespmem:v50+s20+$0x0] =	vst.idx.msk $0xffff, v57  }
0x1f3: {  	v53 =	vld [tilespmem:s22+$0x30];
	v29 =	vor.u32 v14, v18;
	[tilespmem:v1+s20+$0x0] =	vst.idx.msk $0xffff, v45;
	v45 =	vor.u32 v42, v6;
	v18 =	vmov v3  }
0x1f4: {  	v3 =	vadd.s32 v21, v25;
	v61 =	vadd.s32 v49, v47;
	v47 =	vld.idx.msk [tilespmem:v48+s18+$0x0], $0xffff;
	v48 =	vor.u32 v16, v22  }
0x1f5: {  	v10 =	vbroadcast v10, $0x0;
	v27 =	vor.u32 v16, v18;
	v36 =	vor.u32 v42, v18;
	v42 =	vmovc v32;
	v32 =	vld.idx.msk [tilespmem:v37+s18+$0x0], $0xffff  }
0x1f6: {  	s12 =	sadd.s32 $0xFFFFFFFF, s29;
	v16 =	vor.u32 v15, v9;
	v15 =	vld [tilespmem:$0x1FFE0];
	[tilespmem:v19+s20+$0x0] =	vst.idx.msk $0xffff, v56;
	v19 =	vor.u32 v26, v18  }
0x1f7: {  	v58 =	vadd.s32 s12, v11;
	v63 =	vor.u32 v14, v6;
	v37 =	vld [tilespmem:$0x1FE10];
	[tilespmem:$0x1FE40] =	vst v19;
	v19 =	vor.u32 v26, v10  }
0x1f8: {  	v28 =	vor.u32 v31, v9;
	[tilespmem:v7+s20+$0x0] =	vst.idx.msk $0xffff, v0;
	v0 =	vor.u32 v13, v6;
	v6 =	vld.idx.msk [tilespmem:v8+s18+$0x0], $0xffff  }
0x1f9: {  	s19 =	sadd.s32 $0xFFFFFFFD, s29;
	s30 =	sadd.s32 $0xFFFFFFFE, s29;
	v1 =	vor.u32 v31, v22;
	v25 =	vor.u32 v31, v18;
	v24 =	vor.u32 v26, v9;
	v7 =	vld.idx.msk [tilespmem:v40+s18+$0x0], $0xffff  }
0x1fa: {  	v50 =	vadd.s32 s19, v11;
	v31 =	vld.idx.msk [tilespmem:v3+s18+$0x0], $0xffff;
	v3 =	vor.u32 v14, v9;
	[tilespmem:$0x1FE50] =	vst v19;
	v19 =	vmovc v9;
	v9 =	vadd.s32 s30, v44  }
0x1fb: {  	v39 =	vadd.s32 s30, v11;
	[tilespmem:v60+s20+$0x0] =	vst.idx.msk $0xffff, v2;
	v60 =	vadd.s32 s29, v11;
	v11 =	vld [tilespmem:$0x1FF10];
	v9 =	vadd.s32 v21, v9  }
0x1fc: {  	v22 =	vor.u32 v14, v22;
	v13 =	vadd.s32 s12, v44;
	v8 =	vadd.s32 s19, v44;
	[tilespmem:v63+s20+$0x0] =	vst.idx.msk $0xffff, v5;
	v5 =	vld.idx.msk [tilespmem:v33+s18+$0x0], $0xffff  }
0x1fd: {  	v8 =	vadd.s32 v21, v8;
	[tilespmem:v29+s20+$0x0] =	vst.idx.msk $0xffff, v4;
	v4 =	vadd.s32 v21, v13;
	v13 =	vld [tilespmem:$0x1FFB0]  }
0x1fe: {  	v29 =	vor.u32 v17, v10;
	v17 =	vld [tilespmem:$0x1FE20]  }
0x1ff: {  	v38 =	vld.idx.msk [tilespmem:v61+s18+$0x0], $0xffff  }
0x200: {  	v14 =	vadd.s32 s30, v23;
	v9 =	vld.idx.msk [tilespmem:v9+s18+$0x0], $0xffff  }
0x201: {  	v33 =	vadd.s32 v20, v14;
	v14 =	vld [tilespmem:$0x1FFC0];
	[tilespmem:v22+s20+$0x0] =	vst.idx.msk $0xffff, v6;
	v6 =	vadd.s32 s19, v53  }
0x202: {  	[tilespmem:v45+s20+$0x0] =	vst.idx.msk $0xffff, v35;
	v2 =	vadd.s32 v15, v6;
	v8 =	vld.idx.msk [tilespmem:v8+s18+$0x0], $0xffff  }
0x203: {  	v57 =	vadd.s32 s30, v51;
	[tilespmem:v62+s20+$0x0] =	vst.idx.msk $0xffff, v32;
	v63 =	vld.idx.msk [tilespmem:v37+s18+$0x0], $0xffff;
	v11 =	vadd.s32 v11, v39  }
0x204: {  	v57 =	vadd.s32 v49, v57;
	v40 =	vadd.s32 s19, v51;
	[tilespmem:v12+s20+$0x0] =	vst.idx.msk $0xffff, v7;
	v21 =	vmov v30;
	v30 =	vld.idx.msk [tilespmem:v34+s18+$0x0], $0xffff  }
0x205: {  	v45 =	vadd.s32 s30, v41;
	v61 =	vadd.s32 s29, v43;
	v62 =	vadd.s32 s29, v51;
	[tilespmem:v55+s20+$0x0] =	vst.idx.msk $0xffff, v9;
	v9 =	vld [tilespmem:$0x1FFD0]  }
0x206: {  	v22 =	vmov v10;
	v12 =	vadd.s32 v49, v40;
	v10 =	vadd.s32 s30, v43;
	[tilespmem:v1+s20+$0x0] =	vst.idx.msk $0xffff, v5;
	v5 =	vld.idx.msk [tilespmem:v33+s18+$0x0], $0xffff  }
0x207: {  	v7 =	vadd.s32 s19, v43;
	v56 =	vadd.s32 s12, v53;
	v10 =	vadd.s32 v13, v10;
	[tilespmem:v59+s20+$0x0] =	vst.idx.msk $0xffff, v38;
	v59 =	vld.idx.msk [tilespmem:v2+s18+$0x0], $0xffff  }
0x208: {  	[tilespmem:v0+s20+$0x0] =	vst.idx.msk $0xffff, v52;
	v39 =	vadd.s32 s29, v53;
	v2 =	vadd.s32 s30, v53;
	v53 =	vld.idx.msk [tilespmem:v11+s18+$0x0], $0xffff;
	v11 =	vadd.s32 v13, v61  }
0x209: {  	v52 =	vadd.s32 s12, v43;
	v1 =	vadd.s32 v14, v45;
	v45 =	vld.idx.msk [tilespmem:v4+s18+$0x0], $0xffff;
	[tilespmem:v48+s20+$0x0] =	vst.idx.msk $0xffff, v30;
	v30 =	vadd.s32 s19, v46  }
0x20a: {  	v38 =	vadd.s32 v13, v52;
	v48 =	vadd.s32 v9, v30;
	v30 =	vadd.s32 v49, v62;
	v49 =	vld [tilespmem:$0x1FE30]  }
0x20b: {  	v7 =	vadd.s32 v13, v7;
	[tilespmem:v54+s20+$0x0] =	vst.idx.msk $0xffff, v8;
	v54 =	vld.idx.msk [tilespmem:v12+s18+$0x0], $0xffff  }
0x20c: {  	[tilespmem:v17+s20+$0x0] =	vst.idx.msk $0xffff, v47;
	v47 =	vadd.s32 s12, v51;
	v51 =	vld.idx.msk [tilespmem:v10+s18+$0x0], $0xffff  }
0x20d: {  	s23 =	sadd.s32 $0x20, s23;
	v35 =	vadd.s32 v15, v56;
	v8 =	vadd.s32 s30, v46;
	v56 =	vld.idx.msk [tilespmem:v11+s18+$0x0], $0xffff  }
0x20e: {  	p1 =	slt.u32 s23, $0xE0;
	v61 =	vadd.s32 v9, v8;
	v8 =	vld [tilespmem:$0x1FF10]  }
.Ltmp5:
0x20f: {  	v0 =	vadd.s32 s19, v41;
	v6 =	vadd.s32 s12, v46;
	v43 =	vadd.s32 s29, v41;
	v55 =	vld.idx.msk [tilespmem:v38+s18+$0x0], $0xffff;
	(pc) =	sbr.rel @p1 .LBB2_9-.Ltmp5, $4  }
0x210: {  	v26 =	vadd.s32 s12, v41;
	v39 =	vadd.s32 v15, v39;
	v33 =	vadd.s32 v14, v43;
	v38 =	vld.idx.msk [tilespmem:v7+s18+$0x0], $0xffff  }
0x211: {  	v4 =	vadd.s32 s29, v46;
	v26 =	vadd.s32 v14, v26;
	v44 =	vadd.s32 s19, v23;
	[tilespmem:v3+s20+$0x0] =	vst.idx.msk $0xffff, v5;
	v62 =	vld.idx.msk [tilespmem:v1+s18+$0x0], $0xffff  }
0x212: {  	v40 =	vadd.s32 v15, v2;
	v46 =	vadd.s32 v14, v0;
	[tilespmem:v49+s20+$0x0] =	vst.idx.msk $0xffff, v63;
	v63 =	vmov v25;
	v25 =	vld [tilespmem:$0x1FE40]  }
0x213: {  	s21 =	smov.u32 s29;
	s28 =	sadd.s32 $0x200, s28;
	s29 =	sadd.s32 $0x4, s29;
	v32 =	vadd.s32 v9, v4;
	v52 =	vadd.s32 v9, v6;
	v60 =	vadd.s32 v8, v60;
	v49 =	vld [tilespmem:$0x1FF00]  }
0x214: {  	_ =	sdelay $0x3  }
0x215: {  	[tilespmem:v16+s20+$0x0] =	vst.idx.msk $0xffff, v53  }
0x216: {  	[tilespmem:v24+s20+$0x0] =	vst.idx.msk $0xffff, v51  }
0x217: {  	[tilespmem:v36+s20+$0x0] =	vst.idx.msk $0xffff, v59  }
0x218: {  	v41 =	vld [tilespmem:$0x1FF90];
	[tilespmem:v28+s20+$0x0] =	vst.idx.msk $0xffff, v62  }
0x219: {  	v15 =	vld [tilespmem:$0x1FF70];
	[tilespmem:v27+s20+$0x0] =	vst.idx.msk $0xffff, v54  }
0x21a: {  	v13 =	vld [tilespmem:$0x1FF30]  }
0x21b: {  	v37 =	vlaneseq.u32  }
0x21c: {  	v0 =	vor.u32 v37, v42  }
0x21d: {  	v3 =	vld.idx.msk [tilespmem:v46+s18+$0x0], $0xffff  }
0x21e: {  	v5 =	vor.u32 v15, v42  }
0x21f: {  	v1 =	vadd.s32 v8, v50;
	v2 =	vadd.s32 v8, v58;
	v7 =	vld.idx.msk [tilespmem:v61+s18+$0x0], $0xffff;
	v8 =	vor.u32 v13, v19  }
0x220: {  	[tilespmem:v29+s20+$0x0] =	vst.idx.msk $0xffff, v31  }
0x221: {  	[tilespmem:v0+s20+$0x0] =	vst.idx.msk $0xffff, v55  }
0x222: {  	v16 =	vld [tilespmem:$0x1FF60];
	[tilespmem:v63+s20+$0x0] =	vst.idx.msk $0xffff, v3  }
0x223: {  	v29 =	vld [tilespmem:$0x1FF40];
	[tilespmem:v5+s20+$0x0] =	vst.idx.msk $0xffff, v45  }
0x224: {  	[tilespmem:v8+s20+$0x0] =	vst.idx.msk $0xffff, v7  }
0x225: {  	v8 =	vld [tilespmem:$0x1FE50]  }
0x226: {  	v4 =	vadd.s32 v41, v44;
	_ =	sdelay $0x2  }
0x227: {  	v9 =	vld.idx.msk [tilespmem:v60+s18+$0x0], $0xffff;
	v58 =	vor.u32 v16, v22  }
0x228: {  	v6 =	vadd.s32 s12, v23;
	v1 =	vld.idx.msk [tilespmem:v1+s18+$0x0], $0xffff;
	v59 =	vor.u32 v16, v18  }
0x229: {  	v6 =	vadd.s32 v41, v6;
	v4 =	vld.idx.msk [tilespmem:v4+s18+$0x0], $0xffff;
	v11 =	vor.u32 v29, v18;
	_ =	sdelay $0x1  }
0x22a: {  	[tilespmem:v8+s20+$0x0] =	vst.idx.msk $0xffff, v56  }
0x22b: {  	v14 =	vld [tilespmem:$0x1FF50];
	[tilespmem:v58+s20+$0x0] =	vst.idx.msk $0xffff, v9  }
0x22c: {  	v10 =	vadd.s32 s21, v23;
	v2 =	vld.idx.msk [tilespmem:v2+s18+$0x0], $0xffff;
	[tilespmem:v59+s20+$0x0] =	vst.idx.msk $0xffff, v1  }
0x22d: {  	v60 =	vadd.s32 v41, v10;
	v6 =	vld.idx.msk [tilespmem:v6+s18+$0x0], $0xffff;
	v10 =	vor.u32 v16, v42;
	[tilespmem:v11+s20+$0x0] =	vst.idx.msk $0xffff, v4  }
0x22e: {  	v7 =	vor.u32 v29, v42;
	v17 =	vld [tilespmem:$0x1FF80]  }
0x22f: {  	v20 =	vld [tilespmem:$0x1FFA0]  }
0x230: {  	v12 =	vld.idx.msk [tilespmem:v57+s18+$0x0], $0xffff;
	v8 =	vor.u32 v14, v19  }
0x231: {  	v36 =	vld.idx.msk [tilespmem:v39+s18+$0x0], $0xffff  }
0x232: {  	v62 =	vld.idx.msk [tilespmem:v60+s18+$0x0], $0xffff;
	v61 =	vor.u32 v29, v22;
	[tilespmem:v10+s20+$0x0] =	vst.idx.msk $0xffff, v2  }
0x233: {  	v39 =	vld.idx.msk [tilespmem:v52+s18+$0x0], $0xffff;
	[tilespmem:v7+s20+$0x0] =	vst.idx.msk $0xffff, v6;
	v34 =	vor.u32 v17, v22  }
0x234: {  	v9 =	vor.u32 v13, v42;
	v7 =	vld.idx.msk [tilespmem:v40+s18+$0x0], $0xffff;
	[tilespmem:v25+s20+$0x0] =	vst.idx.msk $0xffff, v38;
	v63 =	vadd.s32 v20, v47  }
0x235: {  	v6 =	vor.u32 v17, v19;
	v47 =	vld.idx.msk [tilespmem:v32+s18+$0x0], $0xffff;
	[tilespmem:v8+s20+$0x0] =	vst.idx.msk $0xffff, v12  }
0x236: {  	v46 =	vor.u32 v13, v22;
	v27 =	vld [tilespmem:$0x1FF20]  }
0x237: {  	v10 =	vld.idx.msk [tilespmem:v35+s18+$0x0], $0xffff;
	v8 =	vor.u32 v17, v42;
	[tilespmem:v61+s20+$0x0] =	vst.idx.msk $0xffff, v62  }
0x238: {  	v50 =	vld.idx.msk [tilespmem:v48+s18+$0x0], $0xffff;
	[tilespmem:v34+s20+$0x0] =	vst.idx.msk $0xffff, v36  }
0x239: {  	v44 =	vor.u32 v14, v42;
	v45 =	vld.idx.msk [tilespmem:v63+s18+$0x0], $0xffff;
	[tilespmem:v9+s20+$0x0] =	vst.idx.msk $0xffff, v39  }
0x23a: {  	v51 =	vor.u32 v14, v22;
	[tilespmem:v6+s20+$0x0] =	vst.idx.msk $0xffff, v7;
	v6 =	vld.idx.msk [tilespmem:v30+s18+$0x0], $0xffff  }
0x23b: {  	v43 =	vld.idx.msk [tilespmem:v33+s18+$0x0], $0xffff;
	[tilespmem:v46+s20+$0x0] =	vst.idx.msk $0xffff, v47;
	v11 =	vor.u32 v27, v22  }
0x23c: {  	s0 =	sadd.s32 s5, s13;
	[tilespmem:v8+s20+$0x0] =	vst.idx.msk $0xffff, v10;
	v8 =	vld.idx.msk [tilespmem:v26+s18+$0x0], $0xffff;
	v7 =	vor.u32 v27, v42  }
0x23d: {  	s25 =	sshll.u32 s0, $0x2;
	[tilespmem:v21+s20+$0x0] =	vst.idx.msk $0xffff, v50  }
0x23e: {  	s0 =	sand.u32 $0x7E, s0;
	s12 =	sand.u32 $0x3FFE00, s25;
	[tilespmem:v44+s20+$0x0] =	vst.idx.msk $0xffff, v45  }
0x23f: {  	s0 =	sor.u32 s0, s12;
	[tilespmem:v51+s20+$0x0] =	vst.idx.msk $0xffff, v6  }
0x240: {  	s0 =	sshll.u32 s0, $0x7;
	[tilespmem:v11+s20+$0x0] =	vst.idx.msk $0xffff, v43  }
0x241: {  	s28 =	sadd.s32 s2, s0;
	[tilespmem:v7+s20+$0x0] =	vst.idx.msk $0xffff, v8  }
0x242: {  	[hbm4b:s28+s3] =	stream.linear.scatter [tilespmem:s20], [sflag:$0x5], $0x400, $0x38;
	[tilespmem:$0x1E800] =	vst v63  }
0x243: {  	s29 =	simm.s32 $0x1CC00;
	s13 =	sadd.s32 s0, s7  }
0x244: {  	[hbm4b:s13+s3] =	stream.linear.scatter [tilespmem:s29], [sflag:$0x5], $0x400, $0x38;
	[tilespmem:$0x1E800] =	vst v63  }
0x245: {  	s30 =	simm.s32 $0x1D000;
	s19 =	sadd.s32 s0, s8  }
0x246: {  	[hbm4b:s19+s3] =	stream.linear.scatter [tilespmem:s30], [sflag:$0x5], $0x400, $0x38;
	[tilespmem:$0x1E800] =	vst v63  }
0x247: {  	s21 =	simm.s32 $0x1D400;
	s0 =	sadd.s32 s0, s9  }
0x248: {  	[hbm4b:s0+s3] =	stream.linear.scatter [tilespmem:s21], [sflag:$0x5], $0x400, $0x38;
	[tilespmem:$0x1E800] =	vst v63  }
0x249: {  	s12 =	simm.s32 @!p0 $0x10800;
	s0 =	sadd.s32 @!p0 $0x6680, s11;
	s11 =	simm.s32 @!p0 $0x80  }
0x24a: {  	[tilespmem:s12], [sflag:$0x2] =	stream.indirect.gather @!p0 [hbm4b:s4+s11], $0x80, s0, s11, $0xb8;
	[tilespmem:$0x1E800] =	vst v63  }
0x24b: {  	_ =	swait.ge [sflag:s1], $0x400  }
0x24c: {  	[sflag:s1] =	ssyncset.done $0x0  }
0x24d: {  	[sflag:s1] =	ssyncadd.s32 $0xFFFFFC00  }
0x24e: {  	_ =	swait.ge [sflag:s1], $0x400  }
0x24f: {  	[sflag:s1] =	ssyncset.done $0x0  }
0x250: {  	[sflag:s1] =	ssyncadd.s32 $0xFFFFFC00  }
0x251: {  	_ =	swait.ge [sflag:s1], $0x400  }
0x252: {  	s22 =	simm.s32 $0x180;
	[sflag:s1] =	ssyncset.done $0x0  }
0x253: {  	s23 =	simm.s32 $0x0;
	s25 =	simm.s32 $0x80;
	[sflag:s1] =	ssyncadd.s32 $0xFFFFFC00  }
0x254: {  	s28 =	sand.u32 $0xC00, s23;
	s19 =	simm.s32 $0x4;
	_ =	swait.ge [sflag:s1], $0x400  }
0x255: {  	s21 =	sand.u32 $0x280, s25;
	s0 =	sand.u32 $0x380, s22;
	[sflag:s1] =	ssyncset.done $0x0  }
0x256: {  	v52 =	vmov s23;
	s11 =	sor.u32 s28, s21;
	s0 =	sor.u32 s28, s0;
	[sflag:s1] =	ssyncadd.s32 $0xFFFFFC00  }
0x257: {  	v0 =	vshrl.u32 v52, $0x7;
	v53 =	vmov s11;
	v54 =	vmov s0;
	_ =	swait.ge [sflag:s19], $0x4000  }
0x258: {  	v0 =	vshll.u32 v0, v49;
	v56 =	vshrl.u32 v53, $0x7;
	v57 =	vshrl.u32 v54, $0x7;
	[sflag:s19] =	ssyncset.done $0x0  }
0x259: {  	v18 =	vbroadcast v0, $0x0;
	v0 =	vshll.u32 v56, v49;
	v1 =	vshll.u32 v57, v49;
	v60 =	vld [tilespmem:$0x1FFF0];
	[sflag:s19] =	ssyncadd.s32 $0xFFFFC000  }
0x25a: {  	v19 =	vbroadcast v0, $0x0;
	v22 =	vbroadcast v1, $0x0;
	v55 =	vld [tilespmem:s10+$0x70]  }
0x25b: {  	v25 =	vor.u32 v37, v18;
	v36 =	vor.u32 v17, v18;
	s22 =	simm.s32 $0x100;
	v17 =	vld [tilespmem:$0x1FFE0]  }
0x25c: {  	s23 =	sand.u32 $0x300, s22;
	v34 =	vor.u32 v37, v19;
	v6 =	vor.u32 v37, v22;
	v37 =	vor.u32 v16, v19;
	v16 =	vld [tilespmem:$0x1FFC0]  }
0x25d: {  	s0 =	sor.u32 s28, s23;
	v23 =	vld [tilespmem:s10+$0x60]  }
0x25e: {  	v21 =	vor.u32 v13, v18;
	v24 =	vor.u32 v27, v18;
	s25 =	simm.s32 $0x0;
	v58 =	vmov s0;
	v62 =	vld [tilespmem:s10+$0x50]  }
0x25f: {  	s11 =	simm.s32 $0x3;
	v0 =	vshrl.u32 v58, $0x7;
	v1 =	vor.u32 v15, v18;
	v2 =	vld [tilespmem:s10+$0x30];
	[tilespmem:$0x1FE00] =	vst v6;
	v10 =	vadd.s32 s25, v55  }
0x260: {  	s28 =	simm.s32 $0x1;
	v0 =	vshll.u32 v0, v49;
	v6 =	vld [tilespmem:s10+$0x40];
	v59 =	vadd.s32 s11, v55;
	v10 =	vadd.s32 v60, v10  }
0x261: {  	v4 =	vor.u32 v15, v19;
	v7 =	vld [tilespmem:s10+$0x0];
	v3 =	vadd.s32 s28, v55;
	v61 =	vadd.s32 v60, v59  }
0x262: {  	v63 =	vbroadcast v0, $0x0;
	v12 =	vld [tilespmem:s10+$0x10];
	v26 =	vadd.s32 s28, v23;
	v3 =	vadd.s32 v60, v3  }
0x263: {  	s12 =	simm.s32 $0x2;
	v11 =	vld [tilespmem:s10+$0x20];
	v50 =	vadd.s32 s25, v62;
	v30 =	vadd.s32 s28, v62;
	v26 =	vadd.s32 v41, v26  }
0x264: {  	v31 =	vadd.s32 s25, v2;
	v38 =	vadd.s32 s11, v62;
	v58 =	vadd.s32 s12, v62;
	v62 =	vld [tilespmem:$0x1FFB0]  }
0x265: {  	v28 =	vor.u32 v27, v19;
	v9 =	vadd.s32 s12, v55;
	v53 =	vadd.s32 v17, v31;
	v10 =	vld.idx.msk [tilespmem:v10+s24+$0x0], $0xffff  }
0x266: {  	v27 =	vor.u32 v14, v18;
	v52 =	vadd.s32 s25, v6;
	v9 =	vadd.s32 v60, v9;
	v31 =	vld.idx.msk [tilespmem:v61+s24+$0x0], $0xffff  }
0x267: {  	v8 =	vor.u32 v29, v19;
	v54 =	vadd.s32 s28, v12;
	v32 =	vadd.s32 v20, v52;
	v3 =	vld.idx.msk [tilespmem:v3+s24+$0x0], $0xffff  }
0x268: {  	v29 =	vor.u32 v15, v22;
	v44 =	vadd.s32 s25, v23;
	v14 =	vadd.s32 v16, v54;
	v26 =	vld.idx.msk [tilespmem:v26+s24+$0x0], $0xffff  }
0x269: {  	v35 =	vadd.s32 s12, v2;
	v60 =	vadd.s32 s28, v7;
	v43 =	vadd.s32 s12, v7;
	v61 =	vld [tilespmem:$0x1FF10]  }
0x26a: {  	v55 =	vadd.s32 s25, v7;
	v7 =	vadd.s32 s11, v7;
	v48 =	vadd.s32 v62, v60;
	v59 =	vld.idx.msk [tilespmem:v53+s24+$0x0], $0xffff  }
0x26b: {  	v43 =	vadd.s32 v62, v43;
	v7 =	vadd.s32 v62, v7;
	v45 =	vld.idx.msk [tilespmem:v9+s24+$0x0], $0xffff;
	[tilespmem:v1+s26+$0x0] =	vst.idx.msk $0xffff, v10  }
0x26c: {  	v41 =	vadd.s32 s28, v6;
	v9 =	vadd.s32 v62, v55;
	v62 =	vadd.s32 s11, v12;
	v54 =	vld.idx.msk [tilespmem:v32+s24+$0x0], $0xffff;
	[tilespmem:v4+s26+$0x0] =	vst.idx.msk $0xffff, v3  }
0x26d: {  	v13 =	vadd.s32 s12, v11;
	v0 =	vadd.s32 s25, v12;
	v33 =	vadd.s32 v16, v62;
	v62 =	vld.idx.msk [tilespmem:v14+s24+$0x0], $0xffff;
	[tilespmem:v8+s26+$0x0] =	vst.idx.msk $0xffff, v26  }
0x26e: {  	v40 =	vadd.s32 s12, v12;
	v47 =	vadd.s32 s12, v6;
	v30 =	vadd.s32 v61, v30;
	v15 =	vld [tilespmem:$0x1FFD0]  }
0x26f: {  	v35 =	vadd.s32 v17, v35;
	v46 =	vadd.s32 v16, v0;
	v57 =	vadd.s32 v20, v41;
	v8 =	vld [tilespmem:$0x1FF10]  }
0x270: {  	v60 =	vadd.s32 s11, v2;
	v2 =	vadd.s32 s28, v2;
	v12 =	vadd.s32 s25, v11;
	v51 =	vld.idx.msk [tilespmem:v48+s24+$0x0], $0xffff  }
0x271: {  	v39 =	vadd.s32 v17, v60;
	v55 =	vld.idx.msk [tilespmem:v43+s24+$0x0], $0xffff;
	v10 =	vadd.s32 s11, v11;
	v61 =	vadd.s32 s11, v6  }
0x272: {  	v56 =	vld.idx.msk [tilespmem:v7+s24+$0x0], $0xffff;
	v6 =	vadd.s32 s28, v11;
	v26 =	vadd.s32 v16, v40;
	v40 =	vadd.s32 v17, v2  }
0x273: {  	v53 =	vld.idx.msk [tilespmem:v30+s24+$0x0], $0xffff;
	v30 =	vadd.s32 v20, v61;
	v48 =	vadd.s32 v15, v12;
	v32 =	vadd.s32 v15, v10  }
0x274: {  	s13 =	simm.s32 $0x0;
	s21 =	simm.s32 $0x380;
	s22 =	simm.s32 $0x7;
	v61 =	vadd.s32 v15, v6;
	v60 =	vadd.s32 v8, v38;
	v38 =	vld.idx.msk [tilespmem:v9+s24+$0x0], $0xffff;
	v52 =	vadd.s32 v15, v13  }
.LBB2_11:
0x275: {  	v43 =	vld [tilespmem:s10+$0x0]  }
0x276: {  	v41 =	vld [tilespmem:s10+$0x10]  }
0x277: {  	v20 =	vld [tilespmem:$0x1FF90]  }
0x278: {  	v7 =	vld.idx.msk [tilespmem:v46+s24+$0x0], $0xffff  }
0x279: {  	v46 =	vld [tilespmem:s10+$0x20]  }
0x27a: {  	v13 =	vld [tilespmem:$0x1FF30]  }
0x27b: {  	v0 =	vadd.s32 v8, v50;
	v11 =	vld [tilespmem:s10+$0x50]  }
0x27c: {  	v2 =	vadd.s32 v8, v58;
	v5 =	vadd.s32 s12, v23;
	v8 =	vadd.s32 s11, v23;
	v23 =	vld [tilespmem:s10+$0x60]  }
0x27d: {  	v17 =	vld [tilespmem:$0x1FF70]  }
0x27e: {  	v16 =	vld [tilespmem:$0x1FF50]  }
0x27f: {  	[tilespmem:v29+s26+$0x0] =	vst.idx.msk $0xffff, v31;
	v31 =	vld [tilespmem:$0x1FF20]  }
0x280: {  	v15 =	vld [tilespmem:$0x1FF60]  }
0x281: {  	[tilespmem:$0x1FDB0] =	vst v26;
	s0 =	sadd.s32 $0xFFFFFE80, s21;
	v42 =	vld [tilespmem:$0x1FF80]  }
0x282: {  	v3 =	vmov v21;
	[tilespmem:v37+s26+$0x0] =	vst.idx.msk $0xffff, v53;
	v21 =	vld [tilespmem:$0x1FFF0];
	v50 =	vmov s0  }
0x283: {  	s19 =	sadd.s32 $0xFFFFFF00, s21;
	v57 =	vld.idx.msk [tilespmem:v57+s24+$0x0], $0xffff;
	[tilespmem:$0x1FDC0] =	vst v3;
	v3 =	vshrl.u32 v50, $0x7  }
0x284: {  	[tilespmem:v36+s26+$0x0] =	vst.idx.msk $0xffff, v59;
	v52 =	vld.idx.msk [tilespmem:v52+s24+$0x0], $0xffff;
	s23 =	sand.u32 $0xC00, s0;
	s19 =	sand.u32 $0x280, s19;
	v3 =	vshll.u32 v3, v49  }
0x285: {  	v26 =	vlaneseq.u32;
	s25 =	sand.u32 $0x380, s21;
	v35 =	vld.idx.msk [tilespmem:v35+s24+$0x0], $0xffff;
	s0 =	sor.u32 s23, s19;
	s19 =	sadd.s32 $0xFFFFFF80, s21;
	[tilespmem:v34+s26+$0x0] =	vst.idx.msk $0xffff, v51;
	v3 =	vbroadcast v3, $0x0  }
0x286: {  	v53 =	vld [tilespmem:s10+$0x30];
	s28 =	sor.u32 s23, s25;
	v9 =	vmov s0;
	s0 =	sand.u32 $0x300, s19;
	v1 =	vor.u32 v26, v63;
	[tilespmem:v28+s26+$0x0] =	vst.idx.msk $0xffff, v62  }
0x287: {  	v10 =	vmov s28;
	v6 =	vmovc v63;
	v9 =	vshrl.u32 v9, $0x7;
	v51 =	vld [tilespmem:s10+$0x40];
	s0 =	sor.u32 s23, s0;
	[tilespmem:v27+s26+$0x0] =	vst.idx.msk $0xffff, v54;
	v12 =	vor.u32 v17, v3  }
0x288: {  	v58 =	vmovc v25;
	v4 =	vadd.s32 v20, v44;
	v44 =	vld [tilespmem:s10+$0x70];
	v14 =	vor.u32 v31, v6;
	[tilespmem:$0x1FDD0] =	vst v12;
	v12 =	vmov s0  }
0x289: {  	v10 =	vshrl.u32 v10, $0x7;
	v54 =	vmovc v32;
	v5 =	vadd.s32 v20, v5;
	[tilespmem:$0x1FDE0] =	vst v14;
	v14 =	vld [tilespmem:$0x1FF40];
	v12 =	vshrl.u32 v12, $0x7  }
0x28a: {  	[tilespmem:v24+s26+$0x0] =	vst.idx.msk $0xffff, v7;
	v24 =	vor.u32 v13, v19;
	v7 =	vshll.u32 v12, v49;
	v12 =	vld.idx.msk [tilespmem:v61+s24+$0x0], $0xffff  }
0x28b: {  	v28 =	vld.idx.msk [tilespmem:v60+s24+$0x0], $0xffff;
	v9 =	vshll.u32 v9, v49;
	v10 =	vshll.u32 v10, v49;
	v37 =	vor.u32 v17, v6  }
0x28c: {  	v32 =	vmovc v30;
	v27 =	vor.u32 v15, v22;
	v2 =	vld.idx.msk [tilespmem:v2+s24+$0x0], $0xffff;
	v36 =	vor.u32 v15, v6;
	v7 =	vbroadcast v7, $0x0  }
0x28d: {  	v0 =	vld.idx.msk [tilespmem:v0+s24+$0x0], $0xffff;
	v50 =	vor.u32 v16, v19;
	[tilespmem:v58+s26+$0x0] =	vst.idx.msk $0xffff, v38;
	v30 =	vor.u32 v13, v3  }
0x28e: {  	v49 =	vld [tilespmem:$0x1FFA0];
	v25 =	vadd.s32 s22, v44;
	v29 =	vor.u32 v14, v18;
	[tilespmem:$0x1FDF0] =	vst v7;
	v7 =	vor.u32 v15, v18  }
0x28f: {  	v18 =	vmov v3;
	v3 =	vadd.s32 v21, v25;
	[tilespmem:v24+s26+$0x0] =	vst.idx.msk $0xffff, v12;
	v12 =	vor.u32 v42, v19;
	v19 =	vld [tilespmem:$0x1FE00]  }
0x290: {  	v62 =	vor.u32 v13, v22;
	v8 =	vadd.s32 v20, v8;
	[tilespmem:v1+s26+$0x0] =	vst.idx.msk $0xffff, v55;
	v4 =	vld.idx.msk [tilespmem:v4+s24+$0x0], $0xffff  }
0x291: {  	v60 =	vor.u32 v42, v22;
	v9 =	vbroadcast v9, $0x0;
	[tilespmem:v36+s26+$0x0] =	vst.idx.msk $0xffff, v2;
	v2 =	vld.idx.msk [tilespmem:v39+s24+$0x0], $0xffff  }
0x292: {  	v10 =	vbroadcast v10, $0x0;
	v1 =	vor.u32 v31, v22;
	[tilespmem:v37+s26+$0x0] =	vst.idx.msk $0xffff, v45;
	v5 =	vld.idx.msk [tilespmem:v5+s24+$0x0], $0xffff  }
0x293: {  	[tilespmem:v27+s26+$0x0] =	vst.idx.msk $0xffff, v28;
	v28 =	vor.u32 v31, v9;
	v61 =	vadd.s32 v49, v47;
	v47 =	vld.idx.msk [tilespmem:v48+s24+$0x0], $0xffff  }
0x294: {  	[tilespmem:v50+s26+$0x0] =	vst.idx.msk $0xffff, v57;
	v63 =	vor.u32 v14, v6;
	v24 =	vor.u32 v31, v18;
	v31 =	vld.idx.msk [tilespmem:v3+s24+$0x0], $0xffff  }
0x295: {  	s12 =	sadd.s32 $0xFFFFFFFF, s22;
	s25 =	sadd.s32 $0xFFFFFFFD, s22;
	v48 =	vor.u32 v16, v22;
	v22 =	vor.u32 v14, v22;
	v3 =	vor.u32 v14, v9;
	v14 =	vld [tilespmem:$0x1FDB0]  }
0x296: {  	s28 =	sadd.s32 $0xFFFFFFFE, s22;
	v58 =	vadd.s32 s12, v11;
	v37 =	vor.u32 v15, v9;
	v50 =	vadd.s32 s25, v11;
	v15 =	vld [tilespmem:$0x1FFC0];
	[tilespmem:v60+s26+$0x0] =	vst.idx.msk $0xffff, v2  }
0x297: {  	v39 =	vadd.s32 s28, v11;
	v60 =	vadd.s32 s22, v11;
	v11 =	vld [tilespmem:$0x1FF10];
	[tilespmem:v19+s26+$0x0] =	vst.idx.msk $0xffff, v56;
	v19 =	vor.u32 v26, v10  }
0x298: {  	v59 =	vor.u32 v16, v6;
	v27 =	vor.u32 v16, v18;
	v16 =	vld [tilespmem:$0x1FFE0];
	[tilespmem:v29+s26+$0x0] =	vst.idx.msk $0xffff, v4  }
0x299: {  	v34 =	vor.u32 v26, v9;
	v55 =	vor.u32 v17, v9;
	[tilespmem:v63+s26+$0x0] =	vst.idx.msk $0xffff, v5;
	v5 =	vld.idx.msk [tilespmem:v33+s24+$0x0], $0xffff  }
0x29a: {  	v45 =	vor.u32 v42, v6;
	v29 =	vor.u32 v17, v10;
	v17 =	vld [tilespmem:$0x1FDC0];
	[tilespmem:$0x1FE00] =	vst v19;
	v19 =	vmovc v9;
	v9 =	vadd.s32 s28, v44  }
0x29b: {  	[tilespmem:v7+s26+$0x0] =	vst.idx.msk $0xffff, v0;
	v0 =	vor.u32 v13, v6;
	v6 =	vld.idx.msk [tilespmem:v8+s24+$0x0], $0xffff;
	v9 =	vadd.s32 v21, v9  }
0x29c: {  	v63 =	vadd.s32 s28, v23;
	v7 =	vld.idx.msk [tilespmem:v40+s24+$0x0], $0xffff;
	v11 =	vadd.s32 v11, v39  }
0x29d: {  	v33 =	vadd.s32 v20, v63;
	v63 =	vld.idx.msk [tilespmem:v14+s24+$0x0], $0xffff  }
0x29e: {  	v36 =	vor.u32 v42, v18;
	v4 =	vadd.s32 s12, v44;
	v14 =	vld [tilespmem:$0x1FFB0]  }
0x29f: {  	v2 =	vadd.s32 s28, v53;
	v4 =	vadd.s32 v21, v4;
	v8 =	vadd.s32 s25, v44;
	v38 =	vld.idx.msk [tilespmem:v61+s24+$0x0], $0xffff;
	[tilespmem:v1+s26+$0x0] =	vst.idx.msk $0xffff, v5  }
0x2a0: {  	v40 =	vadd.s32 s25, v51;
	v8 =	vadd.s32 v21, v8;
	v39 =	vadd.s32 s22, v53;
	[tilespmem:v22+s26+$0x0] =	vst.idx.msk $0xffff, v6;
	v9 =	vld.idx.msk [tilespmem:v9+s24+$0x0], $0xffff  }
0x2a1: {  	v6 =	vadd.s32 s25, v53;
	v56 =	vadd.s32 s12, v53;
	[tilespmem:v12+s26+$0x0] =	vst.idx.msk $0xffff, v7;
	v7 =	vadd.s32 s25, v43;
	v53 =	vld.idx.msk [tilespmem:v11+s24+$0x0], $0xffff  }
0x2a2: {  	v22 =	vmovc v10;
	v10 =	vadd.s32 s28, v43;
	v12 =	vadd.s32 v49, v40;
	v40 =	vadd.s32 s22, v43;
	v21 =	vmovc v30;
	v30 =	vld.idx.msk [tilespmem:v32+s24+$0x0], $0xffff  }
0x2a3: {  	v42 =	vadd.s32 v16, v6;
	v32 =	vld.idx.msk [tilespmem:v54+s24+$0x0], $0xffff;
	v54 =	vadd.s32 s12, v43;
	v10 =	vadd.s32 v14, v10  }
0x2a4: {  	v61 =	vadd.s32 v14, v54;
	v7 =	vadd.s32 v14, v7;
	v11 =	vadd.s32 v14, v40;
	v14 =	vld [tilespmem:$0x1FDD0]  }
0x2a5: {  	[tilespmem:v55+s26+$0x0] =	vst.idx.msk $0xffff, v9;
	v9 =	vld [tilespmem:$0x1FFD0]  }
0x2a6: {  	v5 =	vld.idx.msk [tilespmem:v33+s24+$0x0], $0xffff;
	[tilespmem:v0+s26+$0x0] =	vst.idx.msk $0xffff, v52;
	v52 =	vadd.s32 s28, v41  }
0x2a7: {  	[tilespmem:v45+s26+$0x0] =	vst.idx.msk $0xffff, v35;
	v45 =	vld.idx.msk [tilespmem:v4+s24+$0x0], $0xffff;
	v1 =	vadd.s32 v15, v52  }
0x2a8: {  	v57 =	vadd.s32 s28, v51;
	v8 =	vld.idx.msk [tilespmem:v8+s24+$0x0], $0xffff;
	[tilespmem:v59+s26+$0x0] =	vst.idx.msk $0xffff, v38  }
0x2a9: {  	v59 =	vld.idx.msk [tilespmem:v42+s24+$0x0], $0xffff;
	v42 =	vadd.s32 s22, v51;
	[tilespmem:v48+s26+$0x0] =	vst.idx.msk $0xffff, v30;
	v30 =	vadd.s32 s25, v46  }
0x2aa: {  	v57 =	vadd.s32 v49, v57;
	v48 =	vadd.s32 v9, v30;
	v30 =	vadd.s32 v49, v42;
	v49 =	vld [tilespmem:$0x1FDE0]  }
0x2ab: {  	v54 =	vld.idx.msk [tilespmem:v12+s24+$0x0], $0xffff  }
0x2ac: {  	[tilespmem:v62+s26+$0x0] =	vst.idx.msk $0xffff, v32;
	v62 =	vld.idx.msk [tilespmem:v1+s24+$0x0], $0xffff  }
0x2ad: {  	s13 =	sadd.s32 $0x20, s13;
	v25 =	vor.u32 v26, v18;
	v55 =	vld.idx.msk [tilespmem:v61+s24+$0x0], $0xffff;
	[tilespmem:v14+s26+$0x0] =	vst.idx.msk $0xffff, v8;
	v8 =	vadd.s32 s28, v46  }
0x2ae: {  	p1 =	slt.u32 s13, $0xE0;
	v39 =	vadd.s32 v16, v39;
	v4 =	vadd.s32 s22, v46;
	v61 =	vadd.s32 v9, v8;
	v8 =	vld [tilespmem:$0x1FF10]  }
.Ltmp6:
0x2af: {  	v0 =	vadd.s32 s25, v41;
	v26 =	vadd.s32 s12, v41;
	[tilespmem:v17+s26+$0x0] =	vst.idx.msk $0xffff, v47;
	v47 =	vadd.s32 s12, v51;
	v51 =	vld.idx.msk [tilespmem:v10+s24+$0x0], $0xffff;
	(pc) =	sbr.rel @p1 .LBB2_11-.Ltmp6, $4  }
0x2b0: {  	v6 =	vadd.s32 s12, v46;
	v35 =	vadd.s32 v16, v56;
	v43 =	vadd.s32 s22, v41;
	v56 =	vld.idx.msk [tilespmem:v11+s24+$0x0], $0xffff  }
0x2b1: {  	v13 =	vlaneseq.u32;
	v26 =	vadd.s32 v15, v26;
	[tilespmem:v3+s26+$0x0] =	vst.idx.msk $0xffff, v5;
	v33 =	vadd.s32 v15, v43;
	v38 =	vld.idx.msk [tilespmem:v7+s24+$0x0], $0xffff  }
0x2b2: {  	v44 =	vadd.s32 s25, v23;
	v40 =	vadd.s32 v16, v2;
	v46 =	vadd.s32 v15, v0;
	[tilespmem:v49+s26+$0x0] =	vst.idx.msk $0xffff, v63;
	v63 =	vld [tilespmem:$0x1FDF0]  }
0x2b3: {  	s11 =	smov.u32 s22;
	s21 =	sadd.s32 $0x200, s21;
	s22 =	sadd.s32 $0x4, s22;
	v32 =	vadd.s32 v9, v4;
	v52 =	vadd.s32 v9, v6;
	v60 =	vadd.s32 v8, v60;
	v49 =	vld [tilespmem:$0x1FF00]  }
0x2b4: {  	v17 =	vld [tilespmem:$0x1FFF0]  }
0x2b5: {  	v41 =	vld [tilespmem:$0x1FFE0]  }
0x2b6: {  	v16 =	vld [tilespmem:$0x1FFD0]  }
0x2b7: {  	v14 =	vld [tilespmem:$0x1FFC0]  }
0x2b8: {  	v42 =	vld [tilespmem:$0x1FFB0];
	[tilespmem:v37+s26+$0x0] =	vst.idx.msk $0xffff, v53  }
0x2b9: {  	[tilespmem:v34+s26+$0x0] =	vst.idx.msk $0xffff, v51  }
0x2ba: {  	[tilespmem:v36+s26+$0x0] =	vst.idx.msk $0xffff, v59  }
0x2bb: {  	v36 =	vld [tilespmem:$0x1FF90];
	[tilespmem:v28+s26+$0x0] =	vst.idx.msk $0xffff, v62  }
0x2bc: {  	v34 =	vld [tilespmem:$0x1FF70];
	[tilespmem:v27+s26+$0x0] =	vst.idx.msk $0xffff, v54  }
0x2bd: {  	v27 =	vld [tilespmem:$0x1FF30];
	_ =	sdelay $0x1  }
0x2be: {  	v0 =	vor.u32 v13, v63  }
0x2bf: {  	v3 =	vld.idx.msk [tilespmem:v46+s24+$0x0], $0xffff  }
0x2c0: {  	v5 =	vor.u32 v34, v63  }
0x2c1: {  	v1 =	vadd.s32 v8, v50;
	v2 =	vadd.s32 v8, v58;
	v7 =	vld.idx.msk [tilespmem:v61+s24+$0x0], $0xffff;
	v8 =	vor.u32 v27, v19  }
0x2c2: {  	[tilespmem:v29+s26+$0x0] =	vst.idx.msk $0xffff, v31  }
0x2c3: {  	[tilespmem:v0+s26+$0x0] =	vst.idx.msk $0xffff, v55  }
0x2c4: {  	v28 =	vld [tilespmem:$0x1FF60];
	[tilespmem:v24+s26+$0x0] =	vst.idx.msk $0xffff, v3  }
0x2c5: {  	v62 =	vld [tilespmem:$0x1FF40];
	[tilespmem:v5+s26+$0x0] =	vst.idx.msk $0xffff, v45  }
0x2c6: {  	[tilespmem:v8+s26+$0x0] =	vst.idx.msk $0xffff, v7  }
0x2c7: {  	v8 =	vld [tilespmem:$0x1FE00]  }
0x2c8: {  	v4 =	vadd.s32 v36, v44;
	_ =	sdelay $0x2  }
0x2c9: {  	v9 =	vld.idx.msk [tilespmem:v60+s24+$0x0], $0xffff;
	v0 =	vor.u32 v28, v22  }
0x2ca: {  	v6 =	vadd.s32 s12, v23;
	v1 =	vld.idx.msk [tilespmem:v1+s24+$0x0], $0xffff;
	v3 =	vor.u32 v28, v18  }
0x2cb: {  	v6 =	vadd.s32 v36, v6;
	v4 =	vld.idx.msk [tilespmem:v4+s24+$0x0], $0xffff;
	v11 =	vor.u32 v62, v18;
	_ =	sdelay $0x1  }
0x2cc: {  	[tilespmem:v8+s26+$0x0] =	vst.idx.msk $0xffff, v56  }
0x2cd: {  	v18 =	vld [tilespmem:$0x1FF50];
	[tilespmem:v0+s26+$0x0] =	vst.idx.msk $0xffff, v9  }
0x2ce: {  	v10 =	vadd.s32 s11, v23;
	v2 =	vld.idx.msk [tilespmem:v2+s24+$0x0], $0xffff;
	[tilespmem:v3+s26+$0x0] =	vst.idx.msk $0xffff, v1  }
0x2cf: {  	v6 =	vld.idx.msk [tilespmem:v6+s24+$0x0], $0xffff;
	v5 =	vadd.s32 v36, v10;
	[tilespmem:v11+s26+$0x0] =	vst.idx.msk $0xffff, v4  }
0x2d0: {  	v10 =	vor.u32 v28, v63;
	v24 =	vld [tilespmem:$0x1FFA0]  }
0x2d1: {  	v7 =	vor.u32 v62, v63;
	v20 =	vld [tilespmem:$0x1FF80];
	_ =	sdelay $0x1  }
0x2d2: {  	v12 =	vld.idx.msk [tilespmem:v57+s24+$0x0], $0xffff;
	v8 =	vor.u32 v18, v19  }
0x2d3: {  	v1 =	vld.idx.msk [tilespmem:v5+s24+$0x0], $0xffff  }
0x2d4: {  	v0 =	vor.u32 v62, v22;
	v5 =	vld.idx.msk [tilespmem:v52+s24+$0x0], $0xffff;
	[tilespmem:v10+s26+$0x0] =	vst.idx.msk $0xffff, v2;
	v3 =	vadd.s32 v24, v47  }
0x2d5: {  	v2 =	vld.idx.msk [tilespmem:v39+s24+$0x0], $0xffff;
	[tilespmem:v7+s26+$0x0] =	vst.idx.msk $0xffff, v6;
	v4 =	vor.u32 v20, v22  }
0x2d6: {  	v9 =	vor.u32 v27, v63;
	v7 =	vld.idx.msk [tilespmem:v40+s24+$0x0], $0xffff;
	[tilespmem:v25+s26+$0x0] =	vst.idx.msk $0xffff, v38  }
0x2d7: {  	v10 =	vld.idx.msk [tilespmem:v35+s24+$0x0], $0xffff;
	v6 =	vor.u32 v20, v19;
	[tilespmem:v8+s26+$0x0] =	vst.idx.msk $0xffff, v12  }
0x2d8: {  	v8 =	vor.u32 v20, v63;
	v15 =	vld [tilespmem:$0x1FF20]  }
0x2d9: {  	[tilespmem:v0+s26+$0x0] =	vst.idx.msk $0xffff, v1;
	v0 =	vor.u32 v18, v63;
	v1 =	vld.idx.msk [tilespmem:v3+s24+$0x0], $0xffff  }
0x2da: {  	[tilespmem:v4+s26+$0x0] =	vst.idx.msk $0xffff, v2;
	v2 =	vor.u32 v27, v22;
	v3 =	vld.idx.msk [tilespmem:v32+s24+$0x0], $0xffff  }
0x2db: {  	[tilespmem:v9+s26+$0x0] =	vst.idx.msk $0xffff, v5;
	v4 =	vld.idx.msk [tilespmem:v48+s24+$0x0], $0xffff  }
0x2dc: {  	[tilespmem:v6+s26+$0x0] =	vst.idx.msk $0xffff, v7;
	v5 =	vor.u32 v18, v22;
	v6 =	vld.idx.msk [tilespmem:v30+s24+$0x0], $0xffff  }
0x2dd: {  	v12 =	vld.idx.msk [tilespmem:v33+s24+$0x0], $0xffff;
	[tilespmem:v8+s26+$0x0] =	vst.idx.msk $0xffff, v10;
	v11 =	vor.u32 v15, v22  }
0x2de: {  	s0 =	sadd.s32 s5, s6;
	v8 =	vld.idx.msk [tilespmem:v26+s24+$0x0], $0xffff;
	v7 =	vor.u32 v15, v63;
	[tilespmem:v0+s26+$0x0] =	vst.idx.msk $0xffff, v1  }
0x2df: {  	s6 =	sshll.u32 s0, $0x2;
	[tilespmem:v2+s26+$0x0] =	vst.idx.msk $0xffff, v3  }
0x2e0: {  	s0 =	sand.u32 $0x7F, s0;
	s6 =	sand.u32 $0x3FFE00, s6;
	[tilespmem:v21+s26+$0x0] =	vst.idx.msk $0xffff, v4  }
0x2e1: {  	s0 =	sor.u32 s0, s6;
	[tilespmem:v5+s26+$0x0] =	vst.idx.msk $0xffff, v6  }
0x2e2: {  	s0 =	sshll.u32 s0, $0x7;
	[tilespmem:v11+s26+$0x0] =	vst.idx.msk $0xffff, v12  }
0x2e3: {  	s19 =	sadd.s32 s2, s0;
	[tilespmem:v7+s26+$0x0] =	vst.idx.msk $0xffff, v8  }
0x2e4: {  	[hbm4b:s19+s3] =	stream.linear.scatter [tilespmem:s26], [sflag:$0x6], $0x400, $0x38;
	[tilespmem:$0x1E800] =	vst v63  }
0x2e5: {  	s10 =	simm.s32 $0x1DC00;
	s21 =	sadd.s32 s0, s7  }
0x2e6: {  	[hbm4b:s21+s3] =	stream.linear.scatter [tilespmem:s10], [sflag:$0x6], $0x400, $0x38;
	[tilespmem:$0x1E800] =	vst v63  }
.Ltmp7:
0x2e7: {  	_ = 	snop;
	(pc) =	sbr.rel @p0 .LBB2_14-.Ltmp7, $4  }
0x2e8: {  	s23 =	simm.s32 $0x1E000;
	s22 =	sadd.s32 s0, s8  }
0x2e9: {  	[hbm4b:s22+s3] =	stream.linear.scatter [tilespmem:s23], [sflag:$0x6], $0x400, $0x38;
	[tilespmem:$0x1E800] =	vst v63  }
0x2ea: {  	s25 =	simm.s32 $0x1E400;
	s28 =	simm.s32 $0x80;
	s0 =	sadd.s32 s0, s9;
	v9 =	vmovc v62;
	v0 =	vlaneseq.u32;
	v1 =	vmov v27;
	v3 =	vmov v20  }
0x2eb: {  	v4 =	vmovc v24;
	v5 =	vmovc v18;
	v6 =	vmov v28;
	v7 =	vmov v36;
	v11 =	vmov v34;
	[hbm4b:s0+s3] =	stream.linear.scatter [tilespmem:s25], [sflag:$0x6], $0x400, $0x38;
	[tilespmem:$0x1E800] =	vst v63  }
.Ltmp8:
0x2ec: {  	(pc) =	sbr.rel .LBB2_4-.Ltmp8, $3  }
0x2ed: {  	_ =	sdelay $0x1  }
0x2ee: {  	s0 =	sadd.s32 $0x6700, s17;
	s15 =	sadd.s32 $0x1, s15  }
0x2ef: {  	v12 =	vmov v42;
	v2 =	vmov v41;
	v8 =	vld [tilespmem:$0x1FF10];
	v10 =	vmov v17;
	[tilespmem:s18], [sflag:$0x3] =	stream.indirect.gather [hbm4b:s4+s28], $0x80, s0, s28, $0xb8  }
.LBB2_15:
0x2f0: {  	_ =	sfence.sel $0x180000  }
0x2f1: {  	[bflag:$0x0] =	sbarrier.arrive $0xFFFF  }
0x2f2: {  	_ =	strace $0x90000047  }
0x2f3: {  	s0 =	stileid.u32;
	[bflag:$0x2] =	sbarrier.arrive $0xFFFF  }
0x2f4: {  	p0 =	sne.s32 s0, $0x0;
	s0 =	rddreg [dreg:$0x2]  }
0x2f5: {  	s0 =	sadd.s32 @!p0 $0x100000, s0  }
0x2f6: {  	[sflag:s0] =	ssyncadd.tile.s32 @!p0 $0x1;
	_ =	shalt  }
.Lfunc_end2:
_tile_overlayer_lowered:
.L_overlay_start_2:
0x2f7: {  	(tag) =	ssettag $0x2  }
0x2f8: {  	s0 =	rddreg [dreg:$0x0];
	s2 =	stileid.u32  }
0x2f9: {  	s1 =	rddreg [dreg:$0x1];
	p0 =	sne.s32 s2, $0x0  }
0x2fa: {  	s3 =	rddreg [dreg:$0x2];
	[bflag:$0x3] =	sbarrier.arrive $0xFFFF;
	s2 =	simm.s32 @!p0 $0x1C07  }
0x2fb: {  	[timem:s3], [sflag:s2] =	dma.local @!p0 [hbm:s0], s1  }
0x2fc: {  	s0 =	simm.s32 @!p0 $0x7  }
0x2fd: {  	_ =	swait.ge @!p0 [sflag:s0], s1  }
0x2fe: {  	s1 =	ssub.s32 @!p0 $0x0, s1;
	[sflag:s0] =	ssyncset.done @!p0 $0x0  }
0x2ff: {  	[sflag:s0] =	ssyncadd.s32 @!p0 s1  }
0x300: {  	[bflag:$0x3] =	sbarrier.arrive $0xFFFF  }
0x301: {  	_ =	shalt  }

</sc_bundles>
